<compile_context>
chip_gen: v7x
topology: tpu7x:2x2x1
jax: 0.10.2.dev20260603
libtpu: 0.0.44.dev20260713+nightly
codegen_flags: <defaults>
</compile_context>

<pallas_src>
import functools

import jax
import jax.numpy as jnp
from jax import lax
from jax.experimental import pallas as pl
from jax.experimental.pallas import tpu as pltpu
from jax.experimental.pallas import tpu_sc as plsc

N = 100000
E = 6400000
NC = 2
NS = 16
NW = NC * NS
L = 16

EPT = E // NW
B = 4000
NCHUNK = EPT // B
NPAIR = NCHUNK // 2

SL = 6272
SLAST = N - 15 * SL
CL = 1568
CLAST = SLAST - 3 * CL

CPACK = 4096.0

CB_ROWS = 3136
CB_GROUPS = CB_ROWS // L

_mesh = plsc.VectorSubcoreMesh(core_axis_name="c", subcore_axis_name="s")
_cparams = pltpu.CompilerParams(needs_layout_passes=False,
                                use_tc_tiling_on_sc=False)


def _iota16():
    return lax.iota(jnp.int32, L)


def _full16(v, dtype=jnp.int32):
    return jnp.full((L,), v, dtype=dtype)


@functools.partial(
    pl.kernel,
    out_type=jax.ShapeDtypeStruct((NC * 3 * N,), jnp.float32),
    mesh=_mesh,
    compiler_params=_cparams,
    scratch_types=[
        [pltpu.VMEM((1, B), jnp.int32)] * 2,
        [pltpu.VMEM((1, B), jnp.int32)] * 2,
        [pltpu.VMEM((1, B), jnp.int32)] * 2,
        [pltpu.VMEM((B,), jnp.float32)] * 2,
        [pltpu.VMEM((B,), jnp.float32)] * 2,
        [pltpu.VMEM((B,), jnp.float32)] * 2,
        [pltpu.VMEM((B,), jnp.float32)] * 2,
        [pltpu.VMEM((B,), jnp.float32)] * 2,
        [pltpu.VMEM((B,), jnp.float32)] * 2,
        [pltpu.VMEM((B,), jnp.float32)] * 2,
        pltpu.VMEM((CL,), jnp.float32),
        pltpu.VMEM((CL,), jnp.float32),
        pltpu.VMEM((CL,), jnp.float32),
        pltpu.VMEM((CL,), jnp.float32),
        pltpu.VMEM_SHARED((N,), jnp.float32),
        pltpu.VMEM_SHARED((N,), jnp.float32),
        pltpu.VMEM_SHARED((N,), jnp.float32),
        pltpu.VMEM_SHARED((N,), jnp.float32),
        pltpu.SemaphoreType.DMA,
        pltpu.SemaphoreType.DMA,
        pltpu.SemaphoreType.DMA,
    ],
)
def _edge_pass(xvx, xvy, xp, src, dst, a0, a1, zslice, part,
               srcb, dstb, sidx, a0b, a1b, wsrc, wdst, valx, valy, valc,
               xvxb, xvyb, xpb, tbuf, stbl, accX, accY, accC,
               isem, gsem, ssem):
    cid = lax.axis_index("c")
    sid = lax.axis_index("s")
    wid = cid * NS + sid
    iota = _iota16()
    onef = _full16(1.0, jnp.float32)
    zerof = _full16(0.0, jnp.float32)
    cpackf = _full16(CPACK, jnp.float32)

    r0 = sid * SL

    @pl.when(sid < 15)
    def _():
        pltpu.sync_copy(zslice, accX.at[pl.ds(r0, SL)])
        pltpu.sync_copy(zslice, accY.at[pl.ds(r0, SL)])
        pltpu.sync_copy(zslice, accC.at[pl.ds(r0, SL)])

    @pl.when(sid == 15)
    def _():
        pltpu.sync_copy(zslice.at[pl.ds(0, SLAST)], accX.at[pl.ds(r0, SLAST)])
        pltpu.sync_copy(zslice.at[pl.ds(0, SLAST)], accY.at[pl.ds(r0, SLAST)])
        pltpu.sync_copy(zslice.at[pl.ds(0, SLAST)], accC.at[pl.ds(r0, SLAST)])

    def _node_chunk(n0, rows):
        pltpu.sync_copy(xvx.at[pl.ds(n0, rows)], xvxb.at[pl.ds(0, rows)])
        pltpu.sync_copy(xvy.at[pl.ds(n0, rows)], xvyb.at[pl.ds(0, rows)])
        pltpu.sync_copy(xp.at[pl.ds(n0, rows)], xpb.at[pl.ds(0, rows)])

        def _group(j, _):
            lanes = j * L + iota
            vx = plsc.load_gather(xvxb, [lanes])
            vy = plsc.load_gather(xvyb, [lanes])
            p = plsc.load_gather(xpb, [lanes])
            w = plsc.bitcast(
                plsc.pack(vx * p, vy * p, format=plsc.PackFormat.INTERLEAVED),
                jnp.float32)
            plsc.store_scatter(tbuf, [lanes], w)
            return 0

        lax.fori_loop(0, rows // L, _group, 0)
        pltpu.sync_copy(tbuf.at[pl.ds(0, rows)], stbl.at[pl.ds(n0, rows)])

    def _three(k, _):
        _node_chunk(r0 + k * CL, CL)
        return 0

    lax.fori_loop(0, 3, _three, 0)

    @pl.when(sid < 15)
    def _():
        _node_chunk(r0 + 3 * CL, CL)

    @pl.when(sid == 15)
    def _():
        _node_chunk(r0 + 3 * CL, CLAST)

    plsc.subcore_barrier()

    e_base = wid * EPT
    zero16 = _full16(0)

    def _in_start(s, t):
        e0 = e_base + t * B
        pltpu.async_copy(src.at[pl.ds(e0, B)], srcb[s].at[0], isem)
        pltpu.async_copy(dst.at[pl.ds(e0, B)], dstb[s].at[0], isem)
        pltpu.async_copy(a0.at[pl.ds(e0, B)], a0b[s], isem)
        pltpu.async_copy(a1.at[pl.ds(e0, B)], a1b[s], isem)

    def _in_wait(s):
        pltpu.make_async_copy(src.at[pl.ds(0, B)], srcb[s].at[0], isem).wait()
        pltpu.make_async_copy(dst.at[pl.ds(0, B)], dstb[s].at[0], isem).wait()
        pltpu.make_async_copy(a0.at[pl.ds(0, B)], a0b[s], isem).wait()
        pltpu.make_async_copy(a1.at[pl.ds(0, B)], a1b[s], isem).wait()

    def _scatter_start(s):
        pltpu.make_async_copy(valx[s], accX.at[sidx[s].at[0]], ssem).start(add=True)
        pltpu.make_async_copy(valy[s], accY.at[sidx[s].at[0]], ssem).start(add=True)
        pltpu.make_async_copy(valc[s], accC.at[sidx[s].at[0]], ssem).start(add=True)

    def _scatter_wait(s):
        pltpu.make_async_copy(valx[s], accX.at[sidx[s].at[0]], ssem).wait()
        pltpu.make_async_copy(valy[s], accY.at[sidx[s].at[0]], ssem).wait()
        pltpu.make_async_copy(valc[s], accC.at[sidx[s].at[0]], ssem).wait()

    def _compute(s):
        def _group(j, _):
            lanes = j * L + iota
            av0 = plsc.load_gather(a0b[s], [lanes])
            av1 = plsc.load_gather(a1b[s], [lanes])
            ws = plsc.load_gather(wsrc[s], [lanes])
            wd = plsc.load_gather(wdst[s], [lanes])
            dv = plsc.load_gather(dstb[s], [zero16, lanes])
            pxs, pys = plsc.unpack(plsc.bitcast(ws, jnp.bfloat16),
                                   format=plsc.PackFormat.INTERLEAVED)
            pxd, pyd = plsc.unpack(plsc.bitcast(wd, jnp.bfloat16),
                                   format=plsc.PackFormat.INTERLEAVED)
            m0 = av0 != 0.0
            m1 = av1 != 0.0
            v0 = jnp.where(m0, (pxd - pxs) / jnp.where(m0, av0, onef), zerof)
            v1 = jnp.where(m1, (pyd - pys) / jnp.where(m1, av1, onef), zerof)
            cw = (jnp.where(m0, onef, zerof)
                  + cpackf * jnp.where(m1, onef, zerof))
            plsc.store_scatter(valx[s], [lanes], v0)
            plsc.store_scatter(valy[s], [lanes], v1)
            plsc.store_scatter(valc[s], [lanes], cw)
            plsc.store_scatter(sidx[s], [zero16, lanes], dv)
            return 0

        lax.fori_loop(0, B // L, _group, 0)

    _in_start(0, 0)

    def _pair(k, _):
        t0 = 2 * k
        _in_start(1, t0 + 1)
        _in_wait(0)
        g1 = pltpu.async_copy(stbl.at[srcb[0].at[0]], wsrc[0], gsem)
        g2 = pltpu.async_copy(stbl.at[dstb[0].at[0]], wdst[0], gsem)

        @pl.when(k > 0)
        def _():
            _scatter_wait(0)

        g1.wait()
        g2.wait()
        _compute(0)
        _scatter_start(0)

        _in_wait(1)
        g3 = pltpu.async_copy(stbl.at[srcb[1].at[0]], wsrc[1], gsem)
        g4 = pltpu.async_copy(stbl.at[dstb[1].at[0]], wdst[1], gsem)

        @pl.when(k < NPAIR - 1)
        def _():
            _in_start(0, t0 + 2)

        @pl.when(k > 0)
        def _():
            _scatter_wait(1)

        g3.wait()
        g4.wait()
        _compute(1)
        _scatter_start(1)
        return 0

    lax.fori_loop(0, NPAIR, _pair, 0)
    _scatter_wait(0)
    _scatter_wait(1)

    plsc.subcore_barrier()

    p_base = cid * 3 * N

    @pl.when(sid < 15)
    def _():
        pltpu.sync_copy(accX.at[pl.ds(r0, SL)], part.at[pl.ds(p_base + r0, SL)])
        pltpu.sync_copy(accY.at[pl.ds(r0, SL)],
                        part.at[pl.ds(p_base + N + r0, SL)])
        pltpu.sync_copy(accC.at[pl.ds(r0, SL)],
                        part.at[pl.ds(p_base + 2 * N + r0, SL)])

    @pl.when(sid == 15)
    def _():
        pltpu.sync_copy(accX.at[pl.ds(r0, SLAST)],
                        part.at[pl.ds(p_base + r0, SLAST)])
        pltpu.sync_copy(accY.at[pl.ds(r0, SLAST)],
                        part.at[pl.ds(p_base + N + r0, SLAST)])
        pltpu.sync_copy(accC.at[pl.ds(r0, SLAST)],
                        part.at[pl.ds(p_base + 2 * N + r0, SLAST)])


@functools.partial(
    pl.kernel,
    out_type=jax.ShapeDtypeStruct((N,), jnp.float32),
    mesh=_mesh,
    compiler_params=_cparams,
    scratch_types=[
        pltpu.VMEM((CB_ROWS,), jnp.float32),
        pltpu.VMEM((CB_ROWS,), jnp.float32),
        pltpu.VMEM((CB_ROWS,), jnp.float32),
        pltpu.VMEM((CB_ROWS,), jnp.float32),
        pltpu.VMEM((CB_ROWS,), jnp.float32),
        pltpu.VMEM((CB_ROWS,), jnp.float32),
        pltpu.VMEM((CB_ROWS,), jnp.float32),
        pltpu.VMEM((CB_ROWS,), jnp.float32),
        pltpu.VMEM((CB_ROWS,), jnp.float32),
        pltpu.VMEM((L,), jnp.float32),
    ],
)
def _combine(part, xp, xpp, dt16, out,
             sx0, sx1, sy0, sy1, sc0, sc1, pb, ppb, outb, dtb):
    cid = lax.axis_index("c")
    sid = lax.axis_index("s")
    wid = cid * NS + sid
    iota = _iota16()
    r0 = wid * CB_ROWS
    last_rows = N - 31 * CB_ROWS

    pltpu.sync_copy(dt16, dtb)

    def _load(rows):
        pltpu.sync_copy(part.at[pl.ds(r0, rows)], sx0.at[pl.ds(0, rows)])
        pltpu.sync_copy(part.at[pl.ds(3 * N + r0, rows)], sx1.at[pl.ds(0, rows)])
        pltpu.sync_copy(part.at[pl.ds(N + r0, rows)], sy0.at[pl.ds(0, rows)])
        pltpu.sync_copy(part.at[pl.ds(4 * N + r0, rows)], sy1.at[pl.ds(0, rows)])
        pltpu.sync_copy(part.at[pl.ds(2 * N + r0, rows)], sc0.at[pl.ds(0, rows)])
        pltpu.sync_copy(part.at[pl.ds(5 * N + r0, rows)], sc1.at[pl.ds(0, rows)])
        pltpu.sync_copy(xp.at[pl.ds(r0, rows)], pb.at[pl.ds(0, rows)])
        pltpu.sync_copy(xpp.at[pl.ds(r0, rows)], ppb.at[pl.ds(0, rows)])

    @pl.when(wid < 31)
    def _():
        _load(CB_ROWS)

    @pl.when(wid == 31)
    def _():
        _load(last_rows)

    dtv = dtb[...]
    onef = _full16(1.0, jnp.float32)
    inv_cpack = _full16(1.0 / CPACK, jnp.float32)
    cpackf = _full16(CPACK, jnp.float32)

    def _group(j, _):
        rows = j * L + iota
        sx = plsc.load_gather(sx0, [rows]) + plsc.load_gather(sx1, [rows])
        sy = plsc.load_gather(sy0, [rows]) + plsc.load_gather(sy1, [rows])
        sc = plsc.load_gather(sc0, [rows]) + plsc.load_gather(sc1, [rows])
        cy = lax.convert_element_type(
            lax.convert_element_type(sc * inv_cpack, jnp.int32), jnp.float32)
        cx = sc - cpackf * cy
        p = plsc.load_gather(pb, [rows])
        pp = plsc.load_gather(ppb, [rows])
        res = (sx / jnp.maximum(cx, onef)
               + sy / jnp.maximum(cy, onef)
               + (p - pp) / dtv)
        plsc.store_scatter(outb, [rows], res)
        return 0

    lax.fori_loop(0, CB_GROUPS, _group, 0)

    @pl.when(wid < 31)
    def _():
        pltpu.sync_copy(outb, out.at[pl.ds(r0, CB_ROWS)])

    @pl.when(wid == 31)
    def _():
        pltpu.sync_copy(outb.at[pl.ds(0, last_rows)], out.at[pl.ds(r0, last_rows)])


def kernel(x_v, x_v_prev, x_p, x_p_prev, x_rho, x_rho_prev, M, eta, zeta, dt,
           edge_index, edge_attr):
    xvx = x_v[:, 0].astype(jnp.float32)
    xvy = x_v[:, 1].astype(jnp.float32)
    xp = x_p[:, 0].astype(jnp.float32)
    xpp = x_p_prev[:, 0].astype(jnp.float32)
    ei = edge_index.astype(jnp.int32)
    src = ei[0]
    dst = ei[1]
    a0 = edge_attr[:, 0].astype(jnp.float32)
    a1 = edge_attr[:, 1].astype(jnp.float32)
    dt16 = jnp.broadcast_to(dt.astype(jnp.float32), (L,))
    zslice = jnp.zeros((SL,), jnp.float32)

    part = _edge_pass(xvx, xvy, xp, src, dst, a0, a1, zslice)
    out = _combine(part, xp, xpp, dt16)
    return out.reshape(N, 1)

# --- scband reference (transcript-rebuilt; emitter-appended) ---
"""Pipeline reference for scband-compressible-fluid-loss-50130858279310 (READ-ONLY COPY).

The authoritative reference and input builder live on the scoring server;
editing this copy changes nothing except your own understanding.
"""

import jax, jax.numpy as jnp
import numpy as np

N_NODES = 100000
N_EDGES = 6400000


def setup_inputs(seed: int = 0) -> dict:
    key = jax.random.key(seed)
    ks = jax.random.split(key, 12)
    x_v = jax.random.normal(ks[0], (N_NODES, 2), dtype=jnp.float32)
    x_v_prev = jax.random.normal(ks[1], (N_NODES, 2), dtype=jnp.float32)
    x_p = jax.random.normal(ks[2], (N_NODES, 1), dtype=jnp.float32)
    x_p_prev = jax.random.normal(ks[3], (N_NODES, 1), dtype=jnp.float32)
    x_rho = jax.random.normal(ks[4], (N_NODES, 1), dtype=jnp.float32)
    x_rho_prev = jax.random.normal(ks[5], (N_NODES, 1), dtype=jnp.float32)
    M = jnp.ones((1,), dtype=jnp.float32)
    eta = jnp.ones((1,), dtype=jnp.float32)
    zeta = jnp.ones((1,), dtype=jnp.float32)
    dt = jnp.ones((1,), dtype=jnp.float32)
    edge_index = jax.random.randint(ks[6], (2, N_EDGES), 0, N_NODES).astype(jnp.int64)
    edge_attr = jax.random.normal(ks[7], (N_EDGES, 4), dtype=jnp.float32)
    return {
        'x_v': x_v, 'x_v_prev': x_v_prev,
        'x_p': x_p, 'x_p_prev': x_p_prev,
        'x_rho': x_rho, 'x_rho_prev': x_rho_prev,
        'M': M, 'eta': eta, 'zeta': zeta, 'dt': dt,
        'edge_index': edge_index, 'edge_attr': edge_attr,
    }


def _spatial_derivative(x, edge_index, edge_attr, mask, idx_node, idx_edge, n_nodes):
    # finite-difference style graph derivative: (x[dst] - x[src]) / edge_attr[:, idx_edge],
    # scatter-mean aggregated onto destination nodes
    src = edge_index[0]
    dst = edge_index[1]
    diff = x[dst, idx_node] - x[src, idx_node]
    denom = jnp.where(mask, edge_attr[:, idx_edge], jnp.ones_like(edge_attr[:, idx_edge]))
    vals = jnp.where(mask, diff / denom, jnp.zeros_like(diff))
    sums = jax.ops.segment_sum(vals, dst, num_segments=n_nodes)
    cnts = jax.ops.segment_sum(mask.astype(vals.dtype), dst, num_segments=n_nodes)
    return (sums / jnp.maximum(cnts, 1.0))[:, None]


def reference(x_v, x_v_prev, x_p, x_p_prev, x_rho, x_rho_prev, M, eta, zeta, dt, edge_index, edge_attr):
    n_nodes = x_v.shape[0]
    index_node_x, index_node_y = 0, 1
    index_edge_x, index_edge_y = 0, 1
    x_prod = x_v * x_p  # graph_v.x * graph_p.x (broadcast over velocity components)

    # x-direction edges: edge_attr[:, index_node_x] != 0
    mask_x = edge_attr[:, index_node_x] != 0
    derivative_x = _spatial_derivative(x_prod, edge_index, edge_attr, mask_x, index_node_x, index_edge_x, n_nodes)

    # y-direction edges: edge_attr[:, index_node_y] != 0
    mask_y = edge_attr[:, index_node_y] != 0
    derivative_y = _spatial_derivative(x_prod, edge_index, edge_attr, mask_y, index_node_y, index_edge_y, n_nodes)

    loss_continuity = derivative_x + derivative_y + (x_p - x_p_prev) / dt
    return loss_continuity

if __name__ == "__main__":
    import jax
    _d = setup_inputs()
    print(jax.jit(kernel)(*tuple(_d.values())))

</pallas_src>

<mosaic_0001>
#map = affine_map<(d0, d1) -> (0)>
module attributes {stable_mosaic.version = 14 : i64} {
  func.func @_edge_pass(%arg0: i32, %arg1: i32, %arg2: memref<100000xf32, #tpu.memory_space<hbm>>, %arg3: memref<100000xf32, #tpu.memory_space<hbm>>, %arg4: memref<100000xf32, #tpu.memory_space<hbm>>, %arg5: memref<6400000xi32, #tpu.memory_space<hbm>>, %arg6: memref<6400000xi32, #tpu.memory_space<hbm>>, %arg7: memref<6400000xf32, #tpu.memory_space<hbm>>, %arg8: memref<6400000xf32, #tpu.memory_space<hbm>>, %arg9: memref<6272xf32, #tpu.memory_space<hbm>>, %arg10: memref<600000xf32, #tpu.memory_space<hbm>>, %arg11: memref<1x4000xi32, #tpu.memory_space<vmem>>, %arg12: memref<1x4000xi32, #tpu.memory_space<vmem>>, %arg13: memref<1x4000xi32, #tpu.memory_space<vmem>>, %arg14: memref<1x4000xi32, #tpu.memory_space<vmem>>, %arg15: memref<1x4000xi32, #tpu.memory_space<vmem>>, %arg16: memref<1x4000xi32, #tpu.memory_space<vmem>>, %arg17: memref<4000xf32, #tpu.memory_space<vmem>>, %arg18: memref<4000xf32, #tpu.memory_space<vmem>>, %arg19: memref<4000xf32, #tpu.memory_space<vmem>>, %arg20: memref<4000xf32, #tpu.memory_space<vmem>>, %arg21: memref<4000xf32, #tpu.memory_space<vmem>>, %arg22: memref<4000xf32, #tpu.memory_space<vmem>>, %arg23: memref<4000xf32, #tpu.memory_space<vmem>>, %arg24: memref<4000xf32, #tpu.memory_space<vmem>>, %arg25: memref<4000xf32, #tpu.memory_space<vmem>>, %arg26: memref<4000xf32, #tpu.memory_space<vmem>>, %arg27: memref<4000xf32, #tpu.memory_space<vmem>>, %arg28: memref<4000xf32, #tpu.memory_space<vmem>>, %arg29: memref<4000xf32, #tpu.memory_space<vmem>>, %arg30: memref<4000xf32, #tpu.memory_space<vmem>>, %arg31: memref<1568xf32, #tpu.memory_space<vmem>>, %arg32: memref<1568xf32, #tpu.memory_space<vmem>>, %arg33: memref<1568xf32, #tpu.memory_space<vmem>>, %arg34: memref<1568xf32, #tpu.memory_space<vmem>>, %arg35: memref<100000xf32, #tpu.memory_space<vmem_shared>>, %arg36: memref<100000xf32, #tpu.memory_space<vmem_shared>>, %arg37: memref<100000xf32, #tpu.memory_space<vmem_shared>>, %arg38: memref<100000xf32, #tpu.memory_space<vmem_shared>>, %arg39: memref<!tpu.dma_semaphore, #tpu.memory_space<semaphore_mem>>, %arg40: memref<!tpu.dma_semaphore, #tpu.memory_space<semaphore_mem>>, %arg41: memref<!tpu.dma_semaphore, #tpu.memory_space<semaphore_mem>>) attributes {dimension_semantics = [#tpu.dimension_semantics<core_parallel>, #tpu.dimension_semantics<subcore_parallel>], iteration_bounds = array<i64: 2, 16>, scalar_prefetch = 0 : i64, scratch_operands = 31 : i64, tpu.core_type = #tpu.core_type<sc_vector_subcore>, window_params = [{transform_indices = #map}, {transform_indices = #map}, {transform_indices = #map}, {transform_indices = #map}, {transform_indices = #map}, {transform_indices = #map}, {transform_indices = #map}, {transform_indices = #map}, {transform_indices = #map}]} {
    %mul3A = arith.constant 16 : i32
    %mul3A_0 = arith.muli %arg0, %mul3A : i32
    %add3A = arith.addi %mul3A_0, %arg1 : i32
    %iota3A = tpu.iota {dimensions = array<i32: 0>} : vector<16xi32>
    %broadcast_in_dim3A = arith.constant 1.000000e+00 : f32
    %broadcast_in_dim3A_1 = vector.broadcast %broadcast_in_dim3A : f32 to vector<16xf32>
    %broadcast_in_dim3A_2 = arith.constant 0.000000e+00 : f32
    %broadcast_in_dim3A_3 = vector.broadcast %broadcast_in_dim3A_2 : f32 to vector<16xf32>
    %broadcast_in_dim3A_4 = arith.constant 4.096000e+03 : f32
    %broadcast_in_dim3A_5 = vector.broadcast %broadcast_in_dim3A_4 : f32 to vector<16xf32>
    %mul3A_6 = arith.constant 6272 : i32
    %mul3A_7 = arith.muli %arg1, %mul3A_6 : i32
    %lt3A = arith.constant 15 : i32
    %lt3A_8 = arith.cmpi slt, %arg1, %lt3A : i32
    %convert_element_type3A = arith.extui %lt3A_8 : i1 to i32
    %cond3A = arith.constant 0 : i32
    %cond3A_9 = arith.cmpi ne, %convert_element_type3A, %cond3A : i32
    scf.if %cond3A_9 {
      "tpu.region"() ({
        %run_scoped3A = tpu.sem_alloc : memref<!tpu.dma_semaphore, #tpu.memory_space<semaphore_mem>>
        %dma_start3A_114 = tpu.memref_slice %arg36[%mul3A_7] : memref<100000xf32, #tpu.memory_space<vmem_shared>> -> memref<6272xf32, #tpu.memory_space<vmem_shared>>
        tpu.enqueue_dma source(%arg9 : memref<6272xf32, #tpu.memory_space<hbm>>) target(%dma_start3A_114 : memref<6272xf32, #tpu.memory_space<vmem_shared>>) target_semaphore(%run_scoped3A : memref<!tpu.dma_semaphore, #tpu.memory_space<semaphore_mem>>)
        %dma_wait3A_115 = tpu.memref_slice %arg36[%mul3A_7] : memref<100000xf32, #tpu.memory_space<vmem_shared>> -> memref<6272xf32, #tpu.memory_space<vmem_shared>>
        tpu.wait_dma2 semaphore(%run_scoped3A : memref<!tpu.dma_semaphore, #tpu.memory_space<semaphore_mem>>) src(%arg9 : memref<6272xf32, #tpu.memory_space<hbm>>) dst(%dma_wait3A_115 : memref<6272xf32, #tpu.memory_space<vmem_shared>>)
        tpu.yield
      }) : () -> ()
      "tpu.region"() ({
        %run_scoped3A = tpu.sem_alloc : memref<!tpu.dma_semaphore, #tpu.memory_space<semaphore_mem>>
        %dma_start3A_114 = tpu.memref_slice %arg37[%mul3A_7] : memref<100000xf32, #tpu.memory_space<vmem_shared>> -> memref<6272xf32, #tpu.memory_space<vmem_shared>>
        tpu.enqueue_dma source(%arg9 : memref<6272xf32, #tpu.memory_space<hbm>>) target(%dma_start3A_114 : memref<6272xf32, #tpu.memory_space<vmem_shared>>) target_semaphore(%run_scoped3A : memref<!tpu.dma_semaphore, #tpu.memory_space<semaphore_mem>>)
        %dma_wait3A_115 = tpu.memref_slice %arg37[%mul3A_7] : memref<100000xf32, #tpu.memory_space<vmem_shared>> -> memref<6272xf32, #tpu.memory_space<vmem_shared>>
        tpu.wait_dma2 semaphore(%run_scoped3A : memref<!tpu.dma_semaphore, #tpu.memory_space<semaphore_mem>>) src(%arg9 : memref<6272xf32, #tpu.memory_space<hbm>>) dst(%dma_wait3A_115 : memref<6272xf32, #tpu.memory_space<vmem_shared>>)
        tpu.yield
      }) : () -> ()
      "tpu.region"() ({
        %run_scoped3A = tpu.sem_alloc : memref<!tpu.dma_semaphore, #tpu.memory_space<semaphore_mem>>
        %dma_start3A_114 = tpu.memref_slice %arg38[%mul3A_7] : memref<100000xf32, #tpu.memory_space<vmem_shared>> -> memref<6272xf32, #tpu.memory_space<vmem_shared>>
        tpu.enqueue_dma source(%arg9 : memref<6272xf32, #tpu.memory_space<hbm>>) target(%dma_start3A_114 : memref<6272xf32, #tpu.memory_space<vmem_shared>>) target_semaphore(%run_scoped3A : memref<!tpu.dma_semaphore, #tpu.memory_space<semaphore_mem>>)
        %dma_wait3A_115 = tpu.memref_slice %arg38[%mul3A_7] : memref<100000xf32, #tpu.memory_space<vmem_shared>> -> memref<6272xf32, #tpu.memory_space<vmem_shared>>
        tpu.wait_dma2 semaphore(%run_scoped3A : memref<!tpu.dma_semaphore, #tpu.memory_space<semaphore_mem>>) src(%arg9 : memref<6272xf32, #tpu.memory_space<hbm>>) dst(%dma_wait3A_115 : memref<6272xf32, #tpu.memory_space<vmem_shared>>)
        tpu.yield
      }) : () -> ()
    } else {
    }
    %eq3A = arith.constant 15 : i32
    %eq3A_10 = arith.cmpi eq, %arg1, %eq3A : i32
    %convert_element_type3A_11 = arith.extui %eq3A_10 : i1 to i32
    %cond3A_12 = arith.constant 0 : i32
    %cond3A_13 = arith.cmpi ne, %convert_element_type3A_11, %cond3A_12 : i32
    scf.if %cond3A_13 {
      "tpu.region"() ({
        %run_scoped3A = tpu.sem_alloc : memref<!tpu.dma_semaphore, #tpu.memory_space<semaphore_mem>>
        %dma_start3A_114 = tpu.memref_slice %arg36[%mul3A_7] : memref<100000xf32, #tpu.memory_space<vmem_shared>> -> memref<5920xf32, #tpu.memory_space<vmem_shared>>
        %dma_start3A_115 = arith.constant 0 : i32
        %dma_start3A_116 = tpu.memref_slice %arg9[%dma_start3A_115] : memref<6272xf32, #tpu.memory_space<hbm>> -> memref<5920xf32, #tpu.memory_space<hbm>>
        tpu.enqueue_dma source(%dma_start3A_116 : memref<5920xf32, #tpu.memory_space<hbm>>) target(%dma_start3A_114 : memref<5920xf32, #tpu.memory_space<vmem_shared>>) target_semaphore(%run_scoped3A : memref<!tpu.dma_semaphore, #tpu.memory_space<semaphore_mem>>)
        %dma_wait3A_117 = tpu.memref_slice %arg36[%mul3A_7] : memref<100000xf32, #tpu.memory_space<vmem_shared>> -> memref<5920xf32, #tpu.memory_space<vmem_shared>>
        %dma_wait3A_118 = arith.constant 0 : i32
        %dma_wait3A_119 = tpu.memref_slice %arg9[%dma_wait3A_118] : memref<6272xf32, #tpu.memory_space<hbm>> -> memref<5920xf32, #tpu.memory_space<hbm>>
        tpu.wait_dma2 semaphore(%run_scoped3A : memref<!tpu.dma_semaphore, #tpu.memory_space<semaphore_mem>>) src(%dma_wait3A_119 : memref<5920xf32, #tpu.memory_space<hbm>>) dst(%dma_wait3A_117 : memref<5920xf32, #tpu.memory_space<vmem_shared>>)
        tpu.yield
      }) : () -> ()
      "tpu.region"() ({
        %run_scoped3A = tpu.sem_alloc : memref<!tpu.dma_semaphore, #tpu.memory_space<semaphore_mem>>
        %dma_start3A_114 = tpu.memref_slice %arg37[%mul3A_7] : memref<100000xf32, #tpu.memory_space<vmem_shared>> -> memref<5920xf32, #tpu.memory_space<vmem_shared>>
        %dma_start3A_115 = arith.constant 0 : i32
        %dma_start3A_116 = tpu.memref_slice %arg9[%dma_start3A_115] : memref<6272xf32, #tpu.memory_space<hbm>> -> memref<5920xf32, #tpu.memory_space<hbm>>
        tpu.enqueue_dma source(%dma_start3A_116 : memref<5920xf32, #tpu.memory_space<hbm>>) target(%dma_start3A_114 : memref<5920xf32, #tpu.memory_space<vmem_shared>>) target_semaphore(%run_scoped3A : memref<!tpu.dma_semaphore, #tpu.memory_space<semaphore_mem>>)
        %dma_wait3A_117 = tpu.memref_slice %arg37[%mul3A_7] : memref<100000xf32, #tpu.memory_space<vmem_shared>> -> memref<5920xf32, #tpu.memory_space<vmem_shared>>
        %dma_wait3A_118 = arith.constant 0 : i32
        %dma_wait3A_119 = tpu.memref_slice %arg9[%dma_wait3A_118] : memref<6272xf32, #tpu.memory_space<hbm>> -> memref<5920xf32, #tpu.memory_space<hbm>>
        tpu.wait_dma2 semaphore(%run_scoped3A : memref<!tpu.dma_semaphore, #tpu.memory_space<semaphore_mem>>) src(%dma_wait3A_119 : memref<5920xf32, #tpu.memory_space<hbm>>) dst(%dma_wait3A_117 : memref<5920xf32, #tpu.memory_space<vmem_shared>>)
        tpu.yield
      }) : () -> ()
      "tpu.region"() ({
        %run_scoped3A = tpu.sem_alloc : memref<!tpu.dma_semaphore, #tpu.memory_space<semaphore_mem>>
        %dma_start3A_114 = tpu.memref_slice %arg38[%mul3A_7] : memref<100000xf32, #tpu.memory_space<vmem_shared>> -> memref<5920xf32, #tpu.memory_space<vmem_shared>>
        %dma_start3A_115 = arith.constant 0 : i32
        %dma_start3A_116 = tpu.memref_slice %arg9[%dma_start3A_115] : memref<6272xf32, #tpu.memory_space<hbm>> -> memref<5920xf32, #tpu.memory_space<hbm>>
        tpu.enqueue_dma source(%dma_start3A_116 : memref<5920xf32, #tpu.memory_space<hbm>>) target(%dma_start3A_114 : memref<5920xf32, #tpu.memory_space<vmem_shared>>) target_semaphore(%run_scoped3A : memref<!tpu.dma_semaphore, #tpu.memory_space<semaphore_mem>>)
        %dma_wait3A_117 = tpu.memref_slice %arg38[%mul3A_7] : memref<100000xf32, #tpu.memory_space<vmem_shared>> -> memref<5920xf32, #tpu.memory_space<vmem_shared>>
        %dma_wait3A_118 = arith.constant 0 : i32
        %dma_wait3A_119 = tpu.memref_slice %arg9[%dma_wait3A_118] : memref<6272xf32, #tpu.memory_space<hbm>> -> memref<5920xf32, #tpu.memory_space<hbm>>
        tpu.wait_dma2 semaphore(%run_scoped3A : memref<!tpu.dma_semaphore, #tpu.memory_space<semaphore_mem>>) src(%dma_wait3A_119 : memref<5920xf32, #tpu.memory_space<hbm>>) dst(%dma_wait3A_117 : memref<5920xf32, #tpu.memory_space<vmem_shared>>)
        tpu.yield
      }) : () -> ()
    } else {
    }
    %scan3A = arith.constant 0 : i32
    %scan3A_14 = arith.constant 0 : i32
    %scan3A_15 = arith.constant 3 : i32
    %scan3A_16 = arith.addi %scan3A_14, %scan3A_15 : i32
    %scan3A_17 = arith.constant 1 : i32
    %scan3A_18 = scf.for %scan3A_114 = %scan3A_14 to %scan3A_16 step %scan3A_17 iter_args(%scan3A_115 = %scan3A) -> (i32)  : i32 {
      %mul3A_116 = arith.constant 1568 : i32
      %mul3A_117 = arith.muli %scan3A_114, %mul3A_116 : i32
      %add3A_118 = arith.addi %mul3A_7, %mul3A_117 : i32
      "tpu.region"() ({
        %run_scoped3A = tpu.sem_alloc : memref<!tpu.dma_semaphore, #tpu.memory_space<semaphore_mem>>
        %dma_start3A_127 = arith.constant 0 : i32
        %dma_start3A_128 = tpu.memref_slice %arg31[%dma_start3A_127] : memref<1568xf32, #tpu.memory_space<vmem>> -> memref<1568xf32, #tpu.memory_space<vmem>>
        %dma_start3A_129 = tpu.memref_slice %arg2[%add3A_118] : memref<100000xf32, #tpu.memory_space<hbm>> -> memref<1568xf32, #tpu.memory_space<hbm>>
        %dma_start3A_130 = arith.constant 0 : i32
        %dma_start3A_131 = tpu.memref_slice %arg31[%dma_start3A_130] : memref<1568xf32, #tpu.memory_space<vmem>> -> memref<1568xf32, #tpu.memory_space<vmem>>
        %dma_start3A_132 = tpu.memref_slice %arg2[%add3A_118] : memref<100000xf32, #tpu.memory_space<hbm>> -> memref<1568xf32, #tpu.memory_space<hbm>>
        tpu.enqueue_dma source(%dma_start3A_132 : memref<1568xf32, #tpu.memory_space<hbm>>) target(%dma_start3A_131 : memref<1568xf32, #tpu.memory_space<vmem>>) target_semaphore(%run_scoped3A : memref<!tpu.dma_semaphore, #tpu.memory_space<semaphore_mem>>)
        %dma_wait3A_133 = arith.constant 0 : i32
        %dma_wait3A_134 = tpu.memref_slice %arg31[%dma_wait3A_133] : memref<1568xf32, #tpu.memory_space<vmem>> -> memref<1568xf32, #tpu.memory_space<vmem>>
        %dma_wait3A_135 = tpu.memref_slice %arg2[%add3A_118] : memref<100000xf32, #tpu.memory_space<hbm>> -> memref<1568xf32, #tpu.memory_space<hbm>>
        %dma_wait3A_136 = arith.constant 0 : i32
        %dma_wait3A_137 = tpu.memref_slice %arg31[%dma_wait3A_136] : memref<1568xf32, #tpu.memory_space<vmem>> -> memref<1568xf32, #tpu.memory_space<vmem>>
        %dma_wait3A_138 = tpu.memref_slice %arg2[%add3A_118] : memref<100000xf32, #tpu.memory_space<hbm>> -> memref<1568xf32, #tpu.memory_space<hbm>>
        tpu.wait_dma2 semaphore(%run_scoped3A : memref<!tpu.dma_semaphore, #tpu.memory_space<semaphore_mem>>) src(%dma_wait3A_138 : memref<1568xf32, #tpu.memory_space<hbm>>) dst(%dma_wait3A_137 : memref<1568xf32, #tpu.memory_space<vmem>>)
        tpu.yield
      }) : () -> ()
      "tpu.region"() ({
        %run_scoped3A = tpu.sem_alloc : memref<!tpu.dma_semaphore, #tpu.memory_space<semaphore_mem>>
        %dma_start3A_127 = arith.constant 0 : i32
        %dma_start3A_128 = tpu.memref_slice %arg32[%dma_start3A_127] : memref<1568xf32, #tpu.memory_space<vmem>> -> memref<1568xf32, #tpu.memory_space<vmem>>
        %dma_start3A_129 = tpu.memref_slice %arg3[%add3A_118] : memref<100000xf32, #tpu.memory_space<hbm>> -> memref<1568xf32, #tpu.memory_space<hbm>>
        %dma_start3A_130 = arith.constant 0 : i32
        %dma_start3A_131 = tpu.memref_slice %arg32[%dma_start3A_130] : memref<1568xf32, #tpu.memory_space<vmem>> -> memref<1568xf32, #tpu.memory_space<vmem>>
        %dma_start3A_132 = tpu.memref_slice %arg3[%add3A_118] : memref<100000xf32, #tpu.memory_space<hbm>> -> memref<1568xf32, #tpu.memory_space<hbm>>
        tpu.enqueue_dma source(%dma_start3A_132 : memref<1568xf32, #tpu.memory_space<hbm>>) target(%dma_start3A_131 : memref<1568xf32, #tpu.memory_space<vmem>>) target_semaphore(%run_scoped3A : memref<!tpu.dma_semaphore, #tpu.memory_space<semaphore_mem>>)
        %dma_wait3A_133 = arith.constant 0 : i32
        %dma_wait3A_134 = tpu.memref_slice %arg32[%dma_wait3A_133] : memref<1568xf32, #tpu.memory_space<vmem>> -> memref<1568xf32, #tpu.memory_space<vmem>>
        %dma_wait3A_135 = tpu.memref_slice %arg3[%add3A_118] : memref<100000xf32, #tpu.memory_space<hbm>> -> memref<1568xf32, #tpu.memory_space<hbm>>
        %dma_wait3A_136 = arith.constant 0 : i32
        %dma_wait3A_137 = tpu.memref_slice %arg32[%dma_wait3A_136] : memref<1568xf32, #tpu.memory_space<vmem>> -> memref<1568xf32, #tpu.memory_space<vmem>>
        %dma_wait3A_138 = tpu.memref_slice %arg3[%add3A_118] : memref<100000xf32, #tpu.memory_space<hbm>> -> memref<1568xf32, #tpu.memory_space<hbm>>
        tpu.wait_dma2 semaphore(%run_scoped3A : memref<!tpu.dma_semaphore, #tpu.memory_space<semaphore_mem>>) src(%dma_wait3A_138 : memref<1568xf32, #tpu.memory_space<hbm>>) dst(%dma_wait3A_137 : memref<1568xf32, #tpu.memory_space<vmem>>)
        tpu.yield
      }) : () -> ()
      "tpu.region"() ({
        %run_scoped3A = tpu.sem_alloc : memref<!tpu.dma_semaphore, #tpu.memory_space<semaphore_mem>>
        %dma_start3A_127 = arith.constant 0 : i32
        %dma_start3A_128 = tpu.memref_slice %arg33[%dma_start3A_127] : memref<1568xf32, #tpu.memory_space<vmem>> -> memref<1568xf32, #tpu.memory_space<vmem>>
        %dma_start3A_129 = tpu.memref_slice %arg4[%add3A_118] : memref<100000xf32, #tpu.memory_space<hbm>> -> memref<1568xf32, #tpu.memory_space<hbm>>
        %dma_start3A_130 = arith.constant 0 : i32
        %dma_start3A_131 = tpu.memref_slice %arg33[%dma_start3A_130] : memref<1568xf32, #tpu.memory_space<vmem>> -> memref<1568xf32, #tpu.memory_space<vmem>>
        %dma_start3A_132 = tpu.memref_slice %arg4[%add3A_118] : memref<100000xf32, #tpu.memory_space<hbm>> -> memref<1568xf32, #tpu.memory_space<hbm>>
        tpu.enqueue_dma source(%dma_start3A_132 : memref<1568xf32, #tpu.memory_space<hbm>>) target(%dma_start3A_131 : memref<1568xf32, #tpu.memory_space<vmem>>) target_semaphore(%run_scoped3A : memref<!tpu.dma_semaphore, #tpu.memory_space<semaphore_mem>>)
        %dma_wait3A_133 = arith.constant 0 : i32
        %dma_wait3A_134 = tpu.memref_slice %arg33[%dma_wait3A_133] : memref<1568xf32, #tpu.memory_space<vmem>> -> memref<1568xf32, #tpu.memory_space<vmem>>
        %dma_wait3A_135 = tpu.memref_slice %arg4[%add3A_118] : memref<100000xf32, #tpu.memory_space<hbm>> -> memref<1568xf32, #tpu.memory_space<hbm>>
        %dma_wait3A_136 = arith.constant 0 : i32
        %dma_wait3A_137 = tpu.memref_slice %arg33[%dma_wait3A_136] : memref<1568xf32, #tpu.memory_space<vmem>> -> memref<1568xf32, #tpu.memory_space<vmem>>
        %dma_wait3A_138 = tpu.memref_slice %arg4[%add3A_118] : memref<100000xf32, #tpu.memory_space<hbm>> -> memref<1568xf32, #tpu.memory_space<hbm>>
        tpu.wait_dma2 semaphore(%run_scoped3A : memref<!tpu.dma_semaphore, #tpu.memory_space<semaphore_mem>>) src(%dma_wait3A_138 : memref<1568xf32, #tpu.memory_space<hbm>>) dst(%dma_wait3A_137 : memref<1568xf32, #tpu.memory_space<vmem>>)
        tpu.yield
      }) : () -> ()
      %scan3A_119 = arith.constant 0 : i32
      %scan3A_120 = arith.constant 0 : i32
      %scan3A_121 = arith.constant 98 : i32
      %scan3A_122 = arith.addi %scan3A_120, %scan3A_121 : i32
      %scan3A_123 = arith.constant 1 : i32
      %scan3A_124 = scf.for %scan3A_127 = %scan3A_120 to %scan3A_122 step %scan3A_123 iter_args(%scan3A_128 = %scan3A_119) -> (i32)  : i32 {
        %mul3A_129 = arith.constant 16 : i32
        %mul3A_130 = arith.muli %scan3A_127, %mul3A_129 : i32
        %add3A_131 = vector.broadcast %mul3A_130 : i32 to vector<16xi32>
        %add3A_132 = arith.addi %add3A_131, %iota3A : vector<16xi32>
        %gather3A = tpu.vector_load_idx %arg31[%add3A_132] : memref<1568xf32, #tpu.memory_space<vmem>>[vector<16xi32>], vector<16xf32>,
        %gather3A_133 = tpu.vector_load_idx %arg32[%add3A_132] : memref<1568xf32, #tpu.memory_space<vmem>>[vector<16xi32>], vector<16xf32>,
        %gather3A_134 = tpu.vector_load_idx %arg33[%add3A_132] : memref<1568xf32, #tpu.memory_space<vmem>>[vector<16xi32>], vector<16xf32>,
        %mul3A_135 = arith.mulf %gather3A, %gather3A_134 : vector<16xf32>
        %mul3A_136 = arith.mulf %gather3A_133, %gather3A_134 : vector<16xf32>
        %pack3A = tpu.pack_subelements %mul3A_135, %mul3A_136 {pack_format = #tpu.pack_format<interleaved>, positions = array<i32: 0, 1>} : vector<16xf32>, vector<16xf32> -> vector<32xbf16>
        %bitcast3A = vector.bitcast %pack3A : vector<32xbf16> to vector<16xf32>
        tpu.vector_store_idx %arg34[%add3A_132], %bitcast3A : memref<1568xf32, #tpu.memory_space<vmem>>[vector<16xi32>], vector<16xf32>,
        %scan3A_137 = arith.constant 0 : i32
        scf.yield %scan3A_137 : i32
      }
      %scan3A_125 = arith.constant 98 : i32
      "tpu.region"() ({
        %run_scoped3A = tpu.sem_alloc : memref<!tpu.dma_semaphore, #tpu.memory_space<semaphore_mem>>
        %dma_start3A_127 = arith.constant 0 : i32
        %dma_start3A_128 = tpu.memref_slice %arg34[%dma_start3A_127] : memref<1568xf32, #tpu.memory_space<vmem>> -> memref<1568xf32, #tpu.memory_space<vmem>>
        %dma_start3A_129 = tpu.memref_slice %arg35[%add3A_118] : memref<100000xf32, #tpu.memory_space<vmem_shared>> -> memref<1568xf32, #tpu.memory_space<vmem_shared>>
        %dma_start3A_130 = tpu.memref_slice %arg35[%add3A_118] : memref<100000xf32, #tpu.memory_space<vmem_shared>> -> memref<1568xf32, #tpu.memory_space<vmem_shared>>
        %dma_start3A_131 = arith.constant 0 : i32
        %dma_start3A_132 = tpu.memref_slice %arg34[%dma_start3A_131] : memref<1568xf32, #tpu.memory_space<vmem>> -> memref<1568xf32, #tpu.memory_space<vmem>>
        tpu.enqueue_dma source(%dma_start3A_132 : memref<1568xf32, #tpu.memory_space<vmem>>) target(%dma_start3A_130 : memref<1568xf32, #tpu.memory_space<vmem_shared>>) target_semaphore(%run_scoped3A : memref<!tpu.dma_semaphore, #tpu.memory_space<semaphore_mem>>)
        %dma_wait3A_133 = arith.constant 0 : i32
        %dma_wait3A_134 = tpu.memref_slice %arg34[%dma_wait3A_133] : memref<1568xf32, #tpu.memory_space<vmem>> -> memref<1568xf32, #tpu.memory_space<vmem>>
        %dma_wait3A_135 = tpu.memref_slice %arg35[%add3A_118] : memref<100000xf32, #tpu.memory_space<vmem_shared>> -> memref<1568xf32, #tpu.memory_space<vmem_shared>>
        %dma_wait3A_136 = tpu.memref_slice %arg35[%add3A_118] : memref<100000xf32, #tpu.memory_space<vmem_shared>> -> memref<1568xf32, #tpu.memory_space<vmem_shared>>
        %dma_wait3A_137 = arith.constant 0 : i32
        %dma_wait3A_138 = tpu.memref_slice %arg34[%dma_wait3A_137] : memref<1568xf32, #tpu.memory_space<vmem>> -> memref<1568xf32, #tpu.memory_space<vmem>>
        tpu.wait_dma2 semaphore(%run_scoped3A : memref<!tpu.dma_semaphore, #tpu.memory_space<semaphore_mem>>) src(%dma_wait3A_138 : memref<1568xf32, #tpu.memory_space<vmem>>) dst(%dma_wait3A_136 : memref<1568xf32, #tpu.memory_space<vmem_shared>>)
        tpu.yield
      }) : () -> ()
      %scan3A_126 = arith.constant 0 : i32
      scf.yield %scan3A_126 : i32
    }
    %scan3A_19 = arith.constant 3 : i32
    %lt3A_20 = arith.constant 15 : i32
    %lt3A_21 = arith.cmpi slt, %arg1, %lt3A_20 : i32
    %convert_element_type3A_22 = arith.extui %lt3A_21 : i1 to i32
    %cond3A_23 = arith.constant 0 : i32
    %cond3A_24 = arith.cmpi ne, %convert_element_type3A_22, %cond3A_23 : i32
    scf.if %cond3A_24 {
      %add3A_114 = arith.constant 4704 : i32
      %add3A_115 = arith.addi %mul3A_7, %add3A_114 : i32
      "tpu.region"() ({
        %run_scoped3A = tpu.sem_alloc : memref<!tpu.dma_semaphore, #tpu.memory_space<semaphore_mem>>
        %dma_start3A_123 = arith.constant 0 : i32
        %dma_start3A_124 = tpu.memref_slice %arg31[%dma_start3A_123] : memref<1568xf32, #tpu.memory_space<vmem>> -> memref<1568xf32, #tpu.memory_space<vmem>>
        %dma_start3A_125 = tpu.memref_slice %arg2[%add3A_115] : memref<100000xf32, #tpu.memory_space<hbm>> -> memref<1568xf32, #tpu.memory_space<hbm>>
        %dma_start3A_126 = arith.constant 0 : i32
        %dma_start3A_127 = tpu.memref_slice %arg31[%dma_start3A_126] : memref<1568xf32, #tpu.memory_space<vmem>> -> memref<1568xf32, #tpu.memory_space<vmem>>
        %dma_start3A_128 = tpu.memref_slice %arg2[%add3A_115] : memref<100000xf32, #tpu.memory_space<hbm>> -> memref<1568xf32, #tpu.memory_space<hbm>>
        tpu.enqueue_dma source(%dma_start3A_128 : memref<1568xf32, #tpu.memory_space<hbm>>) target(%dma_start3A_127 : memref<1568xf32, #tpu.memory_space<vmem>>) target_semaphore(%run_scoped3A : memref<!tpu.dma_semaphore, #tpu.memory_space<semaphore_mem>>)
        %dma_wait3A_129 = arith.constant 0 : i32
        %dma_wait3A_130 = tpu.memref_slice %arg31[%dma_wait3A_129] : memref<1568xf32, #tpu.memory_space<vmem>> -> memref<1568xf32, #tpu.memory_space<vmem>>
        %dma_wait3A_131 = tpu.memref_slice %arg2[%add3A_115] : memref<100000xf32, #tpu.memory_space<hbm>> -> memref<1568xf32, #tpu.memory_space<hbm>>
        %dma_wait3A_132 = arith.constant 0 : i32
        %dma_wait3A_133 = tpu.memref_slice %arg31[%dma_wait3A_132] : memref<1568xf32, #tpu.memory_space<vmem>> -> memref<1568xf32, #tpu.memory_space<vmem>>
        %dma_wait3A_134 = tpu.memref_slice %arg2[%add3A_115] : memref<100000xf32, #tpu.memory_space<hbm>> -> memref<1568xf32, #tpu.memory_space<hbm>>
        tpu.wait_dma2 semaphore(%run_scoped3A : memref<!tpu.dma_semaphore, #tpu.memory_space<semaphore_mem>>) src(%dma_wait3A_134 : memref<1568xf32, #tpu.memory_space<hbm>>) dst(%dma_wait3A_133 : memref<1568xf32, #tpu.memory_space<vmem>>)
        tpu.yield
      }) : () -> ()
      "tpu.region"() ({
        %run_scoped3A = tpu.sem_alloc : memref<!tpu.dma_semaphore, #tpu.memory_space<semaphore_mem>>
        %dma_start3A_123 = arith.constant 0 : i32
        %dma_start3A_124 = tpu.memref_slice %arg32[%dma_start3A_123] : memref<1568xf32, #tpu.memory_space<vmem>> -> memref<1568xf32, #tpu.memory_space<vmem>>
        %dma_start3A_125 = tpu.memref_slice %arg3[%add3A_115] : memref<100000xf32, #tpu.memory_space<hbm>> -> memref<1568xf32, #tpu.memory_space<hbm>>
        %dma_start3A_126 = arith.constant 0 : i32
        %dma_start3A_127 = tpu.memref_slice %arg32[%dma_start3A_126] : memref<1568xf32, #tpu.memory_space<vmem>> -> memref<1568xf32, #tpu.memory_space<vmem>>
        %dma_start3A_128 = tpu.memref_slice %arg3[%add3A_115] : memref<100000xf32, #tpu.memory_space<hbm>> -> memref<1568xf32, #tpu.memory_space<hbm>>
        tpu.enqueue_dma source(%dma_start3A_128 : memref<1568xf32, #tpu.memory_space<hbm>>) target(%dma_start3A_127 : memref<1568xf32, #tpu.memory_space<vmem>>) target_semaphore(%run_scoped3A : memref<!tpu.dma_semaphore, #tpu.memory_space<semaphore_mem>>)
        %dma_wait3A_129 = arith.constant 0 : i32
        %dma_wait3A_130 = tpu.memref_slice %arg32[%dma_wait3A_129] : memref<1568xf32, #tpu.memory_space<vmem>> -> memref<1568xf32, #tpu.memory_space<vmem>>
        %dma_wait3A_131 = tpu.memref_slice %arg3[%add3A_115] : memref<100000xf32, #tpu.memory_space<hbm>> -> memref<1568xf32, #tpu.memory_space<hbm>>
        %dma_wait3A_132 = arith.constant 0 : i32
        %dma_wait3A_133 = tpu.memref_slice %arg32[%dma_wait3A_132] : memref<1568xf32, #tpu.memory_space<vmem>> -> memref<1568xf32, #tpu.memory_space<vmem>>
        %dma_wait3A_134 = tpu.memref_slice %arg3[%add3A_115] : memref<100000xf32, #tpu.memory_space<hbm>> -> memref<1568xf32, #tpu.memory_space<hbm>>
        tpu.wait_dma2 semaphore(%run_scoped3A : memref<!tpu.dma_semaphore, #tpu.memory_space<semaphore_mem>>) src(%dma_wait3A_134 : memref<1568xf32, #tpu.memory_space<hbm>>) dst(%dma_wait3A_133 : memref<1568xf32, #tpu.memory_space<vmem>>)
        tpu.yield
      }) : () -> ()
      "tpu.region"() ({
        %run_scoped3A = tpu.sem_alloc : memref<!tpu.dma_semaphore, #tpu.memory_space<semaphore_mem>>
        %dma_start3A_123 = arith.constant 0 : i32
        %dma_start3A_124 = tpu.memref_slice %arg33[%dma_start3A_123] : memref<1568xf32, #tpu.memory_space<vmem>> -> memref<1568xf32, #tpu.memory_space<vmem>>
        %dma_start3A_125 = tpu.memref_slice %arg4[%add3A_115] : memref<100000xf32, #tpu.memory_space<hbm>> -> memref<1568xf32, #tpu.memory_space<hbm>>
        %dma_start3A_126 = arith.constant 0 : i32
        %dma_start3A_127 = tpu.memref_slice %arg33[%dma_start3A_126] : memref<1568xf32, #tpu.memory_space<vmem>> -> memref<1568xf32, #tpu.memory_space<vmem>>
        %dma_start3A_128 = tpu.memref_slice %arg4[%add3A_115] : memref<100000xf32, #tpu.memory_space<hbm>> -> memref<1568xf32, #tpu.memory_space<hbm>>
        tpu.enqueue_dma source(%dma_start3A_128 : memref<1568xf32, #tpu.memory_space<hbm>>) target(%dma_start3A_127 : memref<1568xf32, #tpu.memory_space<vmem>>) target_semaphore(%run_scoped3A : memref<!tpu.dma_semaphore, #tpu.memory_space<semaphore_mem>>)
        %dma_wait3A_129 = arith.constant 0 : i32
        %dma_wait3A_130 = tpu.memref_slice %arg33[%dma_wait3A_129] : memref<1568xf32, #tpu.memory_space<vmem>> -> memref<1568xf32, #tpu.memory_space<vmem>>
        %dma_wait3A_131 = tpu.memref_slice %arg4[%add3A_115] : memref<100000xf32, #tpu.memory_space<hbm>> -> memref<1568xf32, #tpu.memory_space<hbm>>
        %dma_wait3A_132 = arith.constant 0 : i32
        %dma_wait3A_133 = tpu.memref_slice %arg33[%dma_wait3A_132] : memref<1568xf32, #tpu.memory_space<vmem>> -> memref<1568xf32, #tpu.memory_space<vmem>>
        %dma_wait3A_134 = tpu.memref_slice %arg4[%add3A_115] : memref<100000xf32, #tpu.memory_space<hbm>> -> memref<1568xf32, #tpu.memory_space<hbm>>
        tpu.wait_dma2 semaphore(%run_scoped3A : memref<!tpu.dma_semaphore, #tpu.memory_space<semaphore_mem>>) src(%dma_wait3A_134 : memref<1568xf32, #tpu.memory_space<hbm>>) dst(%dma_wait3A_133 : memref<1568xf32, #tpu.memory_space<vmem>>)
        tpu.yield
      }) : () -> ()
      %scan3A_116 = arith.constant 0 : i32
      %scan3A_117 = arith.constant 0 : i32
      %scan3A_118 = arith.constant 98 : i32
      %scan3A_119 = arith.addi %scan3A_117, %scan3A_118 : i32
      %scan3A_120 = arith.constant 1 : i32
      %scan3A_121 = scf.for %scan3A_123 = %scan3A_117 to %scan3A_119 step %scan3A_120 iter_args(%scan3A_124 = %scan3A_116) -> (i32)  : i32 {
        %mul3A_125 = arith.constant 16 : i32
        %mul3A_126 = arith.muli %scan3A_123, %mul3A_125 : i32
        %add3A_127 = vector.broadcast %mul3A_126 : i32 to vector<16xi32>
        %add3A_128 = arith.addi %add3A_127, %iota3A : vector<16xi32>
        %gather3A = tpu.vector_load_idx %arg31[%add3A_128] : memref<1568xf32, #tpu.memory_space<vmem>>[vector<16xi32>], vector<16xf32>,
        %gather3A_129 = tpu.vector_load_idx %arg32[%add3A_128] : memref<1568xf32, #tpu.memory_space<vmem>>[vector<16xi32>], vector<16xf32>,
        %gather3A_130 = tpu.vector_load_idx %arg33[%add3A_128] : memref<1568xf32, #tpu.memory_space<vmem>>[vector<16xi32>], vector<16xf32>,
        %mul3A_131 = arith.mulf %gather3A, %gather3A_130 : vector<16xf32>
        %mul3A_132 = arith.mulf %gather3A_129, %gather3A_130 : vector<16xf32>
        %pack3A = tpu.pack_subelements %mul3A_131, %mul3A_132 {pack_format = #tpu.pack_format<interleaved>, positions = array<i32: 0, 1>} : vector<16xf32>, vector<16xf32> -> vector<32xbf16>
        %bitcast3A = vector.bitcast %pack3A : vector<32xbf16> to vector<16xf32>
        tpu.vector_store_idx %arg34[%add3A_128], %bitcast3A : memref<1568xf32, #tpu.memory_space<vmem>>[vector<16xi32>], vector<16xf32>,
        %scan3A_133 = arith.constant 0 : i32
        scf.yield %scan3A_133 : i32
      }
      %scan3A_122 = arith.constant 98 : i32
      "tpu.region"() ({
        %run_scoped3A = tpu.sem_alloc : memref<!tpu.dma_semaphore, #tpu.memory_space<semaphore_mem>>
        %dma_start3A_123 = arith.constant 0 : i32
        %dma_start3A_124 = tpu.memref_slice %arg34[%dma_start3A_123] : memref<1568xf32, #tpu.memory_space<vmem>> -> memref<1568xf32, #tpu.memory_space<vmem>>
        %dma_start3A_125 = tpu.memref_slice %arg35[%add3A_115] : memref<100000xf32, #tpu.memory_space<vmem_shared>> -> memref<1568xf32, #tpu.memory_space<vmem_shared>>
        %dma_start3A_126 = tpu.memref_slice %arg35[%add3A_115] : memref<100000xf32, #tpu.memory_space<vmem_shared>> -> memref<1568xf32, #tpu.memory_space<vmem_shared>>
        %dma_start3A_127 = arith.constant 0 : i32
        %dma_start3A_128 = tpu.memref_slice %arg34[%dma_start3A_127] : memref<1568xf32, #tpu.memory_space<vmem>> -> memref<1568xf32, #tpu.memory_space<vmem>>
        tpu.enqueue_dma source(%dma_start3A_128 : memref<1568xf32, #tpu.memory_space<vmem>>) target(%dma_start3A_126 : memref<1568xf32, #tpu.memory_space<vmem_shared>>) target_semaphore(%run_scoped3A : memref<!tpu.dma_semaphore, #tpu.memory_space<semaphore_mem>>)
        %dma_wait3A_129 = arith.constant 0 : i32
        %dma_wait3A_130 = tpu.memref_slice %arg34[%dma_wait3A_129] : memref<1568xf32, #tpu.memory_space<vmem>> -> memref<1568xf32, #tpu.memory_space<vmem>>
        %dma_wait3A_131 = tpu.memref_slice %arg35[%add3A_115] : memref<100000xf32, #tpu.memory_space<vmem_shared>> -> memref<1568xf32, #tpu.memory_space<vmem_shared>>
        %dma_wait3A_132 = tpu.memref_slice %arg35[%add3A_115] : memref<100000xf32, #tpu.memory_space<vmem_shared>> -> memref<1568xf32, #tpu.memory_space<vmem_shared>>
        %dma_wait3A_133 = arith.constant 0 : i32
        %dma_wait3A_134 = tpu.memref_slice %arg34[%dma_wait3A_133] : memref<1568xf32, #tpu.memory_space<vmem>> -> memref<1568xf32, #tpu.memory_space<vmem>>
        tpu.wait_dma2 semaphore(%run_scoped3A : memref<!tpu.dma_semaphore, #tpu.memory_space<semaphore_mem>>) src(%dma_wait3A_134 : memref<1568xf32, #tpu.memory_space<vmem>>) dst(%dma_wait3A_132 : memref<1568xf32, #tpu.memory_space<vmem_shared>>)
        tpu.yield
      }) : () -> ()
    } else {
    }
    %eq3A_25 = arith.constant 15 : i32
    %eq3A_26 = arith.cmpi eq, %arg1, %eq3A_25 : i32
    %convert_element_type3A_27 = arith.extui %eq3A_26 : i1 to i32
    %cond3A_28 = arith.constant 0 : i32
    %cond3A_29 = arith.cmpi ne, %convert_element_type3A_27, %cond3A_28 : i32
    scf.if %cond3A_29 {
      %add3A_114 = arith.constant 4704 : i32
      %add3A_115 = arith.addi %mul3A_7, %add3A_114 : i32
      "tpu.region"() ({
        %run_scoped3A = tpu.sem_alloc : memref<!tpu.dma_semaphore, #tpu.memory_space<semaphore_mem>>
        %dma_start3A_123 = arith.constant 0 : i32
        %dma_start3A_124 = tpu.memref_slice %arg31[%dma_start3A_123] : memref<1568xf32, #tpu.memory_space<vmem>> -> memref<1216xf32, #tpu.memory_space<vmem>>
        %dma_start3A_125 = tpu.memref_slice %arg2[%add3A_115] : memref<100000xf32, #tpu.memory_space<hbm>> -> memref<1216xf32, #tpu.memory_space<hbm>>
        %dma_start3A_126 = arith.constant 0 : i32
        %dma_start3A_127 = tpu.memref_slice %arg31[%dma_start3A_126] : memref<1568xf32, #tpu.memory_space<vmem>> -> memref<1216xf32, #tpu.memory_space<vmem>>
        %dma_start3A_128 = tpu.memref_slice %arg2[%add3A_115] : memref<100000xf32, #tpu.memory_space<hbm>> -> memref<1216xf32, #tpu.memory_space<hbm>>
        tpu.enqueue_dma source(%dma_start3A_128 : memref<1216xf32, #tpu.memory_space<hbm>>) target(%dma_start3A_127 : memref<1216xf32, #tpu.memory_space<vmem>>) target_semaphore(%run_scoped3A : memref<!tpu.dma_semaphore, #tpu.memory_space<semaphore_mem>>)
        %dma_wait3A_129 = arith.constant 0 : i32
        %dma_wait3A_130 = tpu.memref_slice %arg31[%dma_wait3A_129] : memref<1568xf32, #tpu.memory_space<vmem>> -> memref<1216xf32, #tpu.memory_space<vmem>>
        %dma_wait3A_131 = tpu.memref_slice %arg2[%add3A_115] : memref<100000xf32, #tpu.memory_space<hbm>> -> memref<1216xf32, #tpu.memory_space<hbm>>
        %dma_wait3A_132 = arith.constant 0 : i32
        %dma_wait3A_133 = tpu.memref_slice %arg31[%dma_wait3A_132] : memref<1568xf32, #tpu.memory_space<vmem>> -> memref<1216xf32, #tpu.memory_space<vmem>>
        %dma_wait3A_134 = tpu.memref_slice %arg2[%add3A_115] : memref<100000xf32, #tpu.memory_space<hbm>> -> memref<1216xf32, #tpu.memory_space<hbm>>
        tpu.wait_dma2 semaphore(%run_scoped3A : memref<!tpu.dma_semaphore, #tpu.memory_space<semaphore_mem>>) src(%dma_wait3A_134 : memref<1216xf32, #tpu.memory_space<hbm>>) dst(%dma_wait3A_133 : memref<1216xf32, #tpu.memory_space<vmem>>)
        tpu.yield
      }) : () -> ()
      "tpu.region"() ({
        %run_scoped3A = tpu.sem_alloc : memref<!tpu.dma_semaphore, #tpu.memory_space<semaphore_mem>>
        %dma_start3A_123 = arith.constant 0 : i32
        %dma_start3A_124 = tpu.memref_slice %arg32[%dma_start3A_123] : memref<1568xf32, #tpu.memory_space<vmem>> -> memref<1216xf32, #tpu.memory_space<vmem>>
        %dma_start3A_125 = tpu.memref_slice %arg3[%add3A_115] : memref<100000xf32, #tpu.memory_space<hbm>> -> memref<1216xf32, #tpu.memory_space<hbm>>
        %dma_start3A_126 = arith.constant 0 : i32
        %dma_start3A_127 = tpu.memref_slice %arg32[%dma_start3A_126] : memref<1568xf32, #tpu.memory_space<vmem>> -> memref<1216xf32, #tpu.memory_space<vmem>>
        %dma_start3A_128 = tpu.memref_slice %arg3[%add3A_115] : memref<100000xf32, #tpu.memory_space<hbm>> -> memref<1216xf32, #tpu.memory_space<hbm>>
        tpu.enqueue_dma source(%dma_start3A_128 : memref<1216xf32, #tpu.memory_space<hbm>>) target(%dma_start3A_127 : memref<1216xf32, #tpu.memory_space<vmem>>) target_semaphore(%run_scoped3A : memref<!tpu.dma_semaphore, #tpu.memory_space<semaphore_mem>>)
        %dma_wait3A_129 = arith.constant 0 : i32
        %dma_wait3A_130 = tpu.memref_slice %arg32[%dma_wait3A_129] : memref<1568xf32, #tpu.memory_space<vmem>> -> memref<1216xf32, #tpu.memory_space<vmem>>
        %dma_wait3A_131 = tpu.memref_slice %arg3[%add3A_115] : memref<100000xf32, #tpu.memory_space<hbm>> -> memref<1216xf32, #tpu.memory_space<hbm>>
        %dma_wait3A_132 = arith.constant 0 : i32
        %dma_wait3A_133 = tpu.memref_slice %arg32[%dma_wait3A_132] : memref<1568xf32, #tpu.memory_space<vmem>> -> memref<1216xf32, #tpu.memory_space<vmem>>
        %dma_wait3A_134 = tpu.memref_slice %arg3[%add3A_115] : memref<100000xf32, #tpu.memory_space<hbm>> -> memref<1216xf32, #tpu.memory_space<hbm>>
        tpu.wait_dma2 semaphore(%run_scoped3A : memref<!tpu.dma_semaphore, #tpu.memory_space<semaphore_mem>>) src(%dma_wait3A_134 : memref<1216xf32, #tpu.memory_space<hbm>>) dst(%dma_wait3A_133 : memref<1216xf32, #tpu.memory_space<vmem>>)
        tpu.yield
      }) : () -> ()
      "tpu.region"() ({
        %run_scoped3A = tpu.sem_alloc : memref<!tpu.dma_semaphore, #tpu.memory_space<semaphore_mem>>
        %dma_start3A_123 = arith.constant 0 : i32
        %dma_start3A_124 = tpu.memref_slice %arg33[%dma_start3A_123] : memref<1568xf32, #tpu.memory_space<vmem>> -> memref<1216xf32, #tpu.memory_space<vmem>>
        %dma_start3A_125 = tpu.memref_slice %arg4[%add3A_115] : memref<100000xf32, #tpu.memory_space<hbm>> -> memref<1216xf32, #tpu.memory_space<hbm>>
        %dma_start3A_126 = arith.constant 0 : i32
        %dma_start3A_127 = tpu.memref_slice %arg33[%dma_start3A_126] : memref<1568xf32, #tpu.memory_space<vmem>> -> memref<1216xf32, #tpu.memory_space<vmem>>
        %dma_start3A_128 = tpu.memref_slice %arg4[%add3A_115] : memref<100000xf32, #tpu.memory_space<hbm>> -> memref<1216xf32, #tpu.memory_space<hbm>>
        tpu.enqueue_dma source(%dma_start3A_128 : memref<1216xf32, #tpu.memory_space<hbm>>) target(%dma_start3A_127 : memref<1216xf32, #tpu.memory_space<vmem>>) target_semaphore(%run_scoped3A : memref<!tpu.dma_semaphore, #tpu.memory_space<semaphore_mem>>)
        %dma_wait3A_129 = arith.constant 0 : i32
        %dma_wait3A_130 = tpu.memref_slice %arg33[%dma_wait3A_129] : memref<1568xf32, #tpu.memory_space<vmem>> -> memref<1216xf32, #tpu.memory_space<vmem>>
        %dma_wait3A_131 = tpu.memref_slice %arg4[%add3A_115] : memref<100000xf32, #tpu.memory_space<hbm>> -> memref<1216xf32, #tpu.memory_space<hbm>>
        %dma_wait3A_132 = arith.constant 0 : i32
        %dma_wait3A_133 = tpu.memref_slice %arg33[%dma_wait3A_132] : memref<1568xf32, #tpu.memory_space<vmem>> -> memref<1216xf32, #tpu.memory_space<vmem>>
        %dma_wait3A_134 = tpu.memref_slice %arg4[%add3A_115] : memref<100000xf32, #tpu.memory_space<hbm>> -> memref<1216xf32, #tpu.memory_space<hbm>>
        tpu.wait_dma2 semaphore(%run_scoped3A : memref<!tpu.dma_semaphore, #tpu.memory_space<semaphore_mem>>) src(%dma_wait3A_134 : memref<1216xf32, #tpu.memory_space<hbm>>) dst(%dma_wait3A_133 : memref<1216xf32, #tpu.memory_space<vmem>>)
        tpu.yield
      }) : () -> ()
      %scan3A_116 = arith.constant 0 : i32
      %scan3A_117 = arith.constant 0 : i32
      %scan3A_118 = arith.constant 76 : i32
      %scan3A_119 = arith.addi %scan3A_117, %scan3A_118 : i32
      %scan3A_120 = arith.constant 1 : i32
      %scan3A_121 = scf.for %scan3A_123 = %scan3A_117 to %scan3A_119 step %scan3A_120 iter_args(%scan3A_124 = %scan3A_116) -> (i32)  : i32 {
        %mul3A_125 = arith.constant 16 : i32
        %mul3A_126 = arith.muli %scan3A_123, %mul3A_125 : i32
        %add3A_127 = vector.broadcast %mul3A_126 : i32 to vector<16xi32>
        %add3A_128 = arith.addi %add3A_127, %iota3A : vector<16xi32>
        %gather3A = tpu.vector_load_idx %arg31[%add3A_128] : memref<1568xf32, #tpu.memory_space<vmem>>[vector<16xi32>], vector<16xf32>,
        %gather3A_129 = tpu.vector_load_idx %arg32[%add3A_128] : memref<1568xf32, #tpu.memory_space<vmem>>[vector<16xi32>], vector<16xf32>,
        %gather3A_130 = tpu.vector_load_idx %arg33[%add3A_128] : memref<1568xf32, #tpu.memory_space<vmem>>[vector<16xi32>], vector<16xf32>,
        %mul3A_131 = arith.mulf %gather3A, %gather3A_130 : vector<16xf32>
        %mul3A_132 = arith.mulf %gather3A_129, %gather3A_130 : vector<16xf32>
        %pack3A = tpu.pack_subelements %mul3A_131, %mul3A_132 {pack_format = #tpu.pack_format<interleaved>, positions = array<i32: 0, 1>} : vector<16xf32>, vector<16xf32> -> vector<32xbf16>
        %bitcast3A = vector.bitcast %pack3A : vector<32xbf16> to vector<16xf32>
        tpu.vector_store_idx %arg34[%add3A_128], %bitcast3A : memref<1568xf32, #tpu.memory_space<vmem>>[vector<16xi32>], vector<16xf32>,
        %scan3A_133 = arith.constant 0 : i32
        scf.yield %scan3A_133 : i32
      }
      %scan3A_122 = arith.constant 76 : i32
      "tpu.region"() ({
        %run_scoped3A = tpu.sem_alloc : memref<!tpu.dma_semaphore, #tpu.memory_space<semaphore_mem>>
        %dma_start3A_123 = arith.constant 0 : i32
        %dma_start3A_124 = tpu.memref_slice %arg34[%dma_start3A_123] : memref<1568xf32, #tpu.memory_space<vmem>> -> memref<1216xf32, #tpu.memory_space<vmem>>
        %dma_start3A_125 = tpu.memref_slice %arg35[%add3A_115] : memref<100000xf32, #tpu.memory_space<vmem_shared>> -> memref<1216xf32, #tpu.memory_space<vmem_shared>>
        %dma_start3A_126 = tpu.memref_slice %arg35[%add3A_115] : memref<100000xf32, #tpu.memory_space<vmem_shared>> -> memref<1216xf32, #tpu.memory_space<vmem_shared>>
        %dma_start3A_127 = arith.constant 0 : i32
        %dma_start3A_128 = tpu.memref_slice %arg34[%dma_start3A_127] : memref<1568xf32, #tpu.memory_space<vmem>> -> memref<1216xf32, #tpu.memory_space<vmem>>
        tpu.enqueue_dma source(%dma_start3A_128 : memref<1216xf32, #tpu.memory_space<vmem>>) target(%dma_start3A_126 : memref<1216xf32, #tpu.memory_space<vmem_shared>>) target_semaphore(%run_scoped3A : memref<!tpu.dma_semaphore, #tpu.memory_space<semaphore_mem>>)
        %dma_wait3A_129 = arith.constant 0 : i32
        %dma_wait3A_130 = tpu.memref_slice %arg34[%dma_wait3A_129] : memref<1568xf32, #tpu.memory_space<vmem>> -> memref<1216xf32, #tpu.memory_space<vmem>>
        %dma_wait3A_131 = tpu.memref_slice %arg35[%add3A_115] : memref<100000xf32, #tpu.memory_space<vmem_shared>> -> memref<1216xf32, #tpu.memory_space<vmem_shared>>
        %dma_wait3A_132 = tpu.memref_slice %arg35[%add3A_115] : memref<100000xf32, #tpu.memory_space<vmem_shared>> -> memref<1216xf32, #tpu.memory_space<vmem_shared>>
        %dma_wait3A_133 = arith.constant 0 : i32
        %dma_wait3A_134 = tpu.memref_slice %arg34[%dma_wait3A_133] : memref<1568xf32, #tpu.memory_space<vmem>> -> memref<1216xf32, #tpu.memory_space<vmem>>
        tpu.wait_dma2 semaphore(%run_scoped3A : memref<!tpu.dma_semaphore, #tpu.memory_space<semaphore_mem>>) src(%dma_wait3A_134 : memref<1216xf32, #tpu.memory_space<vmem>>) dst(%dma_wait3A_132 : memref<1216xf32, #tpu.memory_space<vmem_shared>>)
        tpu.yield
      }) : () -> ()
    } else {
    }
    %barrier3A = arith.constant 0 : index
    tpu.barrier barrier_id(%barrier3A)
    %mul3A_30 = arith.constant 200000 : i32
    %mul3A_31 = arith.muli %add3A, %mul3A_30 : i32
    %broadcast_in_dim3A_32 = arith.constant 0 : i32
    %broadcast_in_dim3A_33 = vector.broadcast %broadcast_in_dim3A_32 : i32 to vector<16xi32>
    %add3A_34 = arith.constant 0 : i32
    %add3A_35 = arith.addi %mul3A_31, %add3A_34 : i32
    %dma_start3A = arith.constant 0 : i32
    %dma_start3A_36 = arith.constant 0 : i32
    %dma_start3A_37 = tpu.memref_slice %arg11[%dma_start3A, %dma_start3A_36] : memref<1x4000xi32, #tpu.memory_space<vmem>> -> memref<1x4000xi32, #tpu.memory_space<vmem>>
    %dma_start3A_38 = tpu.memref_squeeze %dma_start3A_37 : memref<1x4000xi32, #tpu.memory_space<vmem>> -> memref<4000xi32, #tpu.memory_space<vmem>>
    %dma_start3A_39 = tpu.memref_slice %arg5[%add3A_35] : memref<6400000xi32, #tpu.memory_space<hbm>> -> memref<4000xi32, #tpu.memory_space<hbm>>
    %dma_start3A_40 = arith.constant 0 : i32
    %dma_start3A_41 = tpu.memref_slice %arg11[%dma_start3A, %dma_start3A_40] : memref<1x4000xi32, #tpu.memory_space<vmem>> -> memref<1x4000xi32, #tpu.memory_space<vmem>>
    %dma_start3A_42 = tpu.memref_squeeze %dma_start3A_41 : memref<1x4000xi32, #tpu.memory_space<vmem>> -> memref<4000xi32, #tpu.memory_space<vmem>>
    %dma_start3A_43 = tpu.memref_slice %arg5[%add3A_35] : memref<6400000xi32, #tpu.memory_space<hbm>> -> memref<4000xi32, #tpu.memory_space<hbm>>
    tpu.enqueue_dma source(%dma_start3A_43 : memref<4000xi32, #tpu.memory_space<hbm>>) target(%dma_start3A_42 : memref<4000xi32, #tpu.memory_space<vmem>>) target_semaphore(%arg39 : memref<!tpu.dma_semaphore, #tpu.memory_space<semaphore_mem>>)
    %dma_start3A_44 = arith.constant 0 : i32
    %dma_start3A_45 = arith.constant 0 : i32
    %dma_start3A_46 = tpu.memref_slice %arg13[%dma_start3A_44, %dma_start3A_45] : memref<1x4000xi32, #tpu.memory_space<vmem>> -> memref<1x4000xi32, #tpu.memory_space<vmem>>
    %dma_start3A_47 = tpu.memref_squeeze %dma_start3A_46 : memref<1x4000xi32, #tpu.memory_space<vmem>> -> memref<4000xi32, #tpu.memory_space<vmem>>
    %dma_start3A_48 = tpu.memref_slice %arg6[%add3A_35] : memref<6400000xi32, #tpu.memory_space<hbm>> -> memref<4000xi32, #tpu.memory_space<hbm>>
    %dma_start3A_49 = arith.constant 0 : i32
    %dma_start3A_50 = tpu.memref_slice %arg13[%dma_start3A_44, %dma_start3A_49] : memref<1x4000xi32, #tpu.memory_space<vmem>> -> memref<1x4000xi32, #tpu.memory_space<vmem>>
    %dma_start3A_51 = tpu.memref_squeeze %dma_start3A_50 : memref<1x4000xi32, #tpu.memory_space<vmem>> -> memref<4000xi32, #tpu.memory_space<vmem>>
    %dma_start3A_52 = tpu.memref_slice %arg6[%add3A_35] : memref<6400000xi32, #tpu.memory_space<hbm>> -> memref<4000xi32, #tpu.memory_space<hbm>>
    tpu.enqueue_dma source(%dma_start3A_52 : memref<4000xi32, #tpu.memory_space<hbm>>) target(%dma_start3A_51 : memref<4000xi32, #tpu.memory_space<vmem>>) target_semaphore(%arg39 : memref<!tpu.dma_semaphore, #tpu.memory_space<semaphore_mem>>)
    %dma_start3A_53 = tpu.memref_slice %arg7[%add3A_35] : memref<6400000xf32, #tpu.memory_space<hbm>> -> memref<4000xf32, #tpu.memory_space<hbm>>
    %dma_start3A_54 = tpu.memref_slice %arg7[%add3A_35] : memref<6400000xf32, #tpu.memory_space<hbm>> -> memref<4000xf32, #tpu.memory_space<hbm>>
    tpu.enqueue_dma source(%dma_start3A_54 : memref<4000xf32, #tpu.memory_space<hbm>>) target(%arg17 : memref<4000xf32, #tpu.memory_space<vmem>>) target_semaphore(%arg39 : memref<!tpu.dma_semaphore, #tpu.memory_space<semaphore_mem>>)
    %dma_start3A_55 = tpu.memref_slice %arg8[%add3A_35] : memref<6400000xf32, #tpu.memory_space<hbm>> -> memref<4000xf32, #tpu.memory_space<hbm>>
    %dma_start3A_56 = tpu.memref_slice %arg8[%add3A_35] : memref<6400000xf32, #tpu.memory_space<hbm>> -> memref<4000xf32, #tpu.memory_space<hbm>>
    tpu.enqueue_dma source(%dma_start3A_56 : memref<4000xf32, #tpu.memory_space<hbm>>) target(%arg19 : memref<4000xf32, #tpu.memory_space<vmem>>) target_semaphore(%arg39 : memref<!tpu.dma_semaphore, #tpu.memory_space<semaphore_mem>>)
    %scan3A_57 = arith.constant 0 : i32
    %scan3A_58 = arith.constant 0 : i32
    %scan3A_59 = arith.constant 25 : i32
    %scan3A_60 = arith.addi %scan3A_58, %scan3A_59 : i32
    %scan3A_61 = arith.constant 1 : i32
    %scan3A_62 = scf.for %scan3A_114 = %scan3A_58 to %scan3A_60 step %scan3A_61 iter_args(%scan3A_115 = %scan3A_57) -> (i32)  : i32 {
      %mul3A_116 = arith.constant 2 : i32
      %mul3A_117 = arith.muli %mul3A_116, %scan3A_114 : i32
      %add3A_118 = arith.constant 1 : i32
      %add3A_119 = arith.addi %mul3A_117, %add3A_118 : i32
      %mul3A_120 = arith.constant 4000 : i32
      %mul3A_121 = arith.muli %add3A_119, %mul3A_120 : i32
      %add3A_122 = arith.addi %mul3A_31, %mul3A_121 : i32
      %dma_start3A_123 = arith.constant 0 : i32
      %dma_start3A_124 = arith.constant 0 : i32
      %dma_start3A_125 = tpu.memref_slice %arg12[%dma_start3A_123, %dma_start3A_124] : memref<1x4000xi32, #tpu.memory_space<vmem>> -> memref<1x4000xi32, #tpu.memory_space<vmem>>
      %dma_start3A_126 = tpu.memref_squeeze %dma_start3A_125 : memref<1x4000xi32, #tpu.memory_space<vmem>> -> memref<4000xi32, #tpu.memory_space<vmem>>
      %dma_start3A_127 = tpu.memref_slice %arg5[%add3A_122] : memref<6400000xi32, #tpu.memory_space<hbm>> -> memref<4000xi32, #tpu.memory_space<hbm>>
      %dma_start3A_128 = arith.constant 0 : i32
      %dma_start3A_129 = tpu.memref_slice %arg12[%dma_start3A_123, %dma_start3A_128] : memref<1x4000xi32, #tpu.memory_space<vmem>> -> memref<1x4000xi32, #tpu.memory_space<vmem>>
      %dma_start3A_130 = tpu.memref_squeeze %dma_start3A_129 : memref<1x4000xi32, #tpu.memory_space<vmem>> -> memref<4000xi32, #tpu.memory_space<vmem>>
      %dma_start3A_131 = tpu.memref_slice %arg5[%add3A_122] : memref<6400000xi32, #tpu.memory_space<hbm>> -> memref<4000xi32, #tpu.memory_space<hbm>>
      tpu.enqueue_dma source(%dma_start3A_131 : memref<4000xi32, #tpu.memory_space<hbm>>) target(%dma_start3A_130 : memref<4000xi32, #tpu.memory_space<vmem>>) target_semaphore(%arg39 : memref<!tpu.dma_semaphore, #tpu.memory_space<semaphore_mem>>)
      %dma_start3A_132 = arith.constant 0 : i32
      %dma_start3A_133 = arith.constant 0 : i32
      %dma_start3A_134 = tpu.memref_slice %arg14[%dma_start3A_132, %dma_start3A_133] : memref<1x4000xi32, #tpu.memory_space<vmem>> -> memref<1x4000xi32, #tpu.memory_space<vmem>>
      %dma_start3A_135 = tpu.memref_squeeze %dma_start3A_134 : memref<1x4000xi32, #tpu.memory_space<vmem>> -> memref<4000xi32, #tpu.memory_space<vmem>>
      %dma_start3A_136 = tpu.memref_slice %arg6[%add3A_122] : memref<6400000xi32, #tpu.memory_space<hbm>> -> memref<4000xi32, #tpu.memory_space<hbm>>
      %dma_start3A_137 = arith.constant 0 : i32
      %dma_start3A_138 = tpu.memref_slice %arg14[%dma_start3A_132, %dma_start3A_137] : memref<1x4000xi32, #tpu.memory_space<vmem>> -> memref<1x4000xi32, #tpu.memory_space<vmem>>
      %dma_start3A_139 = tpu.memref_squeeze %dma_start3A_138 : memref<1x4000xi32, #tpu.memory_space<vmem>> -> memref<4000xi32, #tpu.memory_space<vmem>>
      %dma_start3A_140 = tpu.memref_slice %arg6[%add3A_122] : memref<6400000xi32, #tpu.memory_space<hbm>> -> memref<4000xi32, #tpu.memory_space<hbm>>
      tpu.enqueue_dma source(%dma_start3A_140 : memref<4000xi32, #tpu.memory_space<hbm>>) target(%dma_start3A_139 : memref<4000xi32, #tpu.memory_space<vmem>>) target_semaphore(%arg39 : memref<!tpu.dma_semaphore, #tpu.memory_space<semaphore_mem>>)
      %dma_start3A_141 = tpu.memref_slice %arg7[%add3A_122] : memref<6400000xf32, #tpu.memory_space<hbm>> -> memref<4000xf32, #tpu.memory_space<hbm>>
      %dma_start3A_142 = tpu.memref_slice %arg7[%add3A_122] : memref<6400000xf32, #tpu.memory_space<hbm>> -> memref<4000xf32, #tpu.memory_space<hbm>>
      tpu.enqueue_dma source(%dma_start3A_142 : memref<4000xf32, #tpu.memory_space<hbm>>) target(%arg18 : memref<4000xf32, #tpu.memory_space<vmem>>) target_semaphore(%arg39 : memref<!tpu.dma_semaphore, #tpu.memory_space<semaphore_mem>>)
      %dma_start3A_143 = tpu.memref_slice %arg8[%add3A_122] : memref<6400000xf32, #tpu.memory_space<hbm>> -> memref<4000xf32, #tpu.memory_space<hbm>>
      %dma_start3A_144 = tpu.memref_slice %arg8[%add3A_122] : memref<6400000xf32, #tpu.memory_space<hbm>> -> memref<4000xf32, #tpu.memory_space<hbm>>
      tpu.enqueue_dma source(%dma_start3A_144 : memref<4000xf32, #tpu.memory_space<hbm>>) target(%arg20 : memref<4000xf32, #tpu.memory_space<vmem>>) target_semaphore(%arg39 : memref<!tpu.dma_semaphore, #tpu.memory_space<semaphore_mem>>)
      %dma_wait3A_145 = arith.constant 0 : i32
      %dma_wait3A_146 = arith.constant 0 : i32
      %dma_wait3A_147 = tpu.memref_slice %arg11[%dma_wait3A_145, %dma_wait3A_146] : memref<1x4000xi32, #tpu.memory_space<vmem>> -> memref<1x4000xi32, #tpu.memory_space<vmem>>
      %dma_wait3A_148 = tpu.memref_squeeze %dma_wait3A_147 : memref<1x4000xi32, #tpu.memory_space<vmem>> -> memref<4000xi32, #tpu.memory_space<vmem>>
      %dma_wait3A_149 = arith.constant 0 : i32
      %dma_wait3A_150 = tpu.memref_slice %arg5[%dma_wait3A_149] : memref<6400000xi32, #tpu.memory_space<hbm>> -> memref<4000xi32, #tpu.memory_space<hbm>>
      %dma_wait3A_151 = arith.constant 0 : i32
      %dma_wait3A_152 = tpu.memref_slice %arg11[%dma_wait3A_145, %dma_wait3A_151] : memref<1x4000xi32, #tpu.memory_space<vmem>> -> memref<1x4000xi32, #tpu.memory_space<vmem>>
      %dma_wait3A_153 = tpu.memref_squeeze %dma_wait3A_152 : memref<1x4000xi32, #tpu.memory_space<vmem>> -> memref<4000xi32, #tpu.memory_space<vmem>>
      %dma_wait3A_154 = arith.constant 0 : i32
      %dma_wait3A_155 = tpu.memref_slice %arg5[%dma_wait3A_154] : memref<6400000xi32, #tpu.memory_space<hbm>> -> memref<4000xi32, #tpu.memory_space<hbm>>
      tpu.wait_dma2 semaphore(%arg39 : memref<!tpu.dma_semaphore, #tpu.memory_space<semaphore_mem>>) src(%dma_wait3A_155 : memref<4000xi32, #tpu.memory_space<hbm>>) dst(%dma_wait3A_153 : memref<4000xi32, #tpu.memory_space<vmem>>)
      %dma_wait3A_156 = arith.constant 0 : i32
      %dma_wait3A_157 = arith.constant 0 : i32
      %dma_wait3A_158 = tpu.memref_slice %arg13[%dma_wait3A_156, %dma_wait3A_157] : memref<1x4000xi32, #tpu.memory_space<vmem>> -> memref<1x4000xi32, #tpu.memory_space<vmem>>
      %dma_wait3A_159 = tpu.memref_squeeze %dma_wait3A_158 : memref<1x4000xi32, #tpu.memory_space<vmem>> -> memref<4000xi32, #tpu.memory_space<vmem>>
      %dma_wait3A_160 = arith.constant 0 : i32
      %dma_wait3A_161 = tpu.memref_slice %arg6[%dma_wait3A_160] : memref<6400000xi32, #tpu.memory_space<hbm>> -> memref<4000xi32, #tpu.memory_space<hbm>>
      %dma_wait3A_162 = arith.constant 0 : i32
      %dma_wait3A_163 = tpu.memref_slice %arg13[%dma_wait3A_156, %dma_wait3A_162] : memref<1x4000xi32, #tpu.memory_space<vmem>> -> memref<1x4000xi32, #tpu.memory_space<vmem>>
      %dma_wait3A_164 = tpu.memref_squeeze %dma_wait3A_163 : memref<1x4000xi32, #tpu.memory_space<vmem>> -> memref<4000xi32, #tpu.memory_space<vmem>>
      %dma_wait3A_165 = arith.constant 0 : i32
      %dma_wait3A_166 = tpu.memref_slice %arg6[%dma_wait3A_165] : memref<6400000xi32, #tpu.memory_space<hbm>> -> memref<4000xi32, #tpu.memory_space<hbm>>
      tpu.wait_dma2 semaphore(%arg39 : memref<!tpu.dma_semaphore, #tpu.memory_space<semaphore_mem>>) src(%dma_wait3A_166 : memref<4000xi32, #tpu.memory_space<hbm>>) dst(%dma_wait3A_164 : memref<4000xi32, #tpu.memory_space<vmem>>)
      %dma_wait3A_167 = arith.constant 0 : i32
      %dma_wait3A_168 = tpu.memref_slice %arg7[%dma_wait3A_167] : memref<6400000xf32, #tpu.memory_space<hbm>> -> memref<4000xf32, #tpu.memory_space<hbm>>
      %dma_wait3A_169 = arith.constant 0 : i32
      %dma_wait3A_170 = tpu.memref_slice %arg7[%dma_wait3A_169] : memref<6400000xf32, #tpu.memory_space<hbm>> -> memref<4000xf32, #tpu.memory_space<hbm>>
      tpu.wait_dma2 semaphore(%arg39 : memref<!tpu.dma_semaphore, #tpu.memory_space<semaphore_mem>>) src(%dma_wait3A_170 : memref<4000xf32, #tpu.memory_space<hbm>>) dst(%arg17 : memref<4000xf32, #tpu.memory_space<vmem>>)
      %dma_wait3A_171 = arith.constant 0 : i32
      %dma_wait3A_172 = tpu.memref_slice %arg8[%dma_wait3A_171] : memref<6400000xf32, #tpu.memory_space<hbm>> -> memref<4000xf32, #tpu.memory_space<hbm>>
      %dma_wait3A_173 = arith.constant 0 : i32
      %dma_wait3A_174 = tpu.memref_slice %arg8[%dma_wait3A_173] : memref<6400000xf32, #tpu.memory_space<hbm>> -> memref<4000xf32, #tpu.memory_space<hbm>>
      tpu.wait_dma2 semaphore(%arg39 : memref<!tpu.dma_semaphore, #tpu.memory_space<semaphore_mem>>) src(%dma_wait3A_174 : memref<4000xf32, #tpu.memory_space<hbm>>) dst(%arg19 : memref<4000xf32, #tpu.memory_space<vmem>>)
      %dma_start3A_175 = arith.constant 0 : i32
      %dma_start3A_176 = arith.constant 0 : i32
      %dma_start3A_177 = tpu.memref_slice %arg11[%dma_start3A_175, %dma_start3A_176] : memref<1x4000xi32, #tpu.memory_space<vmem>> -> memref<1x4000xi32, #tpu.memory_space<vmem>>
      %dma_start3A_178 = tpu.memref_squeeze %dma_start3A_177 : memref<1x4000xi32, #tpu.memory_space<vmem>> -> memref<4000xi32, #tpu.memory_space<vmem>>
      %dma_start3A_179 = arith.constant 0 : i32
      %dma_start3A_180 = tpu.memref_slice %arg35[%dma_start3A_179] : memref<100000xf32, #tpu.memory_space<vmem_shared>> -> memref<100000xf32, #tpu.memory_space<vmem_shared>>
      tpu.enqueue_indirect_dma source(%dma_start3A_180 : memref<100000xf32, #tpu.memory_space<vmem_shared>>) target(%arg21 : memref<4000xf32, #tpu.memory_space<vmem>>) offsets(%dma_start3A_178 : memref<4000xi32, #tpu.memory_space<vmem>>) semaphore(%arg40 : memref<!tpu.dma_semaphore, #tpu.memory_space<semaphore_mem>>)
      %dma_start3A_181 = arith.constant 0 : i32
      %dma_start3A_182 = arith.constant 0 : i32
      %dma_start3A_183 = tpu.memref_slice %arg13[%dma_start3A_181, %dma_start3A_182] : memref<1x4000xi32, #tpu.memory_space<vmem>> -> memref<1x4000xi32, #tpu.memory_space<vmem>>
      %dma_start3A_184 = tpu.memref_squeeze %dma_start3A_183 : memref<1x4000xi32, #tpu.memory_space<vmem>> -> memref<4000xi32, #tpu.memory_space<vmem>>
      %dma_start3A_185 = arith.constant 0 : i32
      %dma_start3A_186 = tpu.memref_slice %arg35[%dma_start3A_185] : memref<100000xf32, #tpu.memory_space<vmem_shared>> -> memref<100000xf32, #tpu.memory_space<vmem_shared>>
      tpu.enqueue_indirect_dma source(%dma_start3A_186 : memref<100000xf32, #tpu.memory_space<vmem_shared>>) target(%arg23 : memref<4000xf32, #tpu.memory_space<vmem>>) offsets(%dma_start3A_184 : memref<4000xi32, #tpu.memory_space<vmem>>) semaphore(%arg40 : memref<!tpu.dma_semaphore, #tpu.memory_space<semaphore_mem>>)
      %gt3A = arith.constant 0 : i32
      %gt3A_187 = arith.cmpi sgt, %scan3A_114, %gt3A : i32
      %convert_element_type3A_188 = arith.extui %gt3A_187 : i1 to i32
      %cond3A_189 = arith.constant 0 : i32
      %cond3A_190 = arith.cmpi ne, %convert_element_type3A_188, %cond3A_189 : i32
      scf.if %cond3A_190 {
        %dma_wait3A_318 = arith.constant 0 : i32
        %dma_wait3A_319 = arith.constant 0 : i32
        %dma_wait3A_320 = tpu.memref_slice %arg15[%dma_wait3A_318, %dma_wait3A_319] : memref<1x4000xi32, #tpu.memory_space<vmem>> -> memref<1x4000xi32, #tpu.memory_space<vmem>>
        %dma_wait3A_321 = tpu.memref_squeeze %dma_wait3A_320 : memref<1x4000xi32, #tpu.memory_space<vmem>> -> memref<4000xi32, #tpu.memory_space<vmem>>
        %dma_wait3A_322 = arith.constant 0 : i32
        %dma_wait3A_323 = tpu.memref_slice %arg36[%dma_wait3A_322] : memref<100000xf32, #tpu.memory_space<vmem_shared>> -> memref<100000xf32, #tpu.memory_space<vmem_shared>>
        tpu.wait_indirect_dma semaphore(%arg41 : memref<!tpu.dma_semaphore, #tpu.memory_space<semaphore_mem>>) src(%arg25 : memref<4000xf32, #tpu.memory_space<vmem>>) dst(%dma_wait3A_323 : memref<100000xf32, #tpu.memory_space<vmem_shared>>)
        %dma_wait3A_324 = arith.constant 0 : i32
        %dma_wait3A_325 = arith.constant 0 : i32
        %dma_wait3A_326 = tpu.memref_slice %arg15[%dma_wait3A_324, %dma_wait3A_325] : memref<1x4000xi32, #tpu.memory_space<vmem>> -> memref<1x4000xi32, #tpu.memory_space<vmem>>
        %dma_wait3A_327 = tpu.memref_squeeze %dma_wait3A_326 : memref<1x4000xi32, #tpu.memory_space<vmem>> -> memref<4000xi32, #tpu.memory_space<vmem>>
        %dma_wait3A_328 = arith.constant 0 : i32
        %dma_wait3A_329 = tpu.memref_slice %arg37[%dma_wait3A_328] : memref<100000xf32, #tpu.memory_space<vmem_shared>> -> memref<100000xf32, #tpu.memory_space<vmem_shared>>
        tpu.wait_indirect_dma semaphore(%arg41 : memref<!tpu.dma_semaphore, #tpu.memory_space<semaphore_mem>>) src(%arg27 : memref<4000xf32, #tpu.memory_space<vmem>>) dst(%dma_wait3A_329 : memref<100000xf32, #tpu.memory_space<vmem_shared>>)
        %dma_wait3A_330 = arith.constant 0 : i32
        %dma_wait3A_331 = arith.constant 0 : i32
        %dma_wait3A_332 = tpu.memref_slice %arg15[%dma_wait3A_330, %dma_wait3A_331] : memref<1x4000xi32, #tpu.memory_space<vmem>> -> memref<1x4000xi32, #tpu.memory_space<vmem>>
        %dma_wait3A_333 = tpu.memref_squeeze %dma_wait3A_332 : memref<1x4000xi32, #tpu.memory_space<vmem>> -> memref<4000xi32, #tpu.memory_space<vmem>>
        %dma_wait3A_334 = arith.constant 0 : i32
        %dma_wait3A_335 = tpu.memref_slice %arg38[%dma_wait3A_334] : memref<100000xf32, #tpu.memory_space<vmem_shared>> -> memref<100000xf32, #tpu.memory_space<vmem_shared>>
        tpu.wait_indirect_dma semaphore(%arg41 : memref<!tpu.dma_semaphore, #tpu.memory_space<semaphore_mem>>) src(%arg29 : memref<4000xf32, #tpu.memory_space<vmem>>) dst(%dma_wait3A_335 : memref<100000xf32, #tpu.memory_space<vmem_shared>>)
      } else {
      }
      %dma_wait3A_191 = arith.constant 0 : i32
      %dma_wait3A_192 = arith.constant 0 : i32
      %dma_wait3A_193 = tpu.memref_slice %arg11[%dma_wait3A_191, %dma_wait3A_192] : memref<1x4000xi32, #tpu.memory_space<vmem>> -> memref<1x4000xi32, #tpu.memory_space<vmem>>
      %dma_wait3A_194 = tpu.memref_squeeze %dma_wait3A_193 : memref<1x4000xi32, #tpu.memory_space<vmem>> -> memref<4000xi32, #tpu.memory_space<vmem>>
      %dma_wait3A_195 = arith.constant 0 : i32
      %dma_wait3A_196 = tpu.memref_slice %arg35[%dma_wait3A_195] : memref<100000xf32, #tpu.memory_space<vmem_shared>> -> memref<100000xf32, #tpu.memory_space<vmem_shared>>
      tpu.wait_indirect_dma semaphore(%arg40 : memref<!tpu.dma_semaphore, #tpu.memory_space<semaphore_mem>>) src(%dma_wait3A_196 : memref<100000xf32, #tpu.memory_space<vmem_shared>>) dst(%arg21 : memref<4000xf32, #tpu.memory_space<vmem>>)
      %dma_wait3A_197 = arith.constant 0 : i32
      %dma_wait3A_198 = arith.constant 0 : i32
      %dma_wait3A_199 = tpu.memref_slice %arg13[%dma_wait3A_197, %dma_wait3A_198] : memref<1x4000xi32, #tpu.memory_space<vmem>> -> memref<1x4000xi32, #tpu.memory_space<vmem>>
      %dma_wait3A_200 = tpu.memref_squeeze %dma_wait3A_199 : memref<1x4000xi32, #tpu.memory_space<vmem>> -> memref<4000xi32, #tpu.memory_space<vmem>>
      %dma_wait3A_201 = arith.constant 0 : i32
      %dma_wait3A_202 = tpu.memref_slice %arg35[%dma_wait3A_201] : memref<100000xf32, #tpu.memory_space<vmem_shared>> -> memref<100000xf32, #tpu.memory_space<vmem_shared>>
      tpu.wait_indirect_dma semaphore(%arg40 : memref<!tpu.dma_semaphore, #tpu.memory_space<semaphore_mem>>) src(%dma_wait3A_202 : memref<100000xf32, #tpu.memory_space<vmem_shared>>) dst(%arg23 : memref<4000xf32, #tpu.memory_space<vmem>>)
      %scan3A_203 = arith.constant 0 : i32
      %scan3A_204 = arith.constant 0 : i32
      %scan3A_205 = arith.constant 250 : i32
      %scan3A_206 = arith.addi %scan3A_204, %scan3A_205 : i32
      %scan3A_207 = arith.constant 1 : i32
      %scan3A_208 = scf.for %scan3A_318 = %scan3A_204 to %scan3A_206 step %scan3A_207 iter_args(%scan3A_319 = %scan3A_203) -> (i32)  : i32 {
        %mul3A_320 = arith.constant 16 : i32
        %mul3A_321 = arith.muli %scan3A_318, %mul3A_320 : i32
        %add3A_322 = vector.broadcast %mul3A_321 : i32 to vector<16xi32>
        %add3A_323 = arith.addi %add3A_322, %iota3A : vector<16xi32>
        %gather3A = tpu.vector_load_idx %arg17[%add3A_323] : memref<4000xf32, #tpu.memory_space<vmem>>[vector<16xi32>], vector<16xf32>,
        %gather3A_324 = tpu.vector_load_idx %arg19[%add3A_323] : memref<4000xf32, #tpu.memory_space<vmem>>[vector<16xi32>], vector<16xf32>,
        %gather3A_325 = tpu.vector_load_idx %arg21[%add3A_323] : memref<4000xf32, #tpu.memory_space<vmem>>[vector<16xi32>], vector<16xf32>,
        %gather3A_326 = tpu.vector_load_idx %arg23[%add3A_323] : memref<4000xf32, #tpu.memory_space<vmem>>[vector<16xi32>], vector<16xf32>,
        %gather3A_327 = tpu.vector_load_idx %arg13[%broadcast_in_dim3A_33, %add3A_323] : memref<1x4000xi32, #tpu.memory_space<vmem>>[vector<16xi32>, vector<16xi32>], vector<16xi32>,
        %bitcast3A = vector.bitcast %gather3A_325 : vector<16xf32> to vector<32xbf16>
        %unpack3A = tpu.unpack_subelements %bitcast3A, 0 {pack_format = #tpu.pack_format<interleaved>} : vector<32xbf16> -> vector<16xf32>
        %unpack3A_328 = tpu.unpack_subelements %bitcast3A, 1 {pack_format = #tpu.pack_format<interleaved>} : vector<32xbf16> -> vector<16xf32>
        %bitcast3A_329 = vector.bitcast %gather3A_326 : vector<16xf32> to vector<32xbf16>
        %unpack3A_330 = tpu.unpack_subelements %bitcast3A_329, 0 {pack_format = #tpu.pack_format<interleaved>} : vector<32xbf16> -> vector<16xf32>
        %unpack3A_331 = tpu.unpack_subelements %bitcast3A_329, 1 {pack_format = #tpu.pack_format<interleaved>} : vector<32xbf16> -> vector<16xf32>
        %ne3A = arith.constant 0.000000e+00 : f32
        %ne3A_332 = vector.broadcast %ne3A : f32 to vector<16xf32>
        %ne3A_333 = arith.cmpf one, %gather3A, %ne3A_332 : vector<16xf32>
        %ne3A_334 = arith.constant 0.000000e+00 : f32
        %ne3A_335 = vector.broadcast %ne3A_334 : f32 to vector<16xf32>
        %ne3A_336 = arith.cmpf one, %gather3A_324, %ne3A_335 : vector<16xf32>
        %sub3A = arith.subf %unpack3A_330, %unpack3A : vector<16xf32>
        %select_n3A = arith.select %ne3A_333, %gather3A, %broadcast_in_dim3A_1 : vector<16xi1>, vector<16xf32>
        %div3A = arith.divf %sub3A, %select_n3A : vector<16xf32>
        %select_n3A_337 = arith.select %ne3A_333, %div3A, %broadcast_in_dim3A_3 : vector<16xi1>, vector<16xf32>
        %sub3A_338 = arith.subf %unpack3A_331, %unpack3A_328 : vector<16xf32>
        %select_n3A_339 = arith.select %ne3A_336, %gather3A_324, %broadcast_in_dim3A_1 : vector<16xi1>, vector<16xf32>
        %div3A_340 = arith.divf %sub3A_338, %select_n3A_339 : vector<16xf32>
        %select_n3A_341 = arith.select %ne3A_336, %div3A_340, %broadcast_in_dim3A_3 : vector<16xi1>, vector<16xf32>
        %select_n3A_342 = arith.select %ne3A_333, %broadcast_in_dim3A_1, %broadcast_in_dim3A_3 : vector<16xi1>, vector<16xf32>
        %select_n3A_343 = arith.select %ne3A_336, %broadcast_in_dim3A_1, %broadcast_in_dim3A_3 : vector<16xi1>, vector<16xf32>
        %mul3A_344 = arith.mulf %broadcast_in_dim3A_5, %select_n3A_343 : vector<16xf32>
        %add3A_345 = arith.addf %select_n3A_342, %mul3A_344 : vector<16xf32>
        tpu.vector_store_idx %arg25[%add3A_323], %select_n3A_337 : memref<4000xf32, #tpu.memory_space<vmem>>[vector<16xi32>], vector<16xf32>,
        tpu.vector_store_idx %arg27[%add3A_323], %select_n3A_341 : memref<4000xf32, #tpu.memory_space<vmem>>[vector<16xi32>], vector<16xf32>,
        tpu.vector_store_idx %arg29[%add3A_323], %add3A_345 : memref<4000xf32, #tpu.memory_space<vmem>>[vector<16xi32>], vector<16xf32>,
        tpu.vector_store_idx %arg15[%broadcast_in_dim3A_33, %add3A_323], %gather3A_327 : memref<1x4000xi32, #tpu.memory_space<vmem>>[vector<16xi32>, vector<16xi32>], vector<16xi32>,
        %scan3A_346 = arith.constant 0 : i32
        scf.yield %scan3A_346 : i32
      }
      %scan3A_209 = arith.constant 250 : i32
      %dma_start3A_210 = arith.constant 0 : i32
      %dma_start3A_211 = arith.constant 0 : i32
      %dma_start3A_212 = tpu.memref_slice %arg15[%dma_start3A_210, %dma_start3A_211] : memref<1x4000xi32, #tpu.memory_space<vmem>> -> memref<1x4000xi32, #tpu.memory_space<vmem>>
      %dma_start3A_213 = tpu.memref_squeeze %dma_start3A_212 : memref<1x4000xi32, #tpu.memory_space<vmem>> -> memref<4000xi32, #tpu.memory_space<vmem>>
      %dma_start3A_214 = arith.constant 0 : i32
      %dma_start3A_215 = tpu.memref_slice %arg36[%dma_start3A_214] : memref<100000xf32, #tpu.memory_space<vmem_shared>> -> memref<100000xf32, #tpu.memory_space<vmem_shared>>
      tpu.enqueue_indirect_dma source(%arg25 : memref<4000xf32, #tpu.memory_space<vmem>>) target(%dma_start3A_215 : memref<100000xf32, #tpu.memory_space<vmem_shared>>) offsets(%dma_start3A_213 : memref<4000xi32, #tpu.memory_space<vmem>>) semaphore(%arg41 : memref<!tpu.dma_semaphore, #tpu.memory_space<semaphore_mem>>) {add = true}
      %dma_start3A_216 = arith.constant 0 : i32
      %dma_start3A_217 = arith.constant 0 : i32
      %dma_start3A_218 = tpu.memref_slice %arg15[%dma_start3A_216, %dma_start3A_217] : memref<1x4000xi32, #tpu.memory_space<vmem>> -> memref<1x4000xi32, #tpu.memory_space<vmem>>
      %dma_start3A_219 = tpu.memref_squeeze %dma_start3A_218 : memref<1x4000xi32, #tpu.memory_space<vmem>> -> memref<4000xi32, #tpu.memory_space<vmem>>
      %dma_start3A_220 = arith.constant 0 : i32
      %dma_start3A_221 = tpu.memref_slice %arg37[%dma_start3A_220] : memref<100000xf32, #tpu.memory_space<vmem_shared>> -> memref<100000xf32, #tpu.memory_space<vmem_shared>>
      tpu.enqueue_indirect_dma source(%arg27 : memref<4000xf32, #tpu.memory_space<vmem>>) target(%dma_start3A_221 : memref<100000xf32, #tpu.memory_space<vmem_shared>>) offsets(%dma_start3A_219 : memref<4000xi32, #tpu.memory_space<vmem>>) semaphore(%arg41 : memref<!tpu.dma_semaphore, #tpu.memory_space<semaphore_mem>>) {add = true}
      %dma_start3A_222 = arith.constant 0 : i32
      %dma_start3A_223 = arith.constant 0 : i32
      %dma_start3A_224 = tpu.memref_slice %arg15[%dma_start3A_222, %dma_start3A_223] : memref<1x4000xi32, #tpu.memory_space<vmem>> -> memref<1x4000xi32, #tpu.memory_space<vmem>>
      %dma_start3A_225 = tpu.memref_squeeze %dma_start3A_224 : memref<1x4000xi32, #tpu.memory_space<vmem>> -> memref<4000xi32, #tpu.memory_space<vmem>>
      %dma_start3A_226 = arith.constant 0 : i32
      %dma_start3A_227 = tpu.memref_slice %arg38[%dma_start3A_226] : memref<100000xf32, #tpu.memory_space<vmem_shared>> -> memref<100000xf32, #tpu.memory_space<vmem_shared>>
      tpu.enqueue_indirect_dma source(%arg29 : memref<4000xf32, #tpu.memory_space<vmem>>) target(%dma_start3A_227 : memref<100000xf32, #tpu.memory_space<vmem_shared>>) offsets(%dma_start3A_225 : memref<4000xi32, #tpu.memory_space<vmem>>) semaphore(%arg41 : memref<!tpu.dma_semaphore, #tpu.memory_space<semaphore_mem>>) {add = true}
      %dma_wait3A_228 = arith.constant 0 : i32
      %dma_wait3A_229 = arith.constant 0 : i32
      %dma_wait3A_230 = tpu.memref_slice %arg12[%dma_wait3A_228, %dma_wait3A_229] : memref<1x4000xi32, #tpu.memory_space<vmem>> -> memref<1x4000xi32, #tpu.memory_space<vmem>>
      %dma_wait3A_231 = tpu.memref_squeeze %dma_wait3A_230 : memref<1x4000xi32, #tpu.memory_space<vmem>> -> memref<4000xi32, #tpu.memory_space<vmem>>
      %dma_wait3A_232 = arith.constant 0 : i32
      %dma_wait3A_233 = tpu.memref_slice %arg5[%dma_wait3A_232] : memref<6400000xi32, #tpu.memory_space<hbm>> -> memref<4000xi32, #tpu.memory_space<hbm>>
      %dma_wait3A_234 = arith.constant 0 : i32
      %dma_wait3A_235 = tpu.memref_slice %arg12[%dma_wait3A_228, %dma_wait3A_234] : memref<1x4000xi32, #tpu.memory_space<vmem>> -> memref<1x4000xi32, #tpu.memory_space<vmem>>
      %dma_wait3A_236 = tpu.memref_squeeze %dma_wait3A_235 : memref<1x4000xi32, #tpu.memory_space<vmem>> -> memref<4000xi32, #tpu.memory_space<vmem>>
      %dma_wait3A_237 = arith.constant 0 : i32
      %dma_wait3A_238 = tpu.memref_slice %arg5[%dma_wait3A_237] : memref<6400000xi32, #tpu.memory_space<hbm>> -> memref<4000xi32, #tpu.memory_space<hbm>>
      tpu.wait_dma2 semaphore(%arg39 : memref<!tpu.dma_semaphore, #tpu.memory_space<semaphore_mem>>) src(%dma_wait3A_238 : memref<4000xi32, #tpu.memory_space<hbm>>) dst(%dma_wait3A_236 : memref<4000xi32, #tpu.memory_space<vmem>>)
      %dma_wait3A_239 = arith.constant 0 : i32
      %dma_wait3A_240 = arith.constant 0 : i32
      %dma_wait3A_241 = tpu.memref_slice %arg14[%dma_wait3A_239, %dma_wait3A_240] : memref<1x4000xi32, #tpu.memory_space<vmem>> -> memref<1x4000xi32, #tpu.memory_space<vmem>>
      %dma_wait3A_242 = tpu.memref_squeeze %dma_wait3A_241 : memref<1x4000xi32, #tpu.memory_space<vmem>> -> memref<4000xi32, #tpu.memory_space<vmem>>
      %dma_wait3A_243 = arith.constant 0 : i32
      %dma_wait3A_244 = tpu.memref_slice %arg6[%dma_wait3A_243] : memref<6400000xi32, #tpu.memory_space<hbm>> -> memref<4000xi32, #tpu.memory_space<hbm>>
      %dma_wait3A_245 = arith.constant 0 : i32
      %dma_wait3A_246 = tpu.memref_slice %arg14[%dma_wait3A_239, %dma_wait3A_245] : memref<1x4000xi32, #tpu.memory_space<vmem>> -> memref<1x4000xi32, #tpu.memory_space<vmem>>
      %dma_wait3A_247 = tpu.memref_squeeze %dma_wait3A_246 : memref<1x4000xi32, #tpu.memory_space<vmem>> -> memref<4000xi32, #tpu.memory_space<vmem>>
      %dma_wait3A_248 = arith.constant 0 : i32
      %dma_wait3A_249 = tpu.memref_slice %arg6[%dma_wait3A_248] : memref<6400000xi32, #tpu.memory_space<hbm>> -> memref<4000xi32, #tpu.memory_space<hbm>>
      tpu.wait_dma2 semaphore(%arg39 : memref<!tpu.dma_semaphore, #tpu.memory_space<semaphore_mem>>) src(%dma_wait3A_249 : memref<4000xi32, #tpu.memory_space<hbm>>) dst(%dma_wait3A_247 : memref<4000xi32, #tpu.memory_space<vmem>>)
      %dma_wait3A_250 = arith.constant 0 : i32
      %dma_wait3A_251 = tpu.memref_slice %arg7[%dma_wait3A_250] : memref<6400000xf32, #tpu.memory_space<hbm>> -> memref<4000xf32, #tpu.memory_space<hbm>>
      %dma_wait3A_252 = arith.constant 0 : i32
      %dma_wait3A_253 = tpu.memref_slice %arg7[%dma_wait3A_252] : memref<6400000xf32, #tpu.memory_space<hbm>> -> memref<4000xf32, #tpu.memory_space<hbm>>
      tpu.wait_dma2 semaphore(%arg39 : memref<!tpu.dma_semaphore, #tpu.memory_space<semaphore_mem>>) src(%dma_wait3A_253 : memref<4000xf32, #tpu.memory_space<hbm>>) dst(%arg18 : memref<4000xf32, #tpu.memory_space<vmem>>)
      %dma_wait3A_254 = arith.constant 0 : i32
      %dma_wait3A_255 = tpu.memref_slice %arg8[%dma_wait3A_254] : memref<6400000xf32, #tpu.memory_space<hbm>> -> memref<4000xf32, #tpu.memory_space<hbm>>
      %dma_wait3A_256 = arith.constant 0 : i32
      %dma_wait3A_257 = tpu.memref_slice %arg8[%dma_wait3A_256] : memref<6400000xf32, #tpu.memory_space<hbm>> -> memref<4000xf32, #tpu.memory_space<hbm>>
      tpu.wait_dma2 semaphore(%arg39 : memref<!tpu.dma_semaphore, #tpu.memory_space<semaphore_mem>>) src(%dma_wait3A_257 : memref<4000xf32, #tpu.memory_space<hbm>>) dst(%arg20 : memref<4000xf32, #tpu.memory_space<vmem>>)
      %dma_start3A_258 = arith.constant 0 : i32
      %dma_start3A_259 = arith.constant 0 : i32
      %dma_start3A_260 = tpu.memref_slice %arg12[%dma_start3A_258, %dma_start3A_259] : memref<1x4000xi32, #tpu.memory_space<vmem>> -> memref<1x4000xi32, #tpu.memory_space<vmem>>
      %dma_start3A_261 = tpu.memref_squeeze %dma_start3A_260 : memref<1x4000xi32, #tpu.memory_space<vmem>> -> memref<4000xi32, #tpu.memory_space<vmem>>
      %dma_start3A_262 = arith.constant 0 : i32
      %dma_start3A_263 = tpu.memref_slice %arg35[%dma_start3A_262] : memref<100000xf32, #tpu.memory_space<vmem_shared>> -> memref<100000xf32, #tpu.memory_space<vmem_shared>>
      tpu.enqueue_indirect_dma source(%dma_start3A_263 : memref<100000xf32, #tpu.memory_space<vmem_shared>>) target(%arg22 : memref<4000xf32, #tpu.memory_space<vmem>>) offsets(%dma_start3A_261 : memref<4000xi32, #tpu.memory_space<vmem>>) semaphore(%arg40 : memref<!tpu.dma_semaphore, #tpu.memory_space<semaphore_mem>>)
      %dma_start3A_264 = arith.constant 0 : i32
      %dma_start3A_265 = arith.constant 0 : i32
      %dma_start3A_266 = tpu.memref_slice %arg14[%dma_start3A_264, %dma_start3A_265] : memref<1x4000xi32, #tpu.memory_space<vmem>> -> memref<1x4000xi32, #tpu.memory_space<vmem>>
      %dma_start3A_267 = tpu.memref_squeeze %dma_start3A_266 : memref<1x4000xi32, #tpu.memory_space<vmem>> -> memref<4000xi32, #tpu.memory_space<vmem>>
      %dma_start3A_268 = arith.constant 0 : i32
      %dma_start3A_269 = tpu.memref_slice %arg35[%dma_start3A_268] : memref<100000xf32, #tpu.memory_space<vmem_shared>> -> memref<100000xf32, #tpu.memory_space<vmem_shared>>
      tpu.enqueue_indirect_dma source(%dma_start3A_269 : memref<100000xf32, #tpu.memory_space<vmem_shared>>) target(%arg24 : memref<4000xf32, #tpu.memory_space<vmem>>) offsets(%dma_start3A_267 : memref<4000xi32, #tpu.memory_space<vmem>>) semaphore(%arg40 : memref<!tpu.dma_semaphore, #tpu.memory_space<semaphore_mem>>)
      %lt3A_270 = arith.constant 24 : i32
      %lt3A_271 = arith.cmpi slt, %scan3A_114, %lt3A_270 : i32
      %convert_element_type3A_272 = arith.extui %lt3A_271 : i1 to i32
      %cond3A_273 = arith.constant 0 : i32
      %cond3A_274 = arith.cmpi ne, %convert_element_type3A_272, %cond3A_273 : i32
      scf.if %cond3A_274 {
        %add3A_318 = arith.constant 2 : i32
        %add3A_319 = arith.addi %mul3A_117, %add3A_318 : i32
        %mul3A_320 = arith.constant 4000 : i32
        %mul3A_321 = arith.muli %add3A_319, %mul3A_320 : i32
        %add3A_322 = arith.addi %mul3A_31, %mul3A_321 : i32
        %dma_start3A_323 = arith.constant 0 : i32
        %dma_start3A_324 = arith.constant 0 : i32
        %dma_start3A_325 = tpu.memref_slice %arg11[%dma_start3A_323, %dma_start3A_324] : memref<1x4000xi32, #tpu.memory_space<vmem>> -> memref<1x4000xi32, #tpu.memory_space<vmem>>
        %dma_start3A_326 = tpu.memref_squeeze %dma_start3A_325 : memref<1x4000xi32, #tpu.memory_space<vmem>> -> memref<4000xi32, #tpu.memory_space<vmem>>
        %dma_start3A_327 = tpu.memref_slice %arg5[%add3A_322] : memref<6400000xi32, #tpu.memory_space<hbm>> -> memref<4000xi32, #tpu.memory_space<hbm>>
        %dma_start3A_328 = arith.constant 0 : i32
        %dma_start3A_329 = tpu.memref_slice %arg11[%dma_start3A_323, %dma_start3A_328] : memref<1x4000xi32, #tpu.memory_space<vmem>> -> memref<1x4000xi32, #tpu.memory_space<vmem>>
        %dma_start3A_330 = tpu.memref_squeeze %dma_start3A_329 : memref<1x4000xi32, #tpu.memory_space<vmem>> -> memref<4000xi32, #tpu.memory_space<vmem>>
        %dma_start3A_331 = tpu.memref_slice %arg5[%add3A_322] : memref<6400000xi32, #tpu.memory_space<hbm>> -> memref<4000xi32, #tpu.memory_space<hbm>>
        tpu.enqueue_dma source(%dma_start3A_331 : memref<4000xi32, #tpu.memory_space<hbm>>) target(%dma_start3A_330 : memref<4000xi32, #tpu.memory_space<vmem>>) target_semaphore(%arg39 : memref<!tpu.dma_semaphore, #tpu.memory_space<semaphore_mem>>)
        %dma_start3A_332 = arith.constant 0 : i32
        %dma_start3A_333 = arith.constant 0 : i32
        %dma_start3A_334 = tpu.memref_slice %arg13[%dma_start3A_332, %dma_start3A_333] : memref<1x4000xi32, #tpu.memory_space<vmem>> -> memref<1x4000xi32, #tpu.memory_space<vmem>>
        %dma_start3A_335 = tpu.memref_squeeze %dma_start3A_334 : memref<1x4000xi32, #tpu.memory_space<vmem>> -> memref<4000xi32, #tpu.memory_space<vmem>>
        %dma_start3A_336 = tpu.memref_slice %arg6[%add3A_322] : memref<6400000xi32, #tpu.memory_space<hbm>> -> memref<4000xi32, #tpu.memory_space<hbm>>
        %dma_start3A_337 = arith.constant 0 : i32
        %dma_start3A_338 = tpu.memref_slice %arg13[%dma_start3A_332, %dma_start3A_337] : memref<1x4000xi32, #tpu.memory_space<vmem>> -> memref<1x4000xi32, #tpu.memory_space<vmem>>
        %dma_start3A_339 = tpu.memref_squeeze %dma_start3A_338 : memref<1x4000xi32, #tpu.memory_space<vmem>> -> memref<4000xi32, #tpu.memory_space<vmem>>
        %dma_start3A_340 = tpu.memref_slice %arg6[%add3A_322] : memref<6400000xi32, #tpu.memory_space<hbm>> -> memref<4000xi32, #tpu.memory_space<hbm>>
        tpu.enqueue_dma source(%dma_start3A_340 : memref<4000xi32, #tpu.memory_space<hbm>>) target(%dma_start3A_339 : memref<4000xi32, #tpu.memory_space<vmem>>) target_semaphore(%arg39 : memref<!tpu.dma_semaphore, #tpu.memory_space<semaphore_mem>>)
        %dma_start3A_341 = tpu.memref_slice %arg7[%add3A_322] : memref<6400000xf32, #tpu.memory_space<hbm>> -> memref<4000xf32, #tpu.memory_space<hbm>>
        %dma_start3A_342 = tpu.memref_slice %arg7[%add3A_322] : memref<6400000xf32, #tpu.memory_space<hbm>> -> memref<4000xf32, #tpu.memory_space<hbm>>
        tpu.enqueue_dma source(%dma_start3A_342 : memref<4000xf32, #tpu.memory_space<hbm>>) target(%arg17 : memref<4000xf32, #tpu.memory_space<vmem>>) target_semaphore(%arg39 : memref<!tpu.dma_semaphore, #tpu.memory_space<semaphore_mem>>)
        %dma_start3A_343 = tpu.memref_slice %arg8[%add3A_322] : memref<6400000xf32, #tpu.memory_space<hbm>> -> memref<4000xf32, #tpu.memory_space<hbm>>
        %dma_start3A_344 = tpu.memref_slice %arg8[%add3A_322] : memref<6400000xf32, #tpu.memory_space<hbm>> -> memref<4000xf32, #tpu.memory_space<hbm>>
        tpu.enqueue_dma source(%dma_start3A_344 : memref<4000xf32, #tpu.memory_space<hbm>>) target(%arg19 : memref<4000xf32, #tpu.memory_space<vmem>>) target_semaphore(%arg39 : memref<!tpu.dma_semaphore, #tpu.memory_space<semaphore_mem>>)
      } else {
      }
      %gt3A_275 = arith.constant 0 : i32
      %gt3A_276 = arith.cmpi sgt, %scan3A_114, %gt3A_275 : i32
      %convert_element_type3A_277 = arith.extui %gt3A_276 : i1 to i32
      %cond3A_278 = arith.constant 0 : i32
      %cond3A_279 = arith.cmpi ne, %convert_element_type3A_277, %cond3A_278 : i32
      scf.if %cond3A_279 {
        %dma_wait3A_318 = arith.constant 0 : i32
        %dma_wait3A_319 = arith.constant 0 : i32
        %dma_wait3A_320 = tpu.memref_slice %arg16[%dma_wait3A_318, %dma_wait3A_319] : memref<1x4000xi32, #tpu.memory_space<vmem>> -> memref<1x4000xi32, #tpu.memory_space<vmem>>
        %dma_wait3A_321 = tpu.memref_squeeze %dma_wait3A_320 : memref<1x4000xi32, #tpu.memory_space<vmem>> -> memref<4000xi32, #tpu.memory_space<vmem>>
        %dma_wait3A_322 = arith.constant 0 : i32
        %dma_wait3A_323 = tpu.memref_slice %arg36[%dma_wait3A_322] : memref<100000xf32, #tpu.memory_space<vmem_shared>> -> memref<100000xf32, #tpu.memory_space<vmem_shared>>
        tpu.wait_indirect_dma semaphore(%arg41 : memref<!tpu.dma_semaphore, #tpu.memory_space<semaphore_mem>>) src(%arg26 : memref<4000xf32, #tpu.memory_space<vmem>>) dst(%dma_wait3A_323 : memref<100000xf32, #tpu.memory_space<vmem_shared>>)
        %dma_wait3A_324 = arith.constant 0 : i32
        %dma_wait3A_325 = arith.constant 0 : i32
        %dma_wait3A_326 = tpu.memref_slice %arg16[%dma_wait3A_324, %dma_wait3A_325] : memref<1x4000xi32, #tpu.memory_space<vmem>> -> memref<1x4000xi32, #tpu.memory_space<vmem>>
        %dma_wait3A_327 = tpu.memref_squeeze %dma_wait3A_326 : memref<1x4000xi32, #tpu.memory_space<vmem>> -> memref<4000xi32, #tpu.memory_space<vmem>>
        %dma_wait3A_328 = arith.constant 0 : i32
        %dma_wait3A_329 = tpu.memref_slice %arg37[%dma_wait3A_328] : memref<100000xf32, #tpu.memory_space<vmem_shared>> -> memref<100000xf32, #tpu.memory_space<vmem_shared>>
        tpu.wait_indirect_dma semaphore(%arg41 : memref<!tpu.dma_semaphore, #tpu.memory_space<semaphore_mem>>) src(%arg28 : memref<4000xf32, #tpu.memory_space<vmem>>) dst(%dma_wait3A_329 : memref<100000xf32, #tpu.memory_space<vmem_shared>>)
        %dma_wait3A_330 = arith.constant 0 : i32
        %dma_wait3A_331 = arith.constant 0 : i32
        %dma_wait3A_332 = tpu.memref_slice %arg16[%dma_wait3A_330, %dma_wait3A_331] : memref<1x4000xi32, #tpu.memory_space<vmem>> -> memref<1x4000xi32, #tpu.memory_space<vmem>>
        %dma_wait3A_333 = tpu.memref_squeeze %dma_wait3A_332 : memref<1x4000xi32, #tpu.memory_space<vmem>> -> memref<4000xi32, #tpu.memory_space<vmem>>
        %dma_wait3A_334 = arith.constant 0 : i32
        %dma_wait3A_335 = tpu.memref_slice %arg38[%dma_wait3A_334] : memref<100000xf32, #tpu.memory_space<vmem_shared>> -> memref<100000xf32, #tpu.memory_space<vmem_shared>>
        tpu.wait_indirect_dma semaphore(%arg41 : memref<!tpu.dma_semaphore, #tpu.memory_space<semaphore_mem>>) src(%arg30 : memref<4000xf32, #tpu.memory_space<vmem>>) dst(%dma_wait3A_335 : memref<100000xf32, #tpu.memory_space<vmem_shared>>)
      } else {
      }
      %dma_wait3A_280 = arith.constant 0 : i32
      %dma_wait3A_281 = arith.constant 0 : i32
      %dma_wait3A_282 = tpu.memref_slice %arg12[%dma_wait3A_280, %dma_wait3A_281] : memref<1x4000xi32, #tpu.memory_space<vmem>> -> memref<1x4000xi32, #tpu.memory_space<vmem>>
      %dma_wait3A_283 = tpu.memref_squeeze %dma_wait3A_282 : memref<1x4000xi32, #tpu.memory_space<vmem>> -> memref<4000xi32, #tpu.memory_space<vmem>>
      %dma_wait3A_284 = arith.constant 0 : i32
      %dma_wait3A_285 = tpu.memref_slice %arg35[%dma_wait3A_284] : memref<100000xf32, #tpu.memory_space<vmem_shared>> -> memref<100000xf32, #tpu.memory_space<vmem_shared>>
      tpu.wait_indirect_dma semaphore(%arg40 : memref<!tpu.dma_semaphore, #tpu.memory_space<semaphore_mem>>) src(%dma_wait3A_285 : memref<100000xf32, #tpu.memory_space<vmem_shared>>) dst(%arg22 : memref<4000xf32, #tpu.memory_space<vmem>>)
      %dma_wait3A_286 = arith.constant 0 : i32
      %dma_wait3A_287 = arith.constant 0 : i32
      %dma_wait3A_288 = tpu.memref_slice %arg14[%dma_wait3A_286, %dma_wait3A_287] : memref<1x4000xi32, #tpu.memory_space<vmem>> -> memref<1x4000xi32, #tpu.memory_space<vmem>>
      %dma_wait3A_289 = tpu.memref_squeeze %dma_wait3A_288 : memref<1x4000xi32, #tpu.memory_space<vmem>> -> memref<4000xi32, #tpu.memory_space<vmem>>
      %dma_wait3A_290 = arith.constant 0 : i32
      %dma_wait3A_291 = tpu.memref_slice %arg35[%dma_wait3A_290] : memref<100000xf32, #tpu.memory_space<vmem_shared>> -> memref<100000xf32, #tpu.memory_space<vmem_shared>>
      tpu.wait_indirect_dma semaphore(%arg40 : memref<!tpu.dma_semaphore, #tpu.memory_space<semaphore_mem>>) src(%dma_wait3A_291 : memref<100000xf32, #tpu.memory_space<vmem_shared>>) dst(%arg24 : memref<4000xf32, #tpu.memory_space<vmem>>)
      %scan3A_292 = arith.constant 0 : i32
      %scan3A_293 = arith.constant 0 : i32
      %scan3A_294 = arith.constant 250 : i32
      %scan3A_295 = arith.addi %scan3A_293, %scan3A_294 : i32
      %scan3A_296 = arith.constant 1 : i32
      %scan3A_297 = scf.for %scan3A_318 = %scan3A_293 to %scan3A_295 step %scan3A_296 iter_args(%scan3A_319 = %scan3A_292) -> (i32)  : i32 {
        %mul3A_320 = arith.constant 16 : i32
        %mul3A_321 = arith.muli %scan3A_318, %mul3A_320 : i32
        %add3A_322 = vector.broadcast %mul3A_321 : i32 to vector<16xi32>
        %add3A_323 = arith.addi %add3A_322, %iota3A : vector<16xi32>
        %gather3A = tpu.vector_load_idx %arg18[%add3A_323] : memref<4000xf32, #tpu.memory_space<vmem>>[vector<16xi32>], vector<16xf32>,
        %gather3A_324 = tpu.vector_load_idx %arg20[%add3A_323] : memref<4000xf32, #tpu.memory_space<vmem>>[vector<16xi32>], vector<16xf32>,
        %gather3A_325 = tpu.vector_load_idx %arg22[%add3A_323] : memref<4000xf32, #tpu.memory_space<vmem>>[vector<16xi32>], vector<16xf32>,
        %gather3A_326 = tpu.vector_load_idx %arg24[%add3A_323] : memref<4000xf32, #tpu.memory_space<vmem>>[vector<16xi32>], vector<16xf32>,
        %gather3A_327 = tpu.vector_load_idx %arg14[%broadcast_in_dim3A_33, %add3A_323] : memref<1x4000xi32, #tpu.memory_space<vmem>>[vector<16xi32>, vector<16xi32>], vector<16xi32>,
        %bitcast3A = vector.bitcast %gather3A_325 : vector<16xf32> to vector<32xbf16>
        %unpack3A = tpu.unpack_subelements %bitcast3A, 0 {pack_format = #tpu.pack_format<interleaved>} : vector<32xbf16> -> vector<16xf32>
        %unpack3A_328 = tpu.unpack_subelements %bitcast3A, 1 {pack_format = #tpu.pack_format<interleaved>} : vector<32xbf16> -> vector<16xf32>
        %bitcast3A_329 = vector.bitcast %gather3A_326 : vector<16xf32> to vector<32xbf16>
        %unpack3A_330 = tpu.unpack_subelements %bitcast3A_329, 0 {pack_format = #tpu.pack_format<interleaved>} : vector<32xbf16> -> vector<16xf32>
        %unpack3A_331 = tpu.unpack_subelements %bitcast3A_329, 1 {pack_format = #tpu.pack_format<interleaved>} : vector<32xbf16> -> vector<16xf32>
        %ne3A = arith.constant 0.000000e+00 : f32
        %ne3A_332 = vector.broadcast %ne3A : f32 to vector<16xf32>
        %ne3A_333 = arith.cmpf one, %gather3A, %ne3A_332 : vector<16xf32>
        %ne3A_334 = arith.constant 0.000000e+00 : f32
        %ne3A_335 = vector.broadcast %ne3A_334 : f32 to vector<16xf32>
        %ne3A_336 = arith.cmpf one, %gather3A_324, %ne3A_335 : vector<16xf32>
        %sub3A = arith.subf %unpack3A_330, %unpack3A : vector<16xf32>
        %select_n3A = arith.select %ne3A_333, %gather3A, %broadcast_in_dim3A_1 : vector<16xi1>, vector<16xf32>
        %div3A = arith.divf %sub3A, %select_n3A : vector<16xf32>
        %select_n3A_337 = arith.select %ne3A_333, %div3A, %broadcast_in_dim3A_3 : vector<16xi1>, vector<16xf32>
        %sub3A_338 = arith.subf %unpack3A_331, %unpack3A_328 : vector<16xf32>
        %select_n3A_339 = arith.select %ne3A_336, %gather3A_324, %broadcast_in_dim3A_1 : vector<16xi1>, vector<16xf32>
        %div3A_340 = arith.divf %sub3A_338, %select_n3A_339 : vector<16xf32>
        %select_n3A_341 = arith.select %ne3A_336, %div3A_340, %broadcast_in_dim3A_3 : vector<16xi1>, vector<16xf32>
        %select_n3A_342 = arith.select %ne3A_333, %broadcast_in_dim3A_1, %broadcast_in_dim3A_3 : vector<16xi1>, vector<16xf32>
        %select_n3A_343 = arith.select %ne3A_336, %broadcast_in_dim3A_1, %broadcast_in_dim3A_3 : vector<16xi1>, vector<16xf32>
        %mul3A_344 = arith.mulf %broadcast_in_dim3A_5, %select_n3A_343 : vector<16xf32>
        %add3A_345 = arith.addf %select_n3A_342, %mul3A_344 : vector<16xf32>
        tpu.vector_store_idx %arg26[%add3A_323], %select_n3A_337 : memref<4000xf32, #tpu.memory_space<vmem>>[vector<16xi32>], vector<16xf32>,
        tpu.vector_store_idx %arg28[%add3A_323], %select_n3A_341 : memref<4000xf32, #tpu.memory_space<vmem>>[vector<16xi32>], vector<16xf32>,
        tpu.vector_store_idx %arg30[%add3A_323], %add3A_345 : memref<4000xf32, #tpu.memory_space<vmem>>[vector<16xi32>], vector<16xf32>,
        tpu.vector_store_idx %arg16[%broadcast_in_dim3A_33, %add3A_323], %gather3A_327 : memref<1x4000xi32, #tpu.memory_space<vmem>>[vector<16xi32>, vector<16xi32>], vector<16xi32>,
        %scan3A_346 = arith.constant 0 : i32
        scf.yield %scan3A_346 : i32
      }
      %scan3A_298 = arith.constant 250 : i32
      %dma_start3A_299 = arith.constant 0 : i32
      %dma_start3A_300 = arith.constant 0 : i32
      %dma_start3A_301 = tpu.memref_slice %arg16[%dma_start3A_299, %dma_start3A_300] : memref<1x4000xi32, #tpu.memory_space<vmem>> -> memref<1x4000xi32, #tpu.memory_space<vmem>>
      %dma_start3A_302 = tpu.memref_squeeze %dma_start3A_301 : memref<1x4000xi32, #tpu.memory_space<vmem>> -> memref<4000xi32, #tpu.memory_space<vmem>>
      %dma_start3A_303 = arith.constant 0 : i32
      %dma_start3A_304 = tpu.memref_slice %arg36[%dma_start3A_303] : memref<100000xf32, #tpu.memory_space<vmem_shared>> -> memref<100000xf32, #tpu.memory_space<vmem_shared>>
      tpu.enqueue_indirect_dma source(%arg26 : memref<4000xf32, #tpu.memory_space<vmem>>) target(%dma_start3A_304 : memref<100000xf32, #tpu.memory_space<vmem_shared>>) offsets(%dma_start3A_302 : memref<4000xi32, #tpu.memory_space<vmem>>) semaphore(%arg41 : memref<!tpu.dma_semaphore, #tpu.memory_space<semaphore_mem>>) {add = true}
      %dma_start3A_305 = arith.constant 0 : i32
      %dma_start3A_306 = arith.constant 0 : i32
      %dma_start3A_307 = tpu.memref_slice %arg16[%dma_start3A_305, %dma_start3A_306] : memref<1x4000xi32, #tpu.memory_space<vmem>> -> memref<1x4000xi32, #tpu.memory_space<vmem>>
      %dma_start3A_308 = tpu.memref_squeeze %dma_start3A_307 : memref<1x4000xi32, #tpu.memory_space<vmem>> -> memref<4000xi32, #tpu.memory_space<vmem>>
      %dma_start3A_309 = arith.constant 0 : i32
      %dma_start3A_310 = tpu.memref_slice %arg37[%dma_start3A_309] : memref<100000xf32, #tpu.memory_space<vmem_shared>> -> memref<100000xf32, #tpu.memory_space<vmem_shared>>
      tpu.enqueue_indirect_dma source(%arg28 : memref<4000xf32, #tpu.memory_space<vmem>>) target(%dma_start3A_310 : memref<100000xf32, #tpu.memory_space<vmem_shared>>) offsets(%dma_start3A_308 : memref<4000xi32, #tpu.memory_space<vmem>>) semaphore(%arg41 : memref<!tpu.dma_semaphore, #tpu.memory_space<semaphore_mem>>) {add = true}
      %dma_start3A_311 = arith.constant 0 : i32
      %dma_start3A_312 = arith.constant 0 : i32
      %dma_start3A_313 = tpu.memref_slice %arg16[%dma_start3A_311, %dma_start3A_312] : memref<1x4000xi32, #tpu.memory_space<vmem>> -> memref<1x4000xi32, #tpu.memory_space<vmem>>
      %dma_start3A_314 = tpu.memref_squeeze %dma_start3A_313 : memref<1x4000xi32, #tpu.memory_space<vmem>> -> memref<4000xi32, #tpu.memory_space<vmem>>
      %dma_start3A_315 = arith.constant 0 : i32
      %dma_start3A_316 = tpu.memref_slice %arg38[%dma_start3A_315] : memref<100000xf32, #tpu.memory_space<vmem_shared>> -> memref<100000xf32, #tpu.memory_space<vmem_shared>>
      tpu.enqueue_indirect_dma source(%arg30 : memref<4000xf32, #tpu.memory_space<vmem>>) target(%dma_start3A_316 : memref<100000xf32, #tpu.memory_space<vmem_shared>>) offsets(%dma_start3A_314 : memref<4000xi32, #tpu.memory_space<vmem>>) semaphore(%arg41 : memref<!tpu.dma_semaphore, #tpu.memory_space<semaphore_mem>>) {add = true}
      %scan3A_317 = arith.constant 0 : i32
      scf.yield %scan3A_317 : i32
    }
    %scan3A_63 = arith.constant 25 : i32
    %dma_wait3A = arith.constant 0 : i32
    %dma_wait3A_64 = arith.constant 0 : i32
    %dma_wait3A_65 = tpu.memref_slice %arg15[%dma_wait3A, %dma_wait3A_64] : memref<1x4000xi32, #tpu.memory_space<vmem>> -> memref<1x4000xi32, #tpu.memory_space<vmem>>
    %dma_wait3A_66 = tpu.memref_squeeze %dma_wait3A_65 : memref<1x4000xi32, #tpu.memory_space<vmem>> -> memref<4000xi32, #tpu.memory_space<vmem>>
    %dma_wait3A_67 = arith.constant 0 : i32
    %dma_wait3A_68 = tpu.memref_slice %arg36[%dma_wait3A_67] : memref<100000xf32, #tpu.memory_space<vmem_shared>> -> memref<100000xf32, #tpu.memory_space<vmem_shared>>
    tpu.wait_indirect_dma semaphore(%arg41 : memref<!tpu.dma_semaphore, #tpu.memory_space<semaphore_mem>>) src(%arg25 : memref<4000xf32, #tpu.memory_space<vmem>>) dst(%dma_wait3A_68 : memref<100000xf32, #tpu.memory_space<vmem_shared>>)
    %dma_wait3A_69 = arith.constant 0 : i32
    %dma_wait3A_70 = arith.constant 0 : i32
    %dma_wait3A_71 = tpu.memref_slice %arg15[%dma_wait3A_69, %dma_wait3A_70] : memref<1x4000xi32, #tpu.memory_space<vmem>> -> memref<1x4000xi32, #tpu.memory_space<vmem>>
    %dma_wait3A_72 = tpu.memref_squeeze %dma_wait3A_71 : memref<1x4000xi32, #tpu.memory_space<vmem>> -> memref<4000xi32, #tpu.memory_space<vmem>>
    %dma_wait3A_73 = arith.constant 0 : i32
    %dma_wait3A_74 = tpu.memref_slice %arg37[%dma_wait3A_73] : memref<100000xf32, #tpu.memory_space<vmem_shared>> -> memref<100000xf32, #tpu.memory_space<vmem_shared>>
    tpu.wait_indirect_dma semaphore(%arg41 : memref<!tpu.dma_semaphore, #tpu.memory_space<semaphore_mem>>) src(%arg27 : memref<4000xf32, #tpu.memory_space<vmem>>) dst(%dma_wait3A_74 : memref<100000xf32, #tpu.memory_space<vmem_shared>>)
    %dma_wait3A_75 = arith.constant 0 : i32
    %dma_wait3A_76 = arith.constant 0 : i32
    %dma_wait3A_77 = tpu.memref_slice %arg15[%dma_wait3A_75, %dma_wait3A_76] : memref<1x4000xi32, #tpu.memory_space<vmem>> -> memref<1x4000xi32, #tpu.memory_space<vmem>>
    %dma_wait3A_78 = tpu.memref_squeeze %dma_wait3A_77 : memref<1x4000xi32, #tpu.memory_space<vmem>> -> memref<4000xi32, #tpu.memory_space<vmem>>
    %dma_wait3A_79 = arith.constant 0 : i32
    %dma_wait3A_80 = tpu.memref_slice %arg38[%dma_wait3A_79] : memref<100000xf32, #tpu.memory_space<vmem_shared>> -> memref<100000xf32, #tpu.memory_space<vmem_shared>>
    tpu.wait_indirect_dma semaphore(%arg41 : memref<!tpu.dma_semaphore, #tpu.memory_space<semaphore_mem>>) src(%arg29 : memref<4000xf32, #tpu.memory_space<vmem>>) dst(%dma_wait3A_80 : memref<100000xf32, #tpu.memory_space<vmem_shared>>)
    %dma_wait3A_81 = arith.constant 0 : i32
    %dma_wait3A_82 = arith.constant 0 : i32
    %dma_wait3A_83 = tpu.memref_slice %arg16[%dma_wait3A_81, %dma_wait3A_82] : memref<1x4000xi32, #tpu.memory_space<vmem>> -> memref<1x4000xi32, #tpu.memory_space<vmem>>
    %dma_wait3A_84 = tpu.memref_squeeze %dma_wait3A_83 : memref<1x4000xi32, #tpu.memory_space<vmem>> -> memref<4000xi32, #tpu.memory_space<vmem>>
    %dma_wait3A_85 = arith.constant 0 : i32
    %dma_wait3A_86 = tpu.memref_slice %arg36[%dma_wait3A_85] : memref<100000xf32, #tpu.memory_space<vmem_shared>> -> memref<100000xf32, #tpu.memory_space<vmem_shared>>
    tpu.wait_indirect_dma semaphore(%arg41 : memref<!tpu.dma_semaphore, #tpu.memory_space<semaphore_mem>>) src(%arg26 : memref<4000xf32, #tpu.memory_space<vmem>>) dst(%dma_wait3A_86 : memref<100000xf32, #tpu.memory_space<vmem_shared>>)
    %dma_wait3A_87 = arith.constant 0 : i32
    %dma_wait3A_88 = arith.constant 0 : i32
    %dma_wait3A_89 = tpu.memref_slice %arg16[%dma_wait3A_87, %dma_wait3A_88] : memref<1x4000xi32, #tpu.memory_space<vmem>> -> memref<1x4000xi32, #tpu.memory_space<vmem>>
    %dma_wait3A_90 = tpu.memref_squeeze %dma_wait3A_89 : memref<1x4000xi32, #tpu.memory_space<vmem>> -> memref<4000xi32, #tpu.memory_space<vmem>>
    %dma_wait3A_91 = arith.constant 0 : i32
    %dma_wait3A_92 = tpu.memref_slice %arg37[%dma_wait3A_91] : memref<100000xf32, #tpu.memory_space<vmem_shared>> -> memref<100000xf32, #tpu.memory_space<vmem_shared>>
    tpu.wait_indirect_dma semaphore(%arg41 : memref<!tpu.dma_semaphore, #tpu.memory_space<semaphore_mem>>) src(%arg28 : memref<4000xf32, #tpu.memory_space<vmem>>) dst(%dma_wait3A_92 : memref<100000xf32, #tpu.memory_space<vmem_shared>>)
    %dma_wait3A_93 = arith.constant 0 : i32
    %dma_wait3A_94 = arith.constant 0 : i32
    %dma_wait3A_95 = tpu.memref_slice %arg16[%dma_wait3A_93, %dma_wait3A_94] : memref<1x4000xi32, #tpu.memory_space<vmem>> -> memref<1x4000xi32, #tpu.memory_space<vmem>>
    %dma_wait3A_96 = tpu.memref_squeeze %dma_wait3A_95 : memref<1x4000xi32, #tpu.memory_space<vmem>> -> memref<4000xi32, #tpu.memory_space<vmem>>
    %dma_wait3A_97 = arith.constant 0 : i32
    %dma_wait3A_98 = tpu.memref_slice %arg38[%dma_wait3A_97] : memref<100000xf32, #tpu.memory_space<vmem_shared>> -> memref<100000xf32, #tpu.memory_space<vmem_shared>>
    tpu.wait_indirect_dma semaphore(%arg41 : memref<!tpu.dma_semaphore, #tpu.memory_space<semaphore_mem>>) src(%arg30 : memref<4000xf32, #tpu.memory_space<vmem>>) dst(%dma_wait3A_98 : memref<100000xf32, #tpu.memory_space<vmem_shared>>)
    %barrier3A_99 = arith.constant 0 : index
    tpu.barrier barrier_id(%barrier3A_99)
    %mul3A_100 = arith.constant 3 : i32
    %mul3A_101 = arith.muli %arg0, %mul3A_100 : i32
    %mul3A_102 = arith.constant 100000 : i32
    %mul3A_103 = arith.muli %mul3A_101, %mul3A_102 : i32
    %lt3A_104 = arith.constant 15 : i32
    %lt3A_105 = arith.cmpi slt, %arg1, %lt3A_104 : i32
    %convert_element_type3A_106 = arith.extui %lt3A_105 : i1 to i32
    %cond3A_107 = arith.constant 0 : i32
    %cond3A_108 = arith.cmpi ne, %convert_element_type3A_106, %cond3A_107 : i32
    scf.if %cond3A_108 {
      %add3A_114 = arith.addi %mul3A_103, %mul3A_7 : i32
      "tpu.region"() ({
        %run_scoped3A = tpu.sem_alloc : memref<!tpu.dma_semaphore, #tpu.memory_space<semaphore_mem>>
        %dma_start3A_121 = tpu.memref_slice %arg10[%add3A_114] : memref<600000xf32, #tpu.memory_space<hbm>> -> memref<6272xf32, #tpu.memory_space<hbm>>
        %dma_start3A_122 = tpu.memref_slice %arg36[%mul3A_7] : memref<100000xf32, #tpu.memory_space<vmem_shared>> -> memref<6272xf32, #tpu.memory_space<vmem_shared>>
        tpu.enqueue_dma source(%dma_start3A_122 : memref<6272xf32, #tpu.memory_space<vmem_shared>>) target(%dma_start3A_121 : memref<6272xf32, #tpu.memory_space<hbm>>) target_semaphore(%run_scoped3A : memref<!tpu.dma_semaphore, #tpu.memory_space<semaphore_mem>>)
        %dma_wait3A_123 = tpu.memref_slice %arg10[%add3A_114] : memref<600000xf32, #tpu.memory_space<hbm>> -> memref<6272xf32, #tpu.memory_space<hbm>>
        %dma_wait3A_124 = tpu.memref_slice %arg36[%mul3A_7] : memref<100000xf32, #tpu.memory_space<vmem_shared>> -> memref<6272xf32, #tpu.memory_space<vmem_shared>>
        tpu.wait_dma2 semaphore(%run_scoped3A : memref<!tpu.dma_semaphore, #tpu.memory_space<semaphore_mem>>) src(%dma_wait3A_124 : memref<6272xf32, #tpu.memory_space<vmem_shared>>) dst(%dma_wait3A_123 : memref<6272xf32, #tpu.memory_space<hbm>>)
        tpu.yield
      }) : () -> ()
      %add3A_115 = arith.constant 100000 : i32
      %add3A_116 = arith.addi %mul3A_103, %add3A_115 : i32
      %add3A_117 = arith.addi %add3A_116, %mul3A_7 : i32
      "tpu.region"() ({
        %run_scoped3A = tpu.sem_alloc : memref<!tpu.dma_semaphore, #tpu.memory_space<semaphore_mem>>
        %dma_start3A_121 = tpu.memref_slice %arg10[%add3A_117] : memref<600000xf32, #tpu.memory_space<hbm>> -> memref<6272xf32, #tpu.memory_space<hbm>>
        %dma_start3A_122 = tpu.memref_slice %arg37[%mul3A_7] : memref<100000xf32, #tpu.memory_space<vmem_shared>> -> memref<6272xf32, #tpu.memory_space<vmem_shared>>
        tpu.enqueue_dma source(%dma_start3A_122 : memref<6272xf32, #tpu.memory_space<vmem_shared>>) target(%dma_start3A_121 : memref<6272xf32, #tpu.memory_space<hbm>>) target_semaphore(%run_scoped3A : memref<!tpu.dma_semaphore, #tpu.memory_space<semaphore_mem>>)
        %dma_wait3A_123 = tpu.memref_slice %arg10[%add3A_117] : memref<600000xf32, #tpu.memory_space<hbm>> -> memref<6272xf32, #tpu.memory_space<hbm>>
        %dma_wait3A_124 = tpu.memref_slice %arg37[%mul3A_7] : memref<100000xf32, #tpu.memory_space<vmem_shared>> -> memref<6272xf32, #tpu.memory_space<vmem_shared>>
        tpu.wait_dma2 semaphore(%run_scoped3A : memref<!tpu.dma_semaphore, #tpu.memory_space<semaphore_mem>>) src(%dma_wait3A_124 : memref<6272xf32, #tpu.memory_space<vmem_shared>>) dst(%dma_wait3A_123 : memref<6272xf32, #tpu.memory_space<hbm>>)
        tpu.yield
      }) : () -> ()
      %add3A_118 = arith.constant 200000 : i32
      %add3A_119 = arith.addi %mul3A_103, %add3A_118 : i32
      %add3A_120 = arith.addi %add3A_119, %mul3A_7 : i32
      "tpu.region"() ({
        %run_scoped3A = tpu.sem_alloc : memref<!tpu.dma_semaphore, #tpu.memory_space<semaphore_mem>>
        %dma_start3A_121 = tpu.memref_slice %arg10[%add3A_120] : memref<600000xf32, #tpu.memory_space<hbm>> -> memref<6272xf32, #tpu.memory_space<hbm>>
        %dma_start3A_122 = tpu.memref_slice %arg38[%mul3A_7] : memref<100000xf32, #tpu.memory_space<vmem_shared>> -> memref<6272xf32, #tpu.memory_space<vmem_shared>>
        tpu.enqueue_dma source(%dma_start3A_122 : memref<6272xf32, #tpu.memory_space<vmem_shared>>) target(%dma_start3A_121 : memref<6272xf32, #tpu.memory_space<hbm>>) target_semaphore(%run_scoped3A : memref<!tpu.dma_semaphore, #tpu.memory_space<semaphore_mem>>)
        %dma_wait3A_123 = tpu.memref_slice %arg10[%add3A_120] : memref<600000xf32, #tpu.memory_space<hbm>> -> memref<6272xf32, #tpu.memory_space<hbm>>
        %dma_wait3A_124 = tpu.memref_slice %arg38[%mul3A_7] : memref<100000xf32, #tpu.memory_space<vmem_shared>> -> memref<6272xf32, #tpu.memory_space<vmem_shared>>
        tpu.wait_dma2 semaphore(%run_scoped3A : memref<!tpu.dma_semaphore, #tpu.memory_space<semaphore_mem>>) src(%dma_wait3A_124 : memref<6272xf32, #tpu.memory_space<vmem_shared>>) dst(%dma_wait3A_123 : memref<6272xf32, #tpu.memory_space<hbm>>)
        tpu.yield
      }) : () -> ()
    } else {
    }
    %eq3A_109 = arith.constant 15 : i32
    %eq3A_110 = arith.cmpi eq, %arg1, %eq3A_109 : i32
    %convert_element_type3A_111 = arith.extui %eq3A_110 : i1 to i32
    %cond3A_112 = arith.constant 0 : i32
    %cond3A_113 = arith.cmpi ne, %convert_element_type3A_111, %cond3A_112 : i32
    scf.if %cond3A_113 {
      %add3A_114 = arith.addi %mul3A_103, %mul3A_7 : i32
      "tpu.region"() ({
        %run_scoped3A = tpu.sem_alloc : memref<!tpu.dma_semaphore, #tpu.memory_space<semaphore_mem>>
        %dma_start3A_121 = tpu.memref_slice %arg10[%add3A_114] : memref<600000xf32, #tpu.memory_space<hbm>> -> memref<5920xf32, #tpu.memory_space<hbm>>
        %dma_start3A_122 = tpu.memref_slice %arg36[%mul3A_7] : memref<100000xf32, #tpu.memory_space<vmem_shared>> -> memref<5920xf32, #tpu.memory_space<vmem_shared>>
        tpu.enqueue_dma source(%dma_start3A_122 : memref<5920xf32, #tpu.memory_space<vmem_shared>>) target(%dma_start3A_121 : memref<5920xf32, #tpu.memory_space<hbm>>) target_semaphore(%run_scoped3A : memref<!tpu.dma_semaphore, #tpu.memory_space<semaphore_mem>>)
        %dma_wait3A_123 = tpu.memref_slice %arg10[%add3A_114] : memref<600000xf32, #tpu.memory_space<hbm>> -> memref<5920xf32, #tpu.memory_space<hbm>>
        %dma_wait3A_124 = tpu.memref_slice %arg36[%mul3A_7] : memref<100000xf32, #tpu.memory_space<vmem_shared>> -> memref<5920xf32, #tpu.memory_space<vmem_shared>>
        tpu.wait_dma2 semaphore(%run_scoped3A : memref<!tpu.dma_semaphore, #tpu.memory_space<semaphore_mem>>) src(%dma_wait3A_124 : memref<5920xf32, #tpu.memory_space<vmem_shared>>) dst(%dma_wait3A_123 : memref<5920xf32, #tpu.memory_space<hbm>>)
        tpu.yield
      }) : () -> ()
      %add3A_115 = arith.constant 100000 : i32
      %add3A_116 = arith.addi %mul3A_103, %add3A_115 : i32
      %add3A_117 = arith.addi %add3A_116, %mul3A_7 : i32
      "tpu.region"() ({
        %run_scoped3A = tpu.sem_alloc : memref<!tpu.dma_semaphore, #tpu.memory_space<semaphore_mem>>
        %dma_start3A_121 = tpu.memref_slice %arg10[%add3A_117] : memref<600000xf32, #tpu.memory_space<hbm>> -> memref<5920xf32, #tpu.memory_space<hbm>>
        %dma_start3A_122 = tpu.memref_slice %arg37[%mul3A_7] : memref<100000xf32, #tpu.memory_space<vmem_shared>> -> memref<5920xf32, #tpu.memory_space<vmem_shared>>
        tpu.enqueue_dma source(%dma_start3A_122 : memref<5920xf32, #tpu.memory_space<vmem_shared>>) target(%dma_start3A_121 : memref<5920xf32, #tpu.memory_space<hbm>>) target_semaphore(%run_scoped3A : memref<!tpu.dma_semaphore, #tpu.memory_space<semaphore_mem>>)
        %dma_wait3A_123 = tpu.memref_slice %arg10[%add3A_117] : memref<600000xf32, #tpu.memory_space<hbm>> -> memref<5920xf32, #tpu.memory_space<hbm>>
        %dma_wait3A_124 = tpu.memref_slice %arg37[%mul3A_7] : memref<100000xf32, #tpu.memory_space<vmem_shared>> -> memref<5920xf32, #tpu.memory_space<vmem_shared>>
        tpu.wait_dma2 semaphore(%run_scoped3A : memref<!tpu.dma_semaphore, #tpu.memory_space<semaphore_mem>>) src(%dma_wait3A_124 : memref<5920xf32, #tpu.memory_space<vmem_shared>>) dst(%dma_wait3A_123 : memref<5920xf32, #tpu.memory_space<hbm>>)
        tpu.yield
      }) : () -> ()
      %add3A_118 = arith.constant 200000 : i32
      %add3A_119 = arith.addi %mul3A_103, %add3A_118 : i32
      %add3A_120 = arith.addi %add3A_119, %mul3A_7 : i32
      "tpu.region"() ({
        %run_scoped3A = tpu.sem_alloc : memref<!tpu.dma_semaphore, #tpu.memory_space<semaphore_mem>>
        %dma_start3A_121 = tpu.memref_slice %arg10[%add3A_120] : memref<600000xf32, #tpu.memory_space<hbm>> -> memref<5920xf32, #tpu.memory_space<hbm>>
        %dma_start3A_122 = tpu.memref_slice %arg38[%mul3A_7] : memref<100000xf32, #tpu.memory_space<vmem_shared>> -> memref<5920xf32, #tpu.memory_space<vmem_shared>>
        tpu.enqueue_dma source(%dma_start3A_122 : memref<5920xf32, #tpu.memory_space<vmem_shared>>) target(%dma_start3A_121 : memref<5920xf32, #tpu.memory_space<hbm>>) target_semaphore(%run_scoped3A : memref<!tpu.dma_semaphore, #tpu.memory_space<semaphore_mem>>)
        %dma_wait3A_123 = tpu.memref_slice %arg10[%add3A_120] : memref<600000xf32, #tpu.memory_space<hbm>> -> memref<5920xf32, #tpu.memory_space<hbm>>
        %dma_wait3A_124 = tpu.memref_slice %arg38[%mul3A_7] : memref<100000xf32, #tpu.memory_space<vmem_shared>> -> memref<5920xf32, #tpu.memory_space<vmem_shared>>
        tpu.wait_dma2 semaphore(%run_scoped3A : memref<!tpu.dma_semaphore, #tpu.memory_space<semaphore_mem>>) src(%dma_wait3A_124 : memref<5920xf32, #tpu.memory_space<vmem_shared>>) dst(%dma_wait3A_123 : memref<5920xf32, #tpu.memory_space<hbm>>)
        tpu.yield
      }) : () -> ()
    } else {
    }
    return
  }
}

#map = affine_map<(d0, d1) -> (0)>
module attributes {stable_mosaic.version = 14 : i64} {
  func.func @_combine(%arg0: i32, %arg1: i32, %arg2: memref<600000xf32, #tpu.memory_space<hbm>>, %arg3: memref<100000xf32, #tpu.memory_space<hbm>>, %arg4: memref<100000xf32, #tpu.memory_space<hbm>>, %arg5: memref<16xf32, #tpu.memory_space<hbm>>, %arg6: memref<100000xf32, #tpu.memory_space<hbm>>, %arg7: memref<3136xf32, #tpu.memory_space<vmem>>, %arg8: memref<3136xf32, #tpu.memory_space<vmem>>, %arg9: memref<3136xf32, #tpu.memory_space<vmem>>, %arg10: memref<3136xf32, #tpu.memory_space<vmem>>, %arg11: memref<3136xf32, #tpu.memory_space<vmem>>, %arg12: memref<3136xf32, #tpu.memory_space<vmem>>, %arg13: memref<3136xf32, #tpu.memory_space<vmem>>, %arg14: memref<3136xf32, #tpu.memory_space<vmem>>, %arg15: memref<3136xf32, #tpu.memory_space<vmem>>, %arg16: memref<16xf32, #tpu.memory_space<vmem>>) attributes {dimension_semantics = [#tpu.dimension_semantics<core_parallel>, #tpu.dimension_semantics<subcore_parallel>], iteration_bounds = array<i64: 2, 16>, scalar_prefetch = 0 : i64, scratch_operands = 10 : i64, tpu.core_type = #tpu.core_type<sc_vector_subcore>, window_params = [{transform_indices = #map}, {transform_indices = #map}, {transform_indices = #map}, {transform_indices = #map}, {transform_indices = #map}]} {
    %mul3A = arith.constant 16 : i32
    %mul3A_0 = arith.muli %arg0, %mul3A : i32
    %add3A = arith.addi %mul3A_0, %arg1 : i32
    %iota3A = tpu.iota {dimensions = array<i32: 0>} : vector<16xi32>
    %mul3A_1 = arith.constant 3136 : i32
    %mul3A_2 = arith.muli %add3A, %mul3A_1 : i32
    "tpu.region"() ({
      %run_scoped3A = tpu.sem_alloc : memref<!tpu.dma_semaphore, #tpu.memory_space<semaphore_mem>>
      tpu.enqueue_dma source(%arg5 : memref<16xf32, #tpu.memory_space<hbm>>) target(%arg16 : memref<16xf32, #tpu.memory_space<vmem>>) target_semaphore(%run_scoped3A : memref<!tpu.dma_semaphore, #tpu.memory_space<semaphore_mem>>)
      tpu.wait_dma2 semaphore(%run_scoped3A : memref<!tpu.dma_semaphore, #tpu.memory_space<semaphore_mem>>) src(%arg5 : memref<16xf32, #tpu.memory_space<hbm>>) dst(%arg16 : memref<16xf32, #tpu.memory_space<vmem>>)
      tpu.yield
    }) : () -> ()
    %lt3A = arith.constant 31 : i32
    %lt3A_3 = arith.cmpi slt, %add3A, %lt3A : i32
    %convert_element_type3A = arith.extui %lt3A_3 : i1 to i32
    %cond3A = arith.constant 0 : i32
    %cond3A_4 = arith.cmpi ne, %convert_element_type3A, %cond3A : i32
    scf.if %cond3A_4 {
      "tpu.region"() ({
        %run_scoped3A = tpu.sem_alloc : memref<!tpu.dma_semaphore, #tpu.memory_space<semaphore_mem>>
        %dma_start3A = arith.constant 0 : i32
        %dma_start3A_41 = tpu.memref_slice %arg7[%dma_start3A] : memref<3136xf32, #tpu.memory_space<vmem>> -> memref<3136xf32, #tpu.memory_space<vmem>>
        %dma_start3A_42 = tpu.memref_slice %arg2[%mul3A_2] : memref<600000xf32, #tpu.memory_space<hbm>> -> memref<3136xf32, #tpu.memory_space<hbm>>
        %dma_start3A_43 = arith.constant 0 : i32
        %dma_start3A_44 = tpu.memref_slice %arg7[%dma_start3A_43] : memref<3136xf32, #tpu.memory_space<vmem>> -> memref<3136xf32, #tpu.memory_space<vmem>>
        %dma_start3A_45 = tpu.memref_slice %arg2[%mul3A_2] : memref<600000xf32, #tpu.memory_space<hbm>> -> memref<3136xf32, #tpu.memory_space<hbm>>
        tpu.enqueue_dma source(%dma_start3A_45 : memref<3136xf32, #tpu.memory_space<hbm>>) target(%dma_start3A_44 : memref<3136xf32, #tpu.memory_space<vmem>>) target_semaphore(%run_scoped3A : memref<!tpu.dma_semaphore, #tpu.memory_space<semaphore_mem>>)
        %dma_wait3A = arith.constant 0 : i32
        %dma_wait3A_46 = tpu.memref_slice %arg7[%dma_wait3A] : memref<3136xf32, #tpu.memory_space<vmem>> -> memref<3136xf32, #tpu.memory_space<vmem>>
        %dma_wait3A_47 = tpu.memref_slice %arg2[%mul3A_2] : memref<600000xf32, #tpu.memory_space<hbm>> -> memref<3136xf32, #tpu.memory_space<hbm>>
        %dma_wait3A_48 = arith.constant 0 : i32
        %dma_wait3A_49 = tpu.memref_slice %arg7[%dma_wait3A_48] : memref<3136xf32, #tpu.memory_space<vmem>> -> memref<3136xf32, #tpu.memory_space<vmem>>
        %dma_wait3A_50 = tpu.memref_slice %arg2[%mul3A_2] : memref<600000xf32, #tpu.memory_space<hbm>> -> memref<3136xf32, #tpu.memory_space<hbm>>
        tpu.wait_dma2 semaphore(%run_scoped3A : memref<!tpu.dma_semaphore, #tpu.memory_space<semaphore_mem>>) src(%dma_wait3A_50 : memref<3136xf32, #tpu.memory_space<hbm>>) dst(%dma_wait3A_49 : memref<3136xf32, #tpu.memory_space<vmem>>)
        tpu.yield
      }) : () -> ()
      %add3A_31 = arith.constant 300000 : i32
      %add3A_32 = arith.addi %add3A_31, %mul3A_2 : i32
      "tpu.region"() ({
        %run_scoped3A = tpu.sem_alloc : memref<!tpu.dma_semaphore, #tpu.memory_space<semaphore_mem>>
        %dma_start3A = arith.constant 0 : i32
        %dma_start3A_41 = tpu.memref_slice %arg8[%dma_start3A] : memref<3136xf32, #tpu.memory_space<vmem>> -> memref<3136xf32, #tpu.memory_space<vmem>>
        %dma_start3A_42 = tpu.memref_slice %arg2[%add3A_32] : memref<600000xf32, #tpu.memory_space<hbm>> -> memref<3136xf32, #tpu.memory_space<hbm>>
        %dma_start3A_43 = arith.constant 0 : i32
        %dma_start3A_44 = tpu.memref_slice %arg8[%dma_start3A_43] : memref<3136xf32, #tpu.memory_space<vmem>> -> memref<3136xf32, #tpu.memory_space<vmem>>
        %dma_start3A_45 = tpu.memref_slice %arg2[%add3A_32] : memref<600000xf32, #tpu.memory_space<hbm>> -> memref<3136xf32, #tpu.memory_space<hbm>>
        tpu.enqueue_dma source(%dma_start3A_45 : memref<3136xf32, #tpu.memory_space<hbm>>) target(%dma_start3A_44 : memref<3136xf32, #tpu.memory_space<vmem>>) target_semaphore(%run_scoped3A : memref<!tpu.dma_semaphore, #tpu.memory_space<semaphore_mem>>)
        %dma_wait3A = arith.constant 0 : i32
        %dma_wait3A_46 = tpu.memref_slice %arg8[%dma_wait3A] : memref<3136xf32, #tpu.memory_space<vmem>> -> memref<3136xf32, #tpu.memory_space<vmem>>
        %dma_wait3A_47 = tpu.memref_slice %arg2[%add3A_32] : memref<600000xf32, #tpu.memory_space<hbm>> -> memref<3136xf32, #tpu.memory_space<hbm>>
        %dma_wait3A_48 = arith.constant 0 : i32
        %dma_wait3A_49 = tpu.memref_slice %arg8[%dma_wait3A_48] : memref<3136xf32, #tpu.memory_space<vmem>> -> memref<3136xf32, #tpu.memory_space<vmem>>
        %dma_wait3A_50 = tpu.memref_slice %arg2[%add3A_32] : memref<600000xf32, #tpu.memory_space<hbm>> -> memref<3136xf32, #tpu.memory_space<hbm>>
        tpu.wait_dma2 semaphore(%run_scoped3A : memref<!tpu.dma_semaphore, #tpu.memory_space<semaphore_mem>>) src(%dma_wait3A_50 : memref<3136xf32, #tpu.memory_space<hbm>>) dst(%dma_wait3A_49 : memref<3136xf32, #tpu.memory_space<vmem>>)
        tpu.yield
      }) : () -> ()
      %add3A_33 = arith.constant 100000 : i32
      %add3A_34 = arith.addi %add3A_33, %mul3A_2 : i32
      "tpu.region"() ({
        %run_scoped3A = tpu.sem_alloc : memref<!tpu.dma_semaphore, #tpu.memory_space<semaphore_mem>>
        %dma_start3A = arith.constant 0 : i32
        %dma_start3A_41 = tpu.memref_slice %arg9[%dma_start3A] : memref<3136xf32, #tpu.memory_space<vmem>> -> memref<3136xf32, #tpu.memory_space<vmem>>
        %dma_start3A_42 = tpu.memref_slice %arg2[%add3A_34] : memref<600000xf32, #tpu.memory_space<hbm>> -> memref<3136xf32, #tpu.memory_space<hbm>>
        %dma_start3A_43 = arith.constant 0 : i32
        %dma_start3A_44 = tpu.memref_slice %arg9[%dma_start3A_43] : memref<3136xf32, #tpu.memory_space<vmem>> -> memref<3136xf32, #tpu.memory_space<vmem>>
        %dma_start3A_45 = tpu.memref_slice %arg2[%add3A_34] : memref<600000xf32, #tpu.memory_space<hbm>> -> memref<3136xf32, #tpu.memory_space<hbm>>
        tpu.enqueue_dma source(%dma_start3A_45 : memref<3136xf32, #tpu.memory_space<hbm>>) target(%dma_start3A_44 : memref<3136xf32, #tpu.memory_space<vmem>>) target_semaphore(%run_scoped3A : memref<!tpu.dma_semaphore, #tpu.memory_space<semaphore_mem>>)
        %dma_wait3A = arith.constant 0 : i32
        %dma_wait3A_46 = tpu.memref_slice %arg9[%dma_wait3A] : memref<3136xf32, #tpu.memory_space<vmem>> -> memref<3136xf32, #tpu.memory_space<vmem>>
        %dma_wait3A_47 = tpu.memref_slice %arg2[%add3A_34] : memref<600000xf32, #tpu.memory_space<hbm>> -> memref<3136xf32, #tpu.memory_space<hbm>>
        %dma_wait3A_48 = arith.constant 0 : i32
        %dma_wait3A_49 = tpu.memref_slice %arg9[%dma_wait3A_48] : memref<3136xf32, #tpu.memory_space<vmem>> -> memref<3136xf32, #tpu.memory_space<vmem>>
        %dma_wait3A_50 = tpu.memref_slice %arg2[%add3A_34] : memref<600000xf32, #tpu.memory_space<hbm>> -> memref<3136xf32, #tpu.memory_space<hbm>>
        tpu.wait_dma2 semaphore(%run_scoped3A : memref<!tpu.dma_semaphore, #tpu.memory_space<semaphore_mem>>) src(%dma_wait3A_50 : memref<3136xf32, #tpu.memory_space<hbm>>) dst(%dma_wait3A_49 : memref<3136xf32, #tpu.memory_space<vmem>>)
        tpu.yield
      }) : () -> ()
      %add3A_35 = arith.constant 400000 : i32
      %add3A_36 = arith.addi %add3A_35, %mul3A_2 : i32
      "tpu.region"() ({
        %run_scoped3A = tpu.sem_alloc : memref<!tpu.dma_semaphore, #tpu.memory_space<semaphore_mem>>
        %dma_start3A = arith.constant 0 : i32
        %dma_start3A_41 = tpu.memref_slice %arg10[%dma_start3A] : memref<3136xf32, #tpu.memory_space<vmem>> -> memref<3136xf32, #tpu.memory_space<vmem>>
        %dma_start3A_42 = tpu.memref_slice %arg2[%add3A_36] : memref<600000xf32, #tpu.memory_space<hbm>> -> memref<3136xf32, #tpu.memory_space<hbm>>
        %dma_start3A_43 = arith.constant 0 : i32
        %dma_start3A_44 = tpu.memref_slice %arg10[%dma_start3A_43] : memref<3136xf32, #tpu.memory_space<vmem>> -> memref<3136xf32, #tpu.memory_space<vmem>>
        %dma_start3A_45 = tpu.memref_slice %arg2[%add3A_36] : memref<600000xf32, #tpu.memory_space<hbm>> -> memref<3136xf32, #tpu.memory_space<hbm>>
        tpu.enqueue_dma source(%dma_start3A_45 : memref<3136xf32, #tpu.memory_space<hbm>>) target(%dma_start3A_44 : memref<3136xf32, #tpu.memory_space<vmem>>) target_semaphore(%run_scoped3A : memref<!tpu.dma_semaphore, #tpu.memory_space<semaphore_mem>>)
        %dma_wait3A = arith.constant 0 : i32
        %dma_wait3A_46 = tpu.memref_slice %arg10[%dma_wait3A] : memref<3136xf32, #tpu.memory_space<vmem>> -> memref<3136xf32, #tpu.memory_space<vmem>>
        %dma_wait3A_47 = tpu.memref_slice %arg2[%add3A_36] : memref<600000xf32, #tpu.memory_space<hbm>> -> memref<3136xf32, #tpu.memory_space<hbm>>
        %dma_wait3A_48 = arith.constant 0 : i32
        %dma_wait3A_49 = tpu.memref_slice %arg10[%dma_wait3A_48] : memref<3136xf32, #tpu.memory_space<vmem>> -> memref<3136xf32, #tpu.memory_space<vmem>>
        %dma_wait3A_50 = tpu.memref_slice %arg2[%add3A_36] : memref<600000xf32, #tpu.memory_space<hbm>> -> memref<3136xf32, #tpu.memory_space<hbm>>
        tpu.wait_dma2 semaphore(%run_scoped3A : memref<!tpu.dma_semaphore, #tpu.memory_space<semaphore_mem>>) src(%dma_wait3A_50 : memref<3136xf32, #tpu.memory_space<hbm>>) dst(%dma_wait3A_49 : memref<3136xf32, #tpu.memory_space<vmem>>)
        tpu.yield
      }) : () -> ()
      %add3A_37 = arith.constant 200000 : i32
      %add3A_38 = arith.addi %add3A_37, %mul3A_2 : i32
      "tpu.region"() ({
        %run_scoped3A = tpu.sem_alloc : memref<!tpu.dma_semaphore, #tpu.memory_space<semaphore_mem>>
        %dma_start3A = arith.constant 0 : i32
        %dma_start3A_41 = tpu.memref_slice %arg11[%dma_start3A] : memref<3136xf32, #tpu.memory_space<vmem>> -> memref<3136xf32, #tpu.memory_space<vmem>>
        %dma_start3A_42 = tpu.memref_slice %arg2[%add3A_38] : memref<600000xf32, #tpu.memory_space<hbm>> -> memref<3136xf32, #tpu.memory_space<hbm>>
        %dma_start3A_43 = arith.constant 0 : i32
        %dma_start3A_44 = tpu.memref_slice %arg11[%dma_start3A_43] : memref<3136xf32, #tpu.memory_space<vmem>> -> memref<3136xf32, #tpu.memory_space<vmem>>
        %dma_start3A_45 = tpu.memref_slice %arg2[%add3A_38] : memref<600000xf32, #tpu.memory_space<hbm>> -> memref<3136xf32, #tpu.memory_space<hbm>>
        tpu.enqueue_dma source(%dma_start3A_45 : memref<3136xf32, #tpu.memory_space<hbm>>) target(%dma_start3A_44 : memref<3136xf32, #tpu.memory_space<vmem>>) target_semaphore(%run_scoped3A : memref<!tpu.dma_semaphore, #tpu.memory_space<semaphore_mem>>)
        %dma_wait3A = arith.constant 0 : i32
        %dma_wait3A_46 = tpu.memref_slice %arg11[%dma_wait3A] : memref<3136xf32, #tpu.memory_space<vmem>> -> memref<3136xf32, #tpu.memory_space<vmem>>
        %dma_wait3A_47 = tpu.memref_slice %arg2[%add3A_38] : memref<600000xf32, #tpu.memory_space<hbm>> -> memref<3136xf32, #tpu.memory_space<hbm>>
        %dma_wait3A_48 = arith.constant 0 : i32
        %dma_wait3A_49 = tpu.memref_slice %arg11[%dma_wait3A_48] : memref<3136xf32, #tpu.memory_space<vmem>> -> memref<3136xf32, #tpu.memory_space<vmem>>
        %dma_wait3A_50 = tpu.memref_slice %arg2[%add3A_38] : memref<600000xf32, #tpu.memory_space<hbm>> -> memref<3136xf32, #tpu.memory_space<hbm>>
        tpu.wait_dma2 semaphore(%run_scoped3A : memref<!tpu.dma_semaphore, #tpu.memory_space<semaphore_mem>>) src(%dma_wait3A_50 : memref<3136xf32, #tpu.memory_space<hbm>>) dst(%dma_wait3A_49 : memref<3136xf32, #tpu.memory_space<vmem>>)
        tpu.yield
      }) : () -> ()
      %add3A_39 = arith.constant 500000 : i32
      %add3A_40 = arith.addi %add3A_39, %mul3A_2 : i32
      "tpu.region"() ({
        %run_scoped3A = tpu.sem_alloc : memref<!tpu.dma_semaphore, #tpu.memory_space<semaphore_mem>>
        %dma_start3A = arith.constant 0 : i32
        %dma_start3A_41 = tpu.memref_slice %arg12[%dma_start3A] : memref<3136xf32, #tpu.memory_space<vmem>> -> memref<3136xf32, #tpu.memory_space<vmem>>
        %dma_start3A_42 = tpu.memref_slice %arg2[%add3A_40] : memref<600000xf32, #tpu.memory_space<hbm>> -> memref<3136xf32, #tpu.memory_space<hbm>>
        %dma_start3A_43 = arith.constant 0 : i32
        %dma_start3A_44 = tpu.memref_slice %arg12[%dma_start3A_43] : memref<3136xf32, #tpu.memory_space<vmem>> -> memref<3136xf32, #tpu.memory_space<vmem>>
        %dma_start3A_45 = tpu.memref_slice %arg2[%add3A_40] : memref<600000xf32, #tpu.memory_space<hbm>> -> memref<3136xf32, #tpu.memory_space<hbm>>
        tpu.enqueue_dma source(%dma_start3A_45 : memref<3136xf32, #tpu.memory_space<hbm>>) target(%dma_start3A_44 : memref<3136xf32, #tpu.memory_space<vmem>>) target_semaphore(%run_scoped3A : memref<!tpu.dma_semaphore, #tpu.memory_space<semaphore_mem>>)
        %dma_wait3A = arith.constant 0 : i32
        %dma_wait3A_46 = tpu.memref_slice %arg12[%dma_wait3A] : memref<3136xf32, #tpu.memory_space<vmem>> -> memref<3136xf32, #tpu.memory_space<vmem>>
        %dma_wait3A_47 = tpu.memref_slice %arg2[%add3A_40] : memref<600000xf32, #tpu.memory_space<hbm>> -> memref<3136xf32, #tpu.memory_space<hbm>>
        %dma_wait3A_48 = arith.constant 0 : i32
        %dma_wait3A_49 = tpu.memref_slice %arg12[%dma_wait3A_48] : memref<3136xf32, #tpu.memory_space<vmem>> -> memref<3136xf32, #tpu.memory_space<vmem>>
        %dma_wait3A_50 = tpu.memref_slice %arg2[%add3A_40] : memref<600000xf32, #tpu.memory_space<hbm>> -> memref<3136xf32, #tpu.memory_space<hbm>>
        tpu.wait_dma2 semaphore(%run_scoped3A : memref<!tpu.dma_semaphore, #tpu.memory_space<semaphore_mem>>) src(%dma_wait3A_50 : memref<3136xf32, #tpu.memory_space<hbm>>) dst(%dma_wait3A_49 : memref<3136xf32, #tpu.memory_space<vmem>>)
        tpu.yield
      }) : () -> ()
      "tpu.region"() ({
        %run_scoped3A = tpu.sem_alloc : memref<!tpu.dma_semaphore, #tpu.memory_space<semaphore_mem>>
        %dma_start3A = arith.constant 0 : i32
        %dma_start3A_41 = tpu.memref_slice %arg13[%dma_start3A] : memref<3136xf32, #tpu.memory_space<vmem>> -> memref<3136xf32, #tpu.memory_space<vmem>>
        %dma_start3A_42 = tpu.memref_slice %arg3[%mul3A_2] : memref<100000xf32, #tpu.memory_space<hbm>> -> memref<3136xf32, #tpu.memory_space<hbm>>
        %dma_start3A_43 = arith.constant 0 : i32
        %dma_start3A_44 = tpu.memref_slice %arg13[%dma_start3A_43] : memref<3136xf32, #tpu.memory_space<vmem>> -> memref<3136xf32, #tpu.memory_space<vmem>>
        %dma_start3A_45 = tpu.memref_slice %arg3[%mul3A_2] : memref<100000xf32, #tpu.memory_space<hbm>> -> memref<3136xf32, #tpu.memory_space<hbm>>
        tpu.enqueue_dma source(%dma_start3A_45 : memref<3136xf32, #tpu.memory_space<hbm>>) target(%dma_start3A_44 : memref<3136xf32, #tpu.memory_space<vmem>>) target_semaphore(%run_scoped3A : memref<!tpu.dma_semaphore, #tpu.memory_space<semaphore_mem>>)
        %dma_wait3A = arith.constant 0 : i32
        %dma_wait3A_46 = tpu.memref_slice %arg13[%dma_wait3A] : memref<3136xf32, #tpu.memory_space<vmem>> -> memref<3136xf32, #tpu.memory_space<vmem>>
        %dma_wait3A_47 = tpu.memref_slice %arg3[%mul3A_2] : memref<100000xf32, #tpu.memory_space<hbm>> -> memref<3136xf32, #tpu.memory_space<hbm>>
        %dma_wait3A_48 = arith.constant 0 : i32
        %dma_wait3A_49 = tpu.memref_slice %arg13[%dma_wait3A_48] : memref<3136xf32, #tpu.memory_space<vmem>> -> memref<3136xf32, #tpu.memory_space<vmem>>
        %dma_wait3A_50 = tpu.memref_slice %arg3[%mul3A_2] : memref<100000xf32, #tpu.memory_space<hbm>> -> memref<3136xf32, #tpu.memory_space<hbm>>
        tpu.wait_dma2 semaphore(%run_scoped3A : memref<!tpu.dma_semaphore, #tpu.memory_space<semaphore_mem>>) src(%dma_wait3A_50 : memref<3136xf32, #tpu.memory_space<hbm>>) dst(%dma_wait3A_49 : memref<3136xf32, #tpu.memory_space<vmem>>)
        tpu.yield
      }) : () -> ()
      "tpu.region"() ({
        %run_scoped3A = tpu.sem_alloc : memref<!tpu.dma_semaphore, #tpu.memory_space<semaphore_mem>>
        %dma_start3A = arith.constant 0 : i32
        %dma_start3A_41 = tpu.memref_slice %arg14[%dma_start3A] : memref<3136xf32, #tpu.memory_space<vmem>> -> memref<3136xf32, #tpu.memory_space<vmem>>
        %dma_start3A_42 = tpu.memref_slice %arg4[%mul3A_2] : memref<100000xf32, #tpu.memory_space<hbm>> -> memref<3136xf32, #tpu.memory_space<hbm>>
        %dma_start3A_43 = arith.constant 0 : i32
        %dma_start3A_44 = tpu.memref_slice %arg14[%dma_start3A_43] : memref<3136xf32, #tpu.memory_space<vmem>> -> memref<3136xf32, #tpu.memory_space<vmem>>
        %dma_start3A_45 = tpu.memref_slice %arg4[%mul3A_2] : memref<100000xf32, #tpu.memory_space<hbm>> -> memref<3136xf32, #tpu.memory_space<hbm>>
        tpu.enqueue_dma source(%dma_start3A_45 : memref<3136xf32, #tpu.memory_space<hbm>>) target(%dma_start3A_44 : memref<3136xf32, #tpu.memory_space<vmem>>) target_semaphore(%run_scoped3A : memref<!tpu.dma_semaphore, #tpu.memory_space<semaphore_mem>>)
        %dma_wait3A = arith.constant 0 : i32
        %dma_wait3A_46 = tpu.memref_slice %arg14[%dma_wait3A] : memref<3136xf32, #tpu.memory_space<vmem>> -> memref<3136xf32, #tpu.memory_space<vmem>>
        %dma_wait3A_47 = tpu.memref_slice %arg4[%mul3A_2] : memref<100000xf32, #tpu.memory_space<hbm>> -> memref<3136xf32, #tpu.memory_space<hbm>>
        %dma_wait3A_48 = arith.constant 0 : i32
        %dma_wait3A_49 = tpu.memref_slice %arg14[%dma_wait3A_48] : memref<3136xf32, #tpu.memory_space<vmem>> -> memref<3136xf32, #tpu.memory_space<vmem>>
        %dma_wait3A_50 = tpu.memref_slice %arg4[%mul3A_2] : memref<100000xf32, #tpu.memory_space<hbm>> -> memref<3136xf32, #tpu.memory_space<hbm>>
        tpu.wait_dma2 semaphore(%run_scoped3A : memref<!tpu.dma_semaphore, #tpu.memory_space<semaphore_mem>>) src(%dma_wait3A_50 : memref<3136xf32, #tpu.memory_space<hbm>>) dst(%dma_wait3A_49 : memref<3136xf32, #tpu.memory_space<vmem>>)
        tpu.yield
      }) : () -> ()
    } else {
    }
    %eq3A = arith.constant 31 : i32
    %eq3A_5 = arith.cmpi eq, %add3A, %eq3A : i32
    %convert_element_type3A_6 = arith.extui %eq3A_5 : i1 to i32
    %cond3A_7 = arith.constant 0 : i32
    %cond3A_8 = arith.cmpi ne, %convert_element_type3A_6, %cond3A_7 : i32
    scf.if %cond3A_8 {
      "tpu.region"() ({
        %run_scoped3A = tpu.sem_alloc : memref<!tpu.dma_semaphore, #tpu.memory_space<semaphore_mem>>
        %dma_start3A = arith.constant 0 : i32
        %dma_start3A_41 = tpu.memref_slice %arg7[%dma_start3A] : memref<3136xf32, #tpu.memory_space<vmem>> -> memref<2784xf32, #tpu.memory_space<vmem>>
        %dma_start3A_42 = tpu.memref_slice %arg2[%mul3A_2] : memref<600000xf32, #tpu.memory_space<hbm>> -> memref<2784xf32, #tpu.memory_space<hbm>>
        %dma_start3A_43 = arith.constant 0 : i32
        %dma_start3A_44 = tpu.memref_slice %arg7[%dma_start3A_43] : memref<3136xf32, #tpu.memory_space<vmem>> -> memref<2784xf32, #tpu.memory_space<vmem>>
        %dma_start3A_45 = tpu.memref_slice %arg2[%mul3A_2] : memref<600000xf32, #tpu.memory_space<hbm>> -> memref<2784xf32, #tpu.memory_space<hbm>>
        tpu.enqueue_dma source(%dma_start3A_45 : memref<2784xf32, #tpu.memory_space<hbm>>) target(%dma_start3A_44 : memref<2784xf32, #tpu.memory_space<vmem>>) target_semaphore(%run_scoped3A : memref<!tpu.dma_semaphore, #tpu.memory_space<semaphore_mem>>)
        %dma_wait3A = arith.constant 0 : i32
        %dma_wait3A_46 = tpu.memref_slice %arg7[%dma_wait3A] : memref<3136xf32, #tpu.memory_space<vmem>> -> memref<2784xf32, #tpu.memory_space<vmem>>
        %dma_wait3A_47 = tpu.memref_slice %arg2[%mul3A_2] : memref<600000xf32, #tpu.memory_space<hbm>> -> memref<2784xf32, #tpu.memory_space<hbm>>
        %dma_wait3A_48 = arith.constant 0 : i32
        %dma_wait3A_49 = tpu.memref_slice %arg7[%dma_wait3A_48] : memref<3136xf32, #tpu.memory_space<vmem>> -> memref<2784xf32, #tpu.memory_space<vmem>>
        %dma_wait3A_50 = tpu.memref_slice %arg2[%mul3A_2] : memref<600000xf32, #tpu.memory_space<hbm>> -> memref<2784xf32, #tpu.memory_space<hbm>>
        tpu.wait_dma2 semaphore(%run_scoped3A : memref<!tpu.dma_semaphore, #tpu.memory_space<semaphore_mem>>) src(%dma_wait3A_50 : memref<2784xf32, #tpu.memory_space<hbm>>) dst(%dma_wait3A_49 : memref<2784xf32, #tpu.memory_space<vmem>>)
        tpu.yield
      }) : () -> ()
      %add3A_31 = arith.constant 300000 : i32
      %add3A_32 = arith.addi %add3A_31, %mul3A_2 : i32
      "tpu.region"() ({
        %run_scoped3A = tpu.sem_alloc : memref<!tpu.dma_semaphore, #tpu.memory_space<semaphore_mem>>
        %dma_start3A = arith.constant 0 : i32
        %dma_start3A_41 = tpu.memref_slice %arg8[%dma_start3A] : memref<3136xf32, #tpu.memory_space<vmem>> -> memref<2784xf32, #tpu.memory_space<vmem>>
        %dma_start3A_42 = tpu.memref_slice %arg2[%add3A_32] : memref<600000xf32, #tpu.memory_space<hbm>> -> memref<2784xf32, #tpu.memory_space<hbm>>
        %dma_start3A_43 = arith.constant 0 : i32
        %dma_start3A_44 = tpu.memref_slice %arg8[%dma_start3A_43] : memref<3136xf32, #tpu.memory_space<vmem>> -> memref<2784xf32, #tpu.memory_space<vmem>>
        %dma_start3A_45 = tpu.memref_slice %arg2[%add3A_32] : memref<600000xf32, #tpu.memory_space<hbm>> -> memref<2784xf32, #tpu.memory_space<hbm>>
        tpu.enqueue_dma source(%dma_start3A_45 : memref<2784xf32, #tpu.memory_space<hbm>>) target(%dma_start3A_44 : memref<2784xf32, #tpu.memory_space<vmem>>) target_semaphore(%run_scoped3A : memref<!tpu.dma_semaphore, #tpu.memory_space<semaphore_mem>>)
        %dma_wait3A = arith.constant 0 : i32
        %dma_wait3A_46 = tpu.memref_slice %arg8[%dma_wait3A] : memref<3136xf32, #tpu.memory_space<vmem>> -> memref<2784xf32, #tpu.memory_space<vmem>>
        %dma_wait3A_47 = tpu.memref_slice %arg2[%add3A_32] : memref<600000xf32, #tpu.memory_space<hbm>> -> memref<2784xf32, #tpu.memory_space<hbm>>
        %dma_wait3A_48 = arith.constant 0 : i32
        %dma_wait3A_49 = tpu.memref_slice %arg8[%dma_wait3A_48] : memref<3136xf32, #tpu.memory_space<vmem>> -> memref<2784xf32, #tpu.memory_space<vmem>>
        %dma_wait3A_50 = tpu.memref_slice %arg2[%add3A_32] : memref<600000xf32, #tpu.memory_space<hbm>> -> memref<2784xf32, #tpu.memory_space<hbm>>
        tpu.wait_dma2 semaphore(%run_scoped3A : memref<!tpu.dma_semaphore, #tpu.memory_space<semaphore_mem>>) src(%dma_wait3A_50 : memref<2784xf32, #tpu.memory_space<hbm>>) dst(%dma_wait3A_49 : memref<2784xf32, #tpu.memory_space<vmem>>)
        tpu.yield
      }) : () -> ()
      %add3A_33 = arith.constant 100000 : i32
      %add3A_34 = arith.addi %add3A_33, %mul3A_2 : i32
      "tpu.region"() ({
        %run_scoped3A = tpu.sem_alloc : memref<!tpu.dma_semaphore, #tpu.memory_space<semaphore_mem>>
        %dma_start3A = arith.constant 0 : i32
        %dma_start3A_41 = tpu.memref_slice %arg9[%dma_start3A] : memref<3136xf32, #tpu.memory_space<vmem>> -> memref<2784xf32, #tpu.memory_space<vmem>>
        %dma_start3A_42 = tpu.memref_slice %arg2[%add3A_34] : memref<600000xf32, #tpu.memory_space<hbm>> -> memref<2784xf32, #tpu.memory_space<hbm>>
        %dma_start3A_43 = arith.constant 0 : i32
        %dma_start3A_44 = tpu.memref_slice %arg9[%dma_start3A_43] : memref<3136xf32, #tpu.memory_space<vmem>> -> memref<2784xf32, #tpu.memory_space<vmem>>
        %dma_start3A_45 = tpu.memref_slice %arg2[%add3A_34] : memref<600000xf32, #tpu.memory_space<hbm>> -> memref<2784xf32, #tpu.memory_space<hbm>>
        tpu.enqueue_dma source(%dma_start3A_45 : memref<2784xf32, #tpu.memory_space<hbm>>) target(%dma_start3A_44 : memref<2784xf32, #tpu.memory_space<vmem>>) target_semaphore(%run_scoped3A : memref<!tpu.dma_semaphore, #tpu.memory_space<semaphore_mem>>)
        %dma_wait3A = arith.constant 0 : i32
        %dma_wait3A_46 = tpu.memref_slice %arg9[%dma_wait3A] : memref<3136xf32, #tpu.memory_space<vmem>> -> memref<2784xf32, #tpu.memory_space<vmem>>
        %dma_wait3A_47 = tpu.memref_slice %arg2[%add3A_34] : memref<600000xf32, #tpu.memory_space<hbm>> -> memref<2784xf32, #tpu.memory_space<hbm>>
        %dma_wait3A_48 = arith.constant 0 : i32
        %dma_wait3A_49 = tpu.memref_slice %arg9[%dma_wait3A_48] : memref<3136xf32, #tpu.memory_space<vmem>> -> memref<2784xf32, #tpu.memory_space<vmem>>
        %dma_wait3A_50 = tpu.memref_slice %arg2[%add3A_34] : memref<600000xf32, #tpu.memory_space<hbm>> -> memref<2784xf32, #tpu.memory_space<hbm>>
        tpu.wait_dma2 semaphore(%run_scoped3A : memref<!tpu.dma_semaphore, #tpu.memory_space<semaphore_mem>>) src(%dma_wait3A_50 : memref<2784xf32, #tpu.memory_space<hbm>>) dst(%dma_wait3A_49 : memref<2784xf32, #tpu.memory_space<vmem>>)
        tpu.yield
      }) : () -> ()
      %add3A_35 = arith.constant 400000 : i32
      %add3A_36 = arith.addi %add3A_35, %mul3A_2 : i32
      "tpu.region"() ({
        %run_scoped3A = tpu.sem_alloc : memref<!tpu.dma_semaphore, #tpu.memory_space<semaphore_mem>>
        %dma_start3A = arith.constant 0 : i32
        %dma_start3A_41 = tpu.memref_slice %arg10[%dma_start3A] : memref<3136xf32, #tpu.memory_space<vmem>> -> memref<2784xf32, #tpu.memory_space<vmem>>
        %dma_start3A_42 = tpu.memref_slice %arg2[%add3A_36] : memref<600000xf32, #tpu.memory_space<hbm>> -> memref<2784xf32, #tpu.memory_space<hbm>>
        %dma_start3A_43 = arith.constant 0 : i32
        %dma_start3A_44 = tpu.memref_slice %arg10[%dma_start3A_43] : memref<3136xf32, #tpu.memory_space<vmem>> -> memref<2784xf32, #tpu.memory_space<vmem>>
        %dma_start3A_45 = tpu.memref_slice %arg2[%add3A_36] : memref<600000xf32, #tpu.memory_space<hbm>> -> memref<2784xf32, #tpu.memory_space<hbm>>
        tpu.enqueue_dma source(%dma_start3A_45 : memref<2784xf32, #tpu.memory_space<hbm>>) target(%dma_start3A_44 : memref<2784xf32, #tpu.memory_space<vmem>>) target_semaphore(%run_scoped3A : memref<!tpu.dma_semaphore, #tpu.memory_space<semaphore_mem>>)
        %dma_wait3A = arith.constant 0 : i32
        %dma_wait3A_46 = tpu.memref_slice %arg10[%dma_wait3A] : memref<3136xf32, #tpu.memory_space<vmem>> -> memref<2784xf32, #tpu.memory_space<vmem>>
        %dma_wait3A_47 = tpu.memref_slice %arg2[%add3A_36] : memref<600000xf32, #tpu.memory_space<hbm>> -> memref<2784xf32, #tpu.memory_space<hbm>>
        %dma_wait3A_48 = arith.constant 0 : i32
        %dma_wait3A_49 = tpu.memref_slice %arg10[%dma_wait3A_48] : memref<3136xf32, #tpu.memory_space<vmem>> -> memref<2784xf32, #tpu.memory_space<vmem>>
        %dma_wait3A_50 = tpu.memref_slice %arg2[%add3A_36] : memref<600000xf32, #tpu.memory_space<hbm>> -> memref<2784xf32, #tpu.memory_space<hbm>>
        tpu.wait_dma2 semaphore(%run_scoped3A : memref<!tpu.dma_semaphore, #tpu.memory_space<semaphore_mem>>) src(%dma_wait3A_50 : memref<2784xf32, #tpu.memory_space<hbm>>) dst(%dma_wait3A_49 : memref<2784xf32, #tpu.memory_space<vmem>>)
        tpu.yield
      }) : () -> ()
      %add3A_37 = arith.constant 200000 : i32
      %add3A_38 = arith.addi %add3A_37, %mul3A_2 : i32
      "tpu.region"() ({
        %run_scoped3A = tpu.sem_alloc : memref<!tpu.dma_semaphore, #tpu.memory_space<semaphore_mem>>
        %dma_start3A = arith.constant 0 : i32
        %dma_start3A_41 = tpu.memref_slice %arg11[%dma_start3A] : memref<3136xf32, #tpu.memory_space<vmem>> -> memref<2784xf32, #tpu.memory_space<vmem>>
        %dma_start3A_42 = tpu.memref_slice %arg2[%add3A_38] : memref<600000xf32, #tpu.memory_space<hbm>> -> memref<2784xf32, #tpu.memory_space<hbm>>
        %dma_start3A_43 = arith.constant 0 : i32
        %dma_start3A_44 = tpu.memref_slice %arg11[%dma_start3A_43] : memref<3136xf32, #tpu.memory_space<vmem>> -> memref<2784xf32, #tpu.memory_space<vmem>>
        %dma_start3A_45 = tpu.memref_slice %arg2[%add3A_38] : memref<600000xf32, #tpu.memory_space<hbm>> -> memref<2784xf32, #tpu.memory_space<hbm>>
        tpu.enqueue_dma source(%dma_start3A_45 : memref<2784xf32, #tpu.memory_space<hbm>>) target(%dma_start3A_44 : memref<2784xf32, #tpu.memory_space<vmem>>) target_semaphore(%run_scoped3A : memref<!tpu.dma_semaphore, #tpu.memory_space<semaphore_mem>>)
        %dma_wait3A = arith.constant 0 : i32
        %dma_wait3A_46 = tpu.memref_slice %arg11[%dma_wait3A] : memref<3136xf32, #tpu.memory_space<vmem>> -> memref<2784xf32, #tpu.memory_space<vmem>>
        %dma_wait3A_47 = tpu.memref_slice %arg2[%add3A_38] : memref<600000xf32, #tpu.memory_space<hbm>> -> memref<2784xf32, #tpu.memory_space<hbm>>
        %dma_wait3A_48 = arith.constant 0 : i32
        %dma_wait3A_49 = tpu.memref_slice %arg11[%dma_wait3A_48] : memref<3136xf32, #tpu.memory_space<vmem>> -> memref<2784xf32, #tpu.memory_space<vmem>>
        %dma_wait3A_50 = tpu.memref_slice %arg2[%add3A_38] : memref<600000xf32, #tpu.memory_space<hbm>> -> memref<2784xf32, #tpu.memory_space<hbm>>
        tpu.wait_dma2 semaphore(%run_scoped3A : memref<!tpu.dma_semaphore, #tpu.memory_space<semaphore_mem>>) src(%dma_wait3A_50 : memref<2784xf32, #tpu.memory_space<hbm>>) dst(%dma_wait3A_49 : memref<2784xf32, #tpu.memory_space<vmem>>)
        tpu.yield
      }) : () -> ()
      %add3A_39 = arith.constant 500000 : i32
      %add3A_40 = arith.addi %add3A_39, %mul3A_2 : i32
      "tpu.region"() ({
        %run_scoped3A = tpu.sem_alloc : memref<!tpu.dma_semaphore, #tpu.memory_space<semaphore_mem>>
        %dma_start3A = arith.constant 0 : i32
        %dma_start3A_41 = tpu.memref_slice %arg12[%dma_start3A] : memref<3136xf32, #tpu.memory_space<vmem>> -> memref<2784xf32, #tpu.memory_space<vmem>>
        %dma_start3A_42 = tpu.memref_slice %arg2[%add3A_40] : memref<600000xf32, #tpu.memory_space<hbm>> -> memref<2784xf32, #tpu.memory_space<hbm>>
        %dma_start3A_43 = arith.constant 0 : i32
        %dma_start3A_44 = tpu.memref_slice %arg12[%dma_start3A_43] : memref<3136xf32, #tpu.memory_space<vmem>> -> memref<2784xf32, #tpu.memory_space<vmem>>
        %dma_start3A_45 = tpu.memref_slice %arg2[%add3A_40] : memref<600000xf32, #tpu.memory_space<hbm>> -> memref<2784xf32, #tpu.memory_space<hbm>>
        tpu.enqueue_dma source(%dma_start3A_45 : memref<2784xf32, #tpu.memory_space<hbm>>) target(%dma_start3A_44 : memref<2784xf32, #tpu.memory_space<vmem>>) target_semaphore(%run_scoped3A : memref<!tpu.dma_semaphore, #tpu.memory_space<semaphore_mem>>)
        %dma_wait3A = arith.constant 0 : i32
        %dma_wait3A_46 = tpu.memref_slice %arg12[%dma_wait3A] : memref<3136xf32, #tpu.memory_space<vmem>> -> memref<2784xf32, #tpu.memory_space<vmem>>
        %dma_wait3A_47 = tpu.memref_slice %arg2[%add3A_40] : memref<600000xf32, #tpu.memory_space<hbm>> -> memref<2784xf32, #tpu.memory_space<hbm>>
        %dma_wait3A_48 = arith.constant 0 : i32
        %dma_wait3A_49 = tpu.memref_slice %arg12[%dma_wait3A_48] : memref<3136xf32, #tpu.memory_space<vmem>> -> memref<2784xf32, #tpu.memory_space<vmem>>
        %dma_wait3A_50 = tpu.memref_slice %arg2[%add3A_40] : memref<600000xf32, #tpu.memory_space<hbm>> -> memref<2784xf32, #tpu.memory_space<hbm>>
        tpu.wait_dma2 semaphore(%run_scoped3A : memref<!tpu.dma_semaphore, #tpu.memory_space<semaphore_mem>>) src(%dma_wait3A_50 : memref<2784xf32, #tpu.memory_space<hbm>>) dst(%dma_wait3A_49 : memref<2784xf32, #tpu.memory_space<vmem>>)
        tpu.yield
      }) : () -> ()
      "tpu.region"() ({
        %run_scoped3A = tpu.sem_alloc : memref<!tpu.dma_semaphore, #tpu.memory_space<semaphore_mem>>
        %dma_start3A = arith.constant 0 : i32
        %dma_start3A_41 = tpu.memref_slice %arg13[%dma_start3A] : memref<3136xf32, #tpu.memory_space<vmem>> -> memref<2784xf32, #tpu.memory_space<vmem>>
        %dma_start3A_42 = tpu.memref_slice %arg3[%mul3A_2] : memref<100000xf32, #tpu.memory_space<hbm>> -> memref<2784xf32, #tpu.memory_space<hbm>>
        %dma_start3A_43 = arith.constant 0 : i32
        %dma_start3A_44 = tpu.memref_slice %arg13[%dma_start3A_43] : memref<3136xf32, #tpu.memory_space<vmem>> -> memref<2784xf32, #tpu.memory_space<vmem>>
        %dma_start3A_45 = tpu.memref_slice %arg3[%mul3A_2] : memref<100000xf32, #tpu.memory_space<hbm>> -> memref<2784xf32, #tpu.memory_space<hbm>>
        tpu.enqueue_dma source(%dma_start3A_45 : memref<2784xf32, #tpu.memory_space<hbm>>) target(%dma_start3A_44 : memref<2784xf32, #tpu.memory_space<vmem>>) target_semaphore(%run_scoped3A : memref<!tpu.dma_semaphore, #tpu.memory_space<semaphore_mem>>)
        %dma_wait3A = arith.constant 0 : i32
        %dma_wait3A_46 = tpu.memref_slice %arg13[%dma_wait3A] : memref<3136xf32, #tpu.memory_space<vmem>> -> memref<2784xf32, #tpu.memory_space<vmem>>
        %dma_wait3A_47 = tpu.memref_slice %arg3[%mul3A_2] : memref<100000xf32, #tpu.memory_space<hbm>> -> memref<2784xf32, #tpu.memory_space<hbm>>
        %dma_wait3A_48 = arith.constant 0 : i32
        %dma_wait3A_49 = tpu.memref_slice %arg13[%dma_wait3A_48] : memref<3136xf32, #tpu.memory_space<vmem>> -> memref<2784xf32, #tpu.memory_space<vmem>>
        %dma_wait3A_50 = tpu.memref_slice %arg3[%mul3A_2] : memref<100000xf32, #tpu.memory_space<hbm>> -> memref<2784xf32, #tpu.memory_space<hbm>>
        tpu.wait_dma2 semaphore(%run_scoped3A : memref<!tpu.dma_semaphore, #tpu.memory_space<semaphore_mem>>) src(%dma_wait3A_50 : memref<2784xf32, #tpu.memory_space<hbm>>) dst(%dma_wait3A_49 : memref<2784xf32, #tpu.memory_space<vmem>>)
        tpu.yield
      }) : () -> ()
      "tpu.region"() ({
        %run_scoped3A = tpu.sem_alloc : memref<!tpu.dma_semaphore, #tpu.memory_space<semaphore_mem>>
        %dma_start3A = arith.constant 0 : i32
        %dma_start3A_41 = tpu.memref_slice %arg14[%dma_start3A] : memref<3136xf32, #tpu.memory_space<vmem>> -> memref<2784xf32, #tpu.memory_space<vmem>>
        %dma_start3A_42 = tpu.memref_slice %arg4[%mul3A_2] : memref<100000xf32, #tpu.memory_space<hbm>> -> memref<2784xf32, #tpu.memory_space<hbm>>
        %dma_start3A_43 = arith.constant 0 : i32
        %dma_start3A_44 = tpu.memref_slice %arg14[%dma_start3A_43] : memref<3136xf32, #tpu.memory_space<vmem>> -> memref<2784xf32, #tpu.memory_space<vmem>>
        %dma_start3A_45 = tpu.memref_slice %arg4[%mul3A_2] : memref<100000xf32, #tpu.memory_space<hbm>> -> memref<2784xf32, #tpu.memory_space<hbm>>
        tpu.enqueue_dma source(%dma_start3A_45 : memref<2784xf32, #tpu.memory_space<hbm>>) target(%dma_start3A_44 : memref<2784xf32, #tpu.memory_space<vmem>>) target_semaphore(%run_scoped3A : memref<!tpu.dma_semaphore, #tpu.memory_space<semaphore_mem>>)
        %dma_wait3A = arith.constant 0 : i32
        %dma_wait3A_46 = tpu.memref_slice %arg14[%dma_wait3A] : memref<3136xf32, #tpu.memory_space<vmem>> -> memref<2784xf32, #tpu.memory_space<vmem>>
        %dma_wait3A_47 = tpu.memref_slice %arg4[%mul3A_2] : memref<100000xf32, #tpu.memory_space<hbm>> -> memref<2784xf32, #tpu.memory_space<hbm>>
        %dma_wait3A_48 = arith.constant 0 : i32
        %dma_wait3A_49 = tpu.memref_slice %arg14[%dma_wait3A_48] : memref<3136xf32, #tpu.memory_space<vmem>> -> memref<2784xf32, #tpu.memory_space<vmem>>
        %dma_wait3A_50 = tpu.memref_slice %arg4[%mul3A_2] : memref<100000xf32, #tpu.memory_space<hbm>> -> memref<2784xf32, #tpu.memory_space<hbm>>
        tpu.wait_dma2 semaphore(%run_scoped3A : memref<!tpu.dma_semaphore, #tpu.memory_space<semaphore_mem>>) src(%dma_wait3A_50 : memref<2784xf32, #tpu.memory_space<hbm>>) dst(%dma_wait3A_49 : memref<2784xf32, #tpu.memory_space<vmem>>)
        tpu.yield
      }) : () -> ()
    } else {
    }
    %get3A = arith.constant 0 : index
    %get3A_9 = tpu.vector_load %arg16[%get3A] {strides = array<i32>} : memref<16xf32, #tpu.memory_space<vmem>>, vector<16xf32>,
    %broadcast_in_dim3A = arith.constant 1.000000e+00 : f32
    %broadcast_in_dim3A_10 = vector.broadcast %broadcast_in_dim3A : f32 to vector<16xf32>
    %broadcast_in_dim3A_11 = arith.constant 2.44140625E-4 : f32
    %broadcast_in_dim3A_12 = vector.broadcast %broadcast_in_dim3A_11 : f32 to vector<16xf32>
    %broadcast_in_dim3A_13 = arith.constant 4.096000e+03 : f32
    %broadcast_in_dim3A_14 = vector.broadcast %broadcast_in_dim3A_13 : f32 to vector<16xf32>
    %scan3A = arith.constant 0 : i32
    %scan3A_15 = arith.constant 0 : i32
    %scan3A_16 = arith.constant 196 : i32
    %scan3A_17 = arith.addi %scan3A_15, %scan3A_16 : i32
    %scan3A_18 = arith.constant 1 : i32
    %scan3A_19 = scf.for %scan3A_31 = %scan3A_15 to %scan3A_17 step %scan3A_18 iter_args(%scan3A_32 = %scan3A) -> (i32)  : i32 {
      %mul3A_33 = arith.constant 16 : i32
      %mul3A_34 = arith.muli %scan3A_31, %mul3A_33 : i32
      %add3A_35 = vector.broadcast %mul3A_34 : i32 to vector<16xi32>
      %add3A_36 = arith.addi %add3A_35, %iota3A : vector<16xi32>
      %gather3A = tpu.vector_load_idx %arg7[%add3A_36] : memref<3136xf32, #tpu.memory_space<vmem>>[vector<16xi32>], vector<16xf32>,
      %gather3A_37 = tpu.vector_load_idx %arg8[%add3A_36] : memref<3136xf32, #tpu.memory_space<vmem>>[vector<16xi32>], vector<16xf32>,
      %add3A_38 = arith.addf %gather3A, %gather3A_37 : vector<16xf32>
      %gather3A_39 = tpu.vector_load_idx %arg9[%add3A_36] : memref<3136xf32, #tpu.memory_space<vmem>>[vector<16xi32>], vector<16xf32>,
      %gather3A_40 = tpu.vector_load_idx %arg10[%add3A_36] : memref<3136xf32, #tpu.memory_space<vmem>>[vector<16xi32>], vector<16xf32>,
      %add3A_41 = arith.addf %gather3A_39, %gather3A_40 : vector<16xf32>
      %gather3A_42 = tpu.vector_load_idx %arg11[%add3A_36] : memref<3136xf32, #tpu.memory_space<vmem>>[vector<16xi32>], vector<16xf32>,
      %gather3A_43 = tpu.vector_load_idx %arg12[%add3A_36] : memref<3136xf32, #tpu.memory_space<vmem>>[vector<16xi32>], vector<16xf32>,
      %add3A_44 = arith.addf %gather3A_42, %gather3A_43 : vector<16xf32>
      %mul3A_45 = arith.mulf %add3A_44, %broadcast_in_dim3A_12 : vector<16xf32>
      %convert_element_type3A_46 = arith.fptosi %mul3A_45 : vector<16xf32> to vector<16xi32>
      %convert_element_type3A_47 = arith.sitofp %convert_element_type3A_46 : vector<16xi32> to vector<16xf32>
      %mul3A_48 = arith.mulf %broadcast_in_dim3A_14, %convert_element_type3A_47 : vector<16xf32>
      %sub3A = arith.subf %add3A_44, %mul3A_48 : vector<16xf32>
      %gather3A_49 = tpu.vector_load_idx %arg13[%add3A_36] : memref<3136xf32, #tpu.memory_space<vmem>>[vector<16xi32>], vector<16xf32>,
      %gather3A_50 = tpu.vector_load_idx %arg14[%add3A_36] : memref<3136xf32, #tpu.memory_space<vmem>>[vector<16xi32>], vector<16xf32>,
      %max3A = arith.maximumf %sub3A, %broadcast_in_dim3A_10 : vector<16xf32>
      %div3A = arith.divf %add3A_38, %max3A : vector<16xf32>
      %max3A_51 = arith.maximumf %convert_element_type3A_47, %broadcast_in_dim3A_10 : vector<16xf32>
      %div3A_52 = arith.divf %add3A_41, %max3A_51 : vector<16xf32>
      %add3A_53 = arith.addf %div3A, %div3A_52 : vector<16xf32>
      %sub3A_54 = arith.subf %gather3A_49, %gather3A_50 : vector<16xf32>
      %div3A_55 = arith.divf %sub3A_54, %get3A_9 : vector<16xf32>
      %add3A_56 = arith.addf %add3A_53, %div3A_55 : vector<16xf32>
      tpu.vector_store_idx %arg15[%add3A_36], %add3A_56 : memref<3136xf32, #tpu.memory_space<vmem>>[vector<16xi32>], vector<16xf32>,
      %scan3A_57 = arith.constant 0 : i32
      scf.yield %scan3A_57 : i32
    }
    %scan3A_20 = arith.constant 196 : i32
    %lt3A_21 = arith.constant 31 : i32
    %lt3A_22 = arith.cmpi slt, %add3A, %lt3A_21 : i32
    %convert_element_type3A_23 = arith.extui %lt3A_22 : i1 to i32
    %cond3A_24 = arith.constant 0 : i32
    %cond3A_25 = arith.cmpi ne, %convert_element_type3A_23, %cond3A_24 : i32
    scf.if %cond3A_25 {
      "tpu.region"() ({
        %run_scoped3A = tpu.sem_alloc : memref<!tpu.dma_semaphore, #tpu.memory_space<semaphore_mem>>
        %dma_start3A = tpu.memref_slice %arg6[%mul3A_2] : memref<100000xf32, #tpu.memory_space<hbm>> -> memref<3136xf32, #tpu.memory_space<hbm>>
        %dma_start3A_31 = tpu.memref_slice %arg6[%mul3A_2] : memref<100000xf32, #tpu.memory_space<hbm>> -> memref<3136xf32, #tpu.memory_space<hbm>>
        tpu.enqueue_dma source(%arg15 : memref<3136xf32, #tpu.memory_space<vmem>>) target(%dma_start3A_31 : memref<3136xf32, #tpu.memory_space<hbm>>) target_semaphore(%run_scoped3A : memref<!tpu.dma_semaphore, #tpu.memory_space<semaphore_mem>>)
        %dma_wait3A = tpu.memref_slice %arg6[%mul3A_2] : memref<100000xf32, #tpu.memory_space<hbm>> -> memref<3136xf32, #tpu.memory_space<hbm>>
        %dma_wait3A_32 = tpu.memref_slice %arg6[%mul3A_2] : memref<100000xf32, #tpu.memory_space<hbm>> -> memref<3136xf32, #tpu.memory_space<hbm>>
        tpu.wait_dma2 semaphore(%run_scoped3A : memref<!tpu.dma_semaphore, #tpu.memory_space<semaphore_mem>>) src(%arg15 : memref<3136xf32, #tpu.memory_space<vmem>>) dst(%dma_wait3A_32 : memref<3136xf32, #tpu.memory_space<hbm>>)
        tpu.yield
      }) : () -> ()
    } else {
    }
    %eq3A_26 = arith.constant 31 : i32
    %eq3A_27 = arith.cmpi eq, %add3A, %eq3A_26 : i32
    %convert_element_type3A_28 = arith.extui %eq3A_27 : i1 to i32
    %cond3A_29 = arith.constant 0 : i32
    %cond3A_30 = arith.cmpi ne, %convert_element_type3A_28, %cond3A_29 : i32
    scf.if %cond3A_30 {
      "tpu.region"() ({
        %run_scoped3A = tpu.sem_alloc : memref<!tpu.dma_semaphore, #tpu.memory_space<semaphore_mem>>
        %dma_start3A = arith.constant 0 : i32
        %dma_start3A_31 = tpu.memref_slice %arg15[%dma_start3A] : memref<3136xf32, #tpu.memory_space<vmem>> -> memref<2784xf32, #tpu.memory_space<vmem>>
        %dma_start3A_32 = tpu.memref_slice %arg6[%mul3A_2] : memref<100000xf32, #tpu.memory_space<hbm>> -> memref<2784xf32, #tpu.memory_space<hbm>>
        %dma_start3A_33 = tpu.memref_slice %arg6[%mul3A_2] : memref<100000xf32, #tpu.memory_space<hbm>> -> memref<2784xf32, #tpu.memory_space<hbm>>
        %dma_start3A_34 = arith.constant 0 : i32
        %dma_start3A_35 = tpu.memref_slice %arg15[%dma_start3A_34] : memref<3136xf32, #tpu.memory_space<vmem>> -> memref<2784xf32, #tpu.memory_space<vmem>>
        tpu.enqueue_dma source(%dma_start3A_35 : memref<2784xf32, #tpu.memory_space<vmem>>) target(%dma_start3A_33 : memref<2784xf32, #tpu.memory_space<hbm>>) target_semaphore(%run_scoped3A : memref<!tpu.dma_semaphore, #tpu.memory_space<semaphore_mem>>)
        %dma_wait3A = arith.constant 0 : i32
        %dma_wait3A_36 = tpu.memref_slice %arg15[%dma_wait3A] : memref<3136xf32, #tpu.memory_space<vmem>> -> memref<2784xf32, #tpu.memory_space<vmem>>
        %dma_wait3A_37 = tpu.memref_slice %arg6[%mul3A_2] : memref<100000xf32, #tpu.memory_space<hbm>> -> memref<2784xf32, #tpu.memory_space<hbm>>
        %dma_wait3A_38 = tpu.memref_slice %arg6[%mul3A_2] : memref<100000xf32, #tpu.memory_space<hbm>> -> memref<2784xf32, #tpu.memory_space<hbm>>
        %dma_wait3A_39 = arith.constant 0 : i32
        %dma_wait3A_40 = tpu.memref_slice %arg15[%dma_wait3A_39] : memref<3136xf32, #tpu.memory_space<vmem>> -> memref<2784xf32, #tpu.memory_space<vmem>>
        tpu.wait_dma2 semaphore(%run_scoped3A : memref<!tpu.dma_semaphore, #tpu.memory_space<semaphore_mem>>) src(%dma_wait3A_40 : memref<2784xf32, #tpu.memory_space<vmem>>) dst(%dma_wait3A_38 : memref<2784xf32, #tpu.memory_space<hbm>>)
        tpu.yield
      }) : () -> ()
    } else {
    }
    return
  }
}

</mosaic_0001>

<sc_bundles>
// kernel: kernel.4.cloned.1.call-start
scs
__scs_entry_jumppad:
0x0: {  	(pc) =	sbr.rel $0x88, $3  }
0x1: {  	(tag) =	ssettag $0x0;
	lr =	simm.s32 $0x1  }
0x2: {  	[smem:$0x3F9B] =	sst lr;
	_ =	strace $0xD0000000  }
0x3: {  	_ = 	snop  }
0x4: {  	_ = 	snop  }
0x5: {  	_ = 	snop  }
0x6: {  	_ = 	snop  }
0x7: {  	_ = 	snop  }
__scs_overlays_trampoline_lowered:
0x8: {  	[smem:$0x3FAA] =	sst s0  }
0x9: {  	[smem:$0x3FAB] =	sst s1  }
0xa: {  	[smem:$0x3FAC] =	sst s2  }
0xb: {  	[smem:$0x3FAD] =	sst s3  }
0xc: {  	[smem:$0x3FAE] =	sst s4  }
0xd: {  	[smem:$0x3FAF] =	sst s5  }
0xe: {  	[smem:$0x3FB0] =	sst s6  }
0xf: {  	[smem:$0x3FB1] =	sst s7  }
0x10: {  	[smem:$0x3FB2] =	sst s8  }
0x11: {  	[smem:$0x3FB3] =	sst s9;
	s0 =	simm.s32 @!p0 $0x0  }
0x12: {  	s1 =	sld [smem:$0x3F99];
	s0 =	simm.s32 @p0 $0x1  }
0x13: {  	[smem:$0x3FB4] =	sst s0;
	s0 =	simm.s32 @!p1 $0x0  }
0x14: {  	s2 =	sld [smem:$0x3F98];
	s0 =	simm.s32 @p1 $0x1  }
0x15: {  	[smem:$0x3FB5] =	sst s0;
	s0 =	simm.s32 @!p2 $0x0  }
0x16: {  	s3 =	sld [smem:$0x3FDB];
	s0 =	simm.s32 @p2 $0x1  }
0x17: {  	s4 =	simm.s32 $0x1BF5;
	[smem:$0x3FB7] =	sst s0  }
0x18: {  	s0 =	sld [smem:$0x3F9A];
	_ =	swait.ge [sflag:s4], $0x0  }
0x19: {  	s7 =	sld [smem:$0x3F9B]  }
0x1a: {  	s8 =	sadd.s32 $0xFFFFE003, lr  }
0x1b: {  	s9 =	sadd.s32 $0xFFFFFEF7, lr;
	s5 =	simm.s32 $0xFFFFFFFF;
	p2 =	slt.u32 s8, $0xFFFFF086  }
0x1c: {  	p1 =	slt.u32 s9, $0xF7A;
	s5 =	simm.s32 @!p2 $0x0  }
0x1d: {  	s5 =	simm.s32 @p1 $0x1;
	p0 =	seq.s32 s7, s2  }
0x1e: {  	s7 =	smul.u32 @!p0 $0xF7A, s2;
	p2 =	seq.s32 @!p0 s5, $0x0  }
0x1f: {  	s9 =	smul.u32 $0xF7A, s1;
	s8 =	simm.s32 @!p0 $0x1BF5;
	p2 =	por !p2, p0  }
0x20: {  	[sflag:s8] =	ssyncset.s32 @!p0 $0xFFFFF086;
	s6 =	sadd.s32 @!p0 s3, s7;
	s7 =	simm.s32 @!p0 $0x108  }
0x21: {  	s3 =	sadd.s32 s3, s9;
	s6 =	sadd.s32 @!p0 $0x88, s6;
	s7 =	simm.s32 @p2 $0x1082  }
0x22: {  	[simem:s7], [sflag:s8] =	dma.local @!p0 [hbm:s6], $0xF7A  }
0x23: {  	s9 =	sor.u32 $0xD0000000, s2;
	s6 =	simm.s32 $0x108;
	_ =	swait.ge @!p0 [sflag:s8], $0x0  }
0x24: {  	s3 =	sadd.s32 $0x88, s3;
	s6 =	simm.s32 @!p1 $0x1082;
	[sflag:s4] =	ssyncset.s32 $0xFFFFF086  }
0x25: {  	[simem:s6], [sflag:s4] =	dma.local [hbm:s3], $0xF7A  }
0x26: {  	[smem:$0x3F9B] =	sst s1;
	(tag) =	ssettag s2;
	_ =	strace s9  }
0x27: {  	s1 =	sld [smem:$0x3FAB]  }
0x28: {  	s2 =	sld [smem:$0x3FAC]  }
0x29: {  	s4 =	sld [smem:$0x3FAE]  }
0x2a: {  	p0 =	seq.s32 s5, $0x0;
	s5 =	sld [smem:$0x3FAF]  }
0x2b: {  	s6 =	sld [smem:$0x3FB0]  }
0x2c: {  	s7 =	sld [smem:$0x3FB1]  }
0x2d: {  	s3 =	simm.s32 $0x108;
	s8 =	sld [smem:$0x3FB2]  }
0x2e: {  	s3 =	simm.s32 @!p0 $0x1082;
	s9 =	sld [smem:$0x3FB3]  }
0x2f: {  	lr =	sadd.s32 s0, s3;
	s0 =	sld [smem:$0x3FAA]  }
0x30: {  	s3 =	sld [smem:$0x3FAD]  }
0x31: {  	[smem:$0x3FB6] =	sst s10  }
0x32: {  	s10 =	sld [smem:$0x3FB4];
	_ =	sdelay $0x3  }
0x33: {  	p0 =	seq.s32 s10, $0x1;
	s10 =	sld [smem:$0x3FB6];
	_ =	sdelay $0x3  }
0x34: {  	[smem:$0x3FB6] =	sst s10  }
0x35: {  	s10 =	sld [smem:$0x3FB5];
	_ =	sdelay $0x3  }
0x36: {  	p1 =	seq.s32 s10, $0x1;
	s10 =	sld [smem:$0x3FB6];
	_ =	sdelay $0x3  }
0x37: {  	[smem:$0x3FB6] =	sst s10  }
0x38: {  	s10 =	sld [smem:$0x3FB7]  }
0x39: {  	_ = 	snop;
	(pc) =	sbr.ind lr, $3  }
0x3a: {  	_ = 	snop  }
0x3b: {  	_ = 	snop  }
0x3c: {  	p2 =	seq.s32 s10, $0x1;
	s10 =	sld [smem:$0x3FB6]  }
0x3d: {  	_ =	shalt  }
0x3e: {  	_ =	shalt  }
0x3f: {  	_ =	shalt  }
0x40: {  	_ =	shalt  }
0x41: {  	_ =	shalt  }
0x42: {  	_ =	shalt  }
0x43: {  	_ =	shalt  }
0x44: {  	_ =	shalt  }
0x45: {  	_ =	shalt  }
0x46: {  	_ =	shalt  }
0x47: {  	_ =	shalt  }
0x48: {  	_ =	shalt  }
0x49: {  	_ =	shalt  }
0x4a: {  	_ =	shalt  }
0x4b: {  	_ =	shalt  }
0x4c: {  	_ =	shalt  }
0x4d: {  	_ =	shalt  }
0x4e: {  	_ =	shalt  }
0x4f: {  	_ =	shalt  }
0x50: {  	_ =	shalt  }
0x51: {  	_ =	shalt  }
0x52: {  	_ =	shalt  }
0x53: {  	_ =	shalt  }
0x54: {  	_ =	shalt  }
0x55: {  	_ =	shalt  }
0x56: {  	_ =	shalt  }
0x57: {  	_ =	shalt  }
0x58: {  	_ =	shalt  }
0x59: {  	_ =	shalt  }
0x5a: {  	_ =	shalt  }
0x5b: {  	_ =	shalt  }
0x5c: {  	_ =	shalt  }
0x5d: {  	_ =	shalt  }
0x5e: {  	_ =	shalt  }
0x5f: {  	_ =	shalt  }
0x60: {  	_ =	shalt  }
0x61: {  	_ =	shalt  }
0x62: {  	_ =	shalt  }
0x63: {  	_ =	shalt  }
0x64: {  	_ =	shalt  }
0x65: {  	_ =	shalt  }
0x66: {  	_ =	shalt  }
0x67: {  	_ =	shalt  }
0x68: {  	_ =	shalt  }
0x69: {  	_ =	shalt  }
0x6a: {  	_ =	shalt  }
0x6b: {  	_ =	shalt  }
0x6c: {  	_ =	shalt  }
0x6d: {  	_ =	shalt  }
0x6e: {  	_ =	shalt  }
0x6f: {  	_ =	shalt  }
0x70: {  	_ =	shalt  }
0x71: {  	_ =	shalt  }
0x72: {  	_ =	shalt  }
0x73: {  	_ =	shalt  }
0x74: {  	_ =	shalt  }
0x75: {  	_ =	shalt  }
0x76: {  	_ =	shalt  }
0x77: {  	_ =	shalt  }
0x78: {  	_ =	shalt  }
0x79: {  	_ =	shalt  }
0x7a: {  	_ =	shalt  }
0x7b: {  	_ =	shalt  }
0x7c: {  	_ =	shalt  }
0x7d: {  	_ =	shalt  }
0x7e: {  	_ =	shalt  }
0x7f: {  	_ =	shalt  }
0x80: {  	_ =	shalt  }
0x81: {  	_ =	shalt  }
0x82: {  	_ =	shalt  }
0x83: {  	_ =	shalt  }
0x84: {  	_ =	shalt  }
0x85: {  	_ =	shalt  }
0x86: {  	_ =	shalt  }
0x87: {  	_ =	shalt  }
.Lfunc_end0:
.L_simem_size_0:
called_computation_lowered:
.L_overlay_start_0:
0x88: {  	s2 =	sld [smem:$0x3FD9]  }
0x89: {  	s3 =	sld [smem:$0x3FFE];
	_ =	sdelay $0x1  }
0x8a: {  	s1 =	srdreg.scid  }
0x8b: {  	s0 =	sand.u32 $0x1, s1  }
0x8c: {  	s17 =	sshll.u32 s0, $0xA;
	s2 =	sadd.s32 s3, s2  }
0x8d: {  	s2 =	sadd.s32 s2, s17  }
0x8e: {  	[smem:$0x3FC2] =	sst s2  }
0x8f: {  	_ = 	snop  }
0x90: {  	s2 =	sld [smem:$0x3FD0];
	(tm) =	ssettm $0x1  }
0x91: {  	s18 =	sld [smem:$0x3FFB];
	_ =	sdelay $0x3  }
0x92: {  	_ =	strace s18  }
0x93: {  	s3 =	sld [smem:$0x3FFC];
	_ =	sdelay $0x3  }
0x94: {  	_ =	strace s3  }
0x95: {  	s3 =	sld [smem:$0x3FFD];
	_ =	sdelay $0x3  }
0x96: {  	_ =	strace s3  }
0x97: {  	_ =	strace $0x8FFFFFFF  }
0x98: {  	s19 =	sld [smem:$0x3FDB];
	_ =	sdelay $0x1  }
0x99: {  	s4 =	simm.s32 $_scs_section_size  }
0x9a: {  	s5 =	simm.s32 $_size__tile_overlayer_lowered;
	s6 =	simm.s32 $_tile_overlayer_lowered  }
0x9b: {  	s22 =	simm.s32 $0x1BFF;
	s21 =	sshll.u32 s6, $0x1;
	s3 =	sadd.s32 s4, s19  }
0x9c: {  	s7 =	simm.s32 $0x0;
	s20 =	sshll.u32 s5, $0x1;
	s5 =	sadd.s32 s21, s3  }
0x9d: {  	[timem:s7], [sflag:s22] =	dma.local [hbm:s5], s20  }
0x9e: {  	_ =	swait.ge [sflag:s22], s20  }
0x9f: {  	s4 =	ssub.s32 $0x0, s20;
	[sflag:s22] =	ssyncset.done $0x0  }
0xa0: {  	[sflag:s22] =	ssyncadd.s32 s4;
	_ =	sdelay $0x1  }
0xa1: {  	s23 =	simm.s32 $0x1B8B  }
0xa2: {  	_ =	swait.ge [sflag:s23], $0x1  }
0xa3: {  	[sflag:s23] =	ssyncset.done $0x0  }
0xa4: {  	s25 =	simm.s32 $0x1B8E;
	s24 =	sld [smem:$0x3FFE];
	[sflag:s23] =	ssyncadd.s32 $0xFFFFFFFF  }
0xa5: {  	s26 =	simm.s32 $execute0_lowered;
	[smem:$0x3FD2] =	sst s25  }
0xa6: {  	s5 =	sshll.u32 s26, $0x1;
	_ =	strace $0x80000046;
	[dreg:$0x1] =	wrdreg $0xFFFFFFFF  }
0xa7: {  	s28 =	simm.s32 $_size_execute0_lowered;
	s3 =	sadd.s32 s3, s5;
	[dreg:$0x0] =	wrdreg $0x0  }
0xa8: {  	s5 =	sshll.u32 s28, $0x1;
	[dreg:$0x2] =	wrdreg s3  }
0xa9: {  	[dreg:$0x3] =	wrdreg s5  }
0xaa: {  	[dreg:$0x4] =	wrdreg $0xC0  }
0xab: {  	_ =	task [dreg:s7], $0x5FFFF  }
0xac: {  	[dreg:$0x1] =	wrdreg $0xFFFFFFFF  }
0xad: {  	[dreg:$0x0] =	wrdreg $0x60  }
0xae: {  	[dreg:$0x2] =	wrdreg s24  }
0xaf: {  	[dreg:$0x3] =	wrdreg s2  }
0xb0: {  	[dreg:$0x4] =	wrdreg $0x169700  }
0xb1: {  	[dreg:$0x5] =	wrdreg $0x181E00  }
0xb2: {  	[dreg:$0x6] =	wrdreg $0x19A500  }
0xb3: {  	[dreg:$0x7] =	wrdreg $0x151000  }
0xb4: {  	[dreg:$0x8] =	wrdreg $0x9  }
0xb5: {  	_ =	task.clear_ibuf [dreg:s7], $0x9FFFF;
	_ =	strace $0x90000046  }
0xb6: {  	s29 =	simm.s32 $0x9;
	_ =	strace $0x80000048  }
0xb7: {  	_ =	swait.ge [sflag:s29], $0x1  }
0xb8: {  	[sflag:s29] =	ssyncadd.s32 $0xFFFFFFFF  }
0xb9: {  	_ =	strace $0x90000048  }
0xba: {  	_ =	sfence  }
0xbb: {  	s30 =	sld [smem:$0x0];
	_ =	sdelay $0x2  }
0xbc: {  	s31 =	sshll.u32 s1, $0xD;
	s1 =	sshrl.u32 s1, $0x2  }
0xbd: {  	s3 =	sand.u32 $0x4000, s31;
	s1 =	sadd.s32 s1, s30  }
0xbe: {  	s0 =	sor.u32 s3, s0;
	s1 =	sshll.u32 s1, $0x11  }
0xbf: {  	s0 =	sor.u32 s1, s0  }
0xc0: {  	s0 =	sadd.s32 $0x8F2B, s0  }
0xc1: {  	[sflag:s0] =	ssyncadd.remote.s32 $0x1  }
0xc2: {  	_ =	sfence.sel $0xFFFF  }
0xc3: {  	[dreg:$0x0] =	wrdreg $0xFFFFFFFF;
	(pc) =	sbr.abs _section_cstart, $3  }
0xc4: {  	[dreg:$0x1] =	wrdreg $0xFFFFFFFF  }
0xc5: {  	_ =	task.clear_ibuf [dreg:s7], $0x2FFFF;
	_ =	strace $0x9FFFFFFF  }
0xc6: {  	(tm) =	ssettm $0x7FFFFFFF  }
0xc7: {  	_ =	shalt  }
tec
execute0_lowered:
.L_overlay_start_1:
0x0: {  	(tag) =	ssettag $0x1  }
0x1: {  	s6 =	rddreg [dreg:$0x0]  }
0x2: {  	s7 =	rddreg [dreg:$0x2]  }
0x3: {  	s8 =	rddreg [dreg:$0x3]  }
0x4: {  	s9 =	rddreg [dreg:$0x4]  }
0x5: {  	s10 =	rddreg [dreg:$0x5]  }
0x6: {  	s0 =	simm.s32 $0x0;
	s25 =	srdreg.scid;
	s11 =	stileid.u32  }
0x7: {  	s28 =	simm.s32 $0x13EA0;
	s29 =	simm.s32 $0x144C0;
	s30 =	simm.s32 $0x14AE0  }
0x8: {  	s31 =	simm.s32 $0x1F40;
	[smem:$0x7FF] =	sst s0;
	s12 =	sadd.s32 $0x310A00, s6  }
0x9: {  	s13 =	sadd.s32 $0x30D800, s6;
	_ =	strace $0x80000047;
	[dreg:$0x7] =	wrdreg s12  }
0xa: {  	s14 =	sadd.s32 $0x313C00, s6;
	s0 =	sand.u32 $0x1, s25;
	[dreg:$0x8] =	wrdreg s13  }
0xb: {  	s15 =	sadd.s32 $0x24A200, s6;
	s16 =	smul.u32 $0x1880, s11;
	[dreg:$0x9] =	wrdreg s14  }
0xc: {  	s17 =	sadd.s32 $0x186C00, s6;
	s18 =	sadd.s32 $0xC3600, s6;
	[dreg:$0xa] =	wrdreg s15  }
0xd: {  	s3 =	sadd.s32 $0x316E00, s6;
	s1 =	ssub.s32 $0x2, s0;
	[dreg:$0xc] =	wrdreg s17  }
0xe: {  	s4 =	sshll.u32 s0, $0x4;
	s0 =	smul.u32 $0x493E0, s0;
	[dreg:$0xd] =	wrdreg s18  }
0xf: {  	s2 =	sshrl.u32 s1, $0x1;
	s26 =	sadd.s32 $0x1260, s16;
	[dreg:$0xb] =	wrdreg s16  }
0x10: {  	s1 =	ssub.s32 s1, s2;
	s5 =	sshrl.u32 s26, $0x3;
	s2 =	sadd.s32 s26, s10  }
0x11: {  	s4 =	sor.u32 s11, s4;
	s12 =	sadd.s32 s12, s5;
	[dreg:$0x11] =	wrdreg s2  }
0x12: {  	s4 =	smul.u32 $0x30D40, s4;
	s13 =	sadd.s32 s13, s5;
	[dreg:$0xe] =	wrdreg s12  }
0x13: {  	s19 =	sadd.s32 s16, s0;
	s5 =	sadd.s32 s14, s5;
	[dreg:$0xf] =	wrdreg s13  }
0x14: {  	s0 =	sshrl.u32 s0, $0x3;
	s14 =	sadd.s32 s16, s7;
	[dreg:$0x10] =	wrdreg s5  }
0x15: {  	s20 =	sshrl.u32 s19, $0x3;
	s19 =	sadd.s32 s16, s9;
	[dreg:$0x1d] =	wrdreg s14  }
0x16: {  	s0 =	sadd.s32 s3, s0;
	s26 =	sadd.s32 $0xFA0, s4;
	[smem:$0x7F6] =	sst s19  }
0x17: {  	s21 =	sshrl.u32 s4, $0x3;
	s4 =	sadd.s32 $0x1F40, s4;
	[dreg:$0x17] =	wrdreg s26  }
0x18: {  	p0 =	seq.s32 s11, $0xF;
	s5 =	sadd.s32 $0x2DF0, s0;
	[dreg:$0x18] =	wrdreg s4  }
0x19: {  	s11 =	simm.s32 $0xEA60;
	s12 =	sadd.s32 $0x5EC4, s0;
	[dreg:$0x19] =	wrdreg s5  }
0x1a: {  	s2 =	sadd.s32 s3, s20;
	s0 =	sadd.s32 $0x8F98, s0;
	[dreg:$0x1a] =	wrdreg s12  }
0x1b: {  	s13 =	smax.u32 s1, $0x1;
	s20 =	sadd.s32 $0x313A3C, s6;
	[dreg:$0x1b] =	wrdreg s0  }
0x1c: {  	s19 =	simm.s32 $0x6D60;
	s3 =	simm.s32 $0xDAC0;
	[dreg:$0x1c] =	wrdreg s13  }
0x1d: {  	s1 =	simm.s32 $0x11940;
	s22 =	sadd.s32 s15, s21;
	[smem:$0x7F7] =	sst s20  }
0x1e: {  	s23 =	sadd.s32 s17, s21;
	s24 =	sadd.s32 s18, s21;
	[dreg:$0x12] =	wrdreg s2  }
0x1f: {  	s25 =	sadd.s32 s6, s21;
	s15 =	sadd.s32 s16, s8;
	[dreg:$0x13] =	wrdreg s22  }
0x20: {  	s17 =	sadd.s32 $0x16F80, s7;
	s18 =	sadd.s32 $0x16F80, s8;
	[dreg:$0x14] =	wrdreg s23  }
0x21: {  	s21 =	sadd.s32 $0x31083C, s6;
	s26 =	sadd.s32 $0x61A8, s2;
	[dreg:$0x15] =	wrdreg s24  }
0x22: {  	s0 =	simm.s32 $0x5DC0;
	s16 =	simm.s32 $0x7D00;
	[dreg:$0x16] =	wrdreg s25  }
0x23: {  	s8 =	simm.s32 $0x8CA0;
	s20 =	simm.s32 $0xBB80;
	[dreg:$0x1e] =	wrdreg s15  }
0x24: {  	s4 =	simm.s32 $0xFA00;
	s5 =	simm.s32 $0x3E80;
	[dreg:$0x1f] =	wrdreg s17  }
0x25: {  	s13 =	simm.s32 $0x109A0;
	s12 =	simm.s32 $0x0;
	[smem:$0x7F5] =	sst s18  }
0x26: {  	[smem:$0x7F8] =	sst s21;
	s22 =	sadd.s32 $0x16F80, s9;
	s23 =	sadd.s32 $0x316C3C, s6  }
0x27: {  	s24 =	sadd.s32 $0x181E0, s10;
	s25 =	sadd.s32 $0x30D4, s2;
	[smem:$0x7FD] =	sst s26  }
0x28: {  	s17 =	simm.s32 $0xFA0;
	s18 =	simm.s32 $0x2EE0;
	[smem:$0x7F9] =	sst s22  }
0x29: {  	s21 =	simm.s32 $0x1;
	s2 =	simm.s32 $0x2;
	[smem:$0x7FA] =	sst s23  }
0x2a: {  	s9 =	simm.s32 $0xABE0;
	s10 =	simm.s32 $0xCB20;
	[smem:$0x7FB] =	sst s24  }
0x2b: {  	s26 =	simm.s32 $0x4E20;
	[smem:$0x7FC] =	sst s25;
	s23 =	simm.s32 $0x13880  }
0x2c: {  	v0 =	vlaneseq.u32;
	v1 =	vimm.f32 $0.0e+00;
	s24 =	simm.s32 $0x4;
	s22 =	simm.s32 $0x9C40;
	s25 =	simm.s32 $0x128E0  }
.LBB2_1:
0x2d: {  	[smem:$0x7ED] =	sst s12  }
0x2e: {  	s6 =	rddreg [dreg:$0x1f]  }
0x2f: {  	s7 =	rddreg [dreg:$0x1];
	s12 =	sshrl.u32 @p0 s6, $0x3  }
0x30: {  	s14 =	simm.s32 @p0 $0x4;
	s6 =	simm.s32 @p0 $0x1FC4;
	[smem:$0x7EE] =	sst s12  }
0x31: {  	[spmem:s12], [sflag:s6] =	dma.local @p0 [hbm:s7], $0x2E4  }
0x32: {  	_ =	swait.ge @p0 [sflag:s14], $0x2E4  }
0x33: {  	s12 =	sld [smem:$0x7F5];
	_ =	sdelay $0x2  }
0x34: {  	[sflag:s14] =	ssyncset.done @p0 $0x0;
	s12 =	sshrl.u32 @p0 s12, $0x3  }
0x35: {  	[sflag:s14] =	ssyncadd.s32 @p0 $0xFFFFFD1C;
	[smem:$0x7EF] =	sst s12  }
0x36: {  	[spmem:s12], [sflag:s6] =	dma.local @p0 [hbm:s7], $0x2E4  }
0x37: {  	_ =	swait.ge @p0 [sflag:s14], $0x2E4  }
0x38: {  	s12 =	sld [smem:$0x7F9];
	_ =	sdelay $0x2  }
0x39: {  	[sflag:s14] =	ssyncset.done @p0 $0x0;
	s12 =	sshrl.u32 @p0 s12, $0x3  }
0x3a: {  	[sflag:s14] =	ssyncadd.s32 @p0 $0xFFFFFD1C;
	[smem:$0x7F0] =	sst s12  }
0x3b: {  	[spmem:s12], [sflag:s6] =	dma.local @p0 [hbm:s7], $0x2E4  }
0x3c: {  	s6 =	stileid.u32;
	_ =	swait.ge @p0 [sflag:s14], $0x2E4  }
0x3d: {  	s6 =	sshll.u32 @!p0 s6, $0x6;
	[sflag:s14] =	ssyncset.done @p0 $0x0  }
0x3e: {  	[sflag:s14] =	ssyncadd.s32 @p0 $0xFFFFFD1C;
	s14 =	sor.u32 @!p0 $0x1C04, s6;
	s6 =	rddreg [dreg:$0x1d]  }
0x3f: {  	s6 =	sshrl.u32 @!p0 s6, $0x3  }
0x40: {  	[smem:$0x7F1] =	sst s6  }
0x41: {  	[spmem:s6], [sflag:s14] =	dma.local @!p0 [hbm:s7], $0x310  }
0x42: {  	s6 =	simm.s32 @!p0 $0x4  }
0x43: {  	_ =	swait.ge @!p0 [sflag:s6], $0x310  }
0x44: {  	s12 =	rddreg [dreg:$0x1e]  }
0x45: {  	[sflag:s6] =	ssyncset.done @!p0 $0x0;
	s12 =	sshrl.u32 @!p0 s12, $0x3  }
0x46: {  	[sflag:s6] =	ssyncadd.s32 @!p0 $0xFFFFFCF0;
	[smem:$0x7F2] =	sst s12  }
0x47: {  	[spmem:s12], [sflag:s14] =	dma.local @!p0 [hbm:s7], $0x310  }
0x48: {  	_ =	swait.ge @!p0 [sflag:s6], $0x310  }
0x49: {  	s12 =	sld [smem:$0x7F6];
	_ =	sdelay $0x2  }
0x4a: {  	[sflag:s6] =	ssyncset.done @!p0 $0x0;
	[smem:$0x7F3] =	sst s14;
	s12 =	sshrl.u32 @!p0 s12, $0x3  }
0x4b: {  	[sflag:s6] =	ssyncadd.s32 @!p0 $0xFFFFFCF0;
	[smem:$0x7F4] =	sst s12  }
0x4c: {  	[spmem:s12], [sflag:s14] =	dma.local @!p0 [hbm:s7], $0x310  }
0x4d: {  	_ =	swait.ge @!p0 [sflag:s6], $0x310  }
0x4e: {  	[sflag:s6] =	ssyncset.done @!p0 $0x0  }
0x4f: {  	s14 =	simm.s32 $0x0;
	[sflag:s6] =	ssyncadd.s32 @!p0 $0xFFFFFCF0  }
.LBB2_2:
0x50: {  	s6 =	smul.u32 $0x620, s14  }
0x51: {  	s7 =	rddreg [dreg:$0xb]  }
0x52: {  	s6 =	sadd.s32 s7, s6  }
0x53: {  	s12 =	rddreg [dreg:$0x7];
	s15 =	sshrl.u32 s6, $0x3  }
0x54: {  	s7 =	sadd.s32 s12, s15;
	s12 =	simm.s32 $0x0  }
0x55: {  	[tilespmem:s23], [sflag:$0x4] =	stream.linear.gather [hbm4b:s7+s12], $0x620, $0x38;
	[tilespmem:$0x1B2C0] =	vst v63  }
0x56: {  	_ =	swait.ge [sflag:s24], $0x620  }
0x57: {  	[sflag:s24] =	ssyncset.done $0x0;
	s7 =	rddreg [dreg:$0x8]  }
0x58: {  	[sflag:s24] =	ssyncadd.s32 $0xFFFFF9E0;
	s7 =	sadd.s32 s7, s15  }
0x59: {  	[tilespmem:s28], [sflag:$0x4] =	stream.linear.gather [hbm4b:s7+s12], $0x620, $0x38;
	[tilespmem:$0x1B2C0] =	vst v63  }
0x5a: {  	_ =	swait.ge [sflag:s24], $0x620  }
0x5b: {  	[sflag:s24] =	ssyncset.done $0x0;
	s7 =	rddreg [dreg:$0x9]  }
0x5c: {  	v2 =	vor.u32 s12, v0;
	[sflag:s24] =	ssyncadd.s32 $0xFFFFF9E0;
	s7 =	sadd.s32 s7, s15  }
0x5d: {  	[tilespmem:s29], [sflag:$0x4] =	stream.linear.gather [hbm4b:s7+s12], $0x620, $0x38;
	[tilespmem:$0x1B2C0] =	vst v63  }
0x5e: {  	_ =	swait.ge [sflag:s24], $0x620  }
0x5f: {  	[sflag:s24] =	ssyncset.done $0x0  }
0x60: {  	[sflag:s24] =	ssyncadd.s32 $0xFFFFF9E0  }
0x61: {  	v4 =	vld.idx.msk [tilespmem:v2+s23+$0x0], $0xffff  }
0x62: {  	v5 =	vld.idx.msk [tilespmem:v2+s28+$0x0], $0xffff  }
0x63: {  	v6 =	vld.idx.msk [tilespmem:v2+s29+$0x0], $0xffff;
	_ =	sdelay $0x4  }
0x64: {  	s15 =	simm.s32 $0x10;
	v4 =	vmul.f32 v6, v4;
	v5 =	vmul.f32 v6, v5  }
0x65: {  	v3 =	vor.u32 s15, v0;
	s15 =	simm.s32 $0x20  }
.LBB2_3:
0x66: {  	p1 =	sne.s32 s15, $0x610;
	v4 =	vpack.i.f32.bf16 v5, v4  }
0x67: {  	[tilespmem:v2+s30+$0x0] =	vst.idx.msk $0xffff, v4;
	v2 =	vmov v3  }
0x68: {  	v4 =	vld.idx.msk [tilespmem:v3+s23+$0x0], $0xffff  }
0x69: {  	v5 =	vld.idx.msk [tilespmem:v3+s28+$0x0], $0xffff  }
0x6a: {  	v6 =	vld.idx.msk [tilespmem:v3+s29+$0x0], $0xffff;
	_ =	sdelay $0x2  }
.Ltmp0:
0x6b: {  	(pc) =	sbr.rel @p1 .LBB2_3-.Ltmp0, $4  }
0x6c: {  	_ = 	snop  }
0x6d: {  	v3 =	vor.u32 s15, v0  }
0x6e: {  	v4 =	vmul.f32 v6, v4;
	v5 =	vmul.f32 v6, v5  }
0x6f: {  	s15 =	sadd.s32 $0x10, s15  }
0x70: {  	_ =	sdelay $0x2  }
0x71: {  	v4 =	vpack.i.f32.bf16 v5, v4  }
0x72: {  	[tilespmem:v2+s30+$0x0] =	vst.idx.msk $0xffff, v4  }
0x73: {  	v2 =	vld.idx.msk [tilespmem:v3+s23+$0x0], $0xffff  }
0x74: {  	v4 =	vld.idx.msk [tilespmem:v3+s28+$0x0], $0xffff  }
0x75: {  	v63 =	vld.idx.msk [tilespmem:v3+s29+$0x0], $0xffff;
	_ =	sdelay $0x4  }
0x76: {  	v2 =	vmul.f32 v63, v2;
	v4 =	vmul.f32 v63, v4  }
0x77: {  	s14 =	sadd.s32 $0x1, s14  }
0x78: {  	s7 =	rddreg [dreg:$0x5];
	p1 =	sne.s32 s14, $0x3;
	v2 =	vpack.i.f32.bf16 v4, v2  }
.Ltmp1:
0x79: {  	s6 =	sadd.s32 s6, s7;
	[tilespmem:v3+s30+$0x0] =	vst.idx.msk $0xffff, v2;
	(pc) =	sbr.rel @p1 .LBB2_2-.Ltmp1, $4  }
0x7a: {  	[spmem:s6] =	stream.linear.scatter [tilespmem:s30], [sflag:$0x4], $0x620, $0x38;
	[tilespmem:$0x1B2C0] =	vst v63  }
0x7b: {  	_ =	swait.ge [sflag:s24], $0x620  }
0x7c: {  	[sflag:s24] =	ssyncset.done $0x0  }
0x7d: {  	[sflag:s24] =	ssyncadd.s32 $0xFFFFF9E0  }
.Ltmp2:
0x7e: {  	(pc) =	sbr.rel @!p0 .LBB2_6-.Ltmp2, $2  }
0x7f: {  	_ =	sdelay $0x2  }
0x80: {  	s6 =	simm.s32 $0x0  }
0x81: {  	s7 =	sld [smem:$0x7F7];
	_ =	sdelay $0x2  }
0x82: {  	[tilespmem:s23], [sflag:$0x4] =	stream.linear.gather [hbm4b:s7+s6], $0x4C0, $0x38;
	[tilespmem:$0x1B2C0] =	vst v63  }
0x83: {  	_ =	swait.ge [sflag:s24], $0x4C0  }
0x84: {  	s12 =	sld [smem:$0x7F8]  }
0x85: {  	[sflag:s24] =	ssyncset.done $0x0  }
0x86: {  	[sflag:s24] =	ssyncadd.s32 $0xFFFFFB40  }
0x87: {  	[tilespmem:s28], [sflag:$0x4] =	stream.linear.gather [hbm4b:s12+s6], $0x4C0, $0x38;
	[tilespmem:$0x1B2C0] =	vst v63  }
0x88: {  	_ =	swait.ge [sflag:s24], $0x4C0  }
0x89: {  	s14 =	sld [smem:$0x7FA]  }
0x8a: {  	[sflag:s24] =	ssyncset.done $0x0  }
0x8b: {  	v2 =	vor.u32 s6, v0;
	[sflag:s24] =	ssyncadd.s32 $0xFFFFFB40  }
0x8c: {  	[tilespmem:s29], [sflag:$0x4] =	stream.linear.gather [hbm4b:s14+s6], $0x4C0, $0x38;
	[tilespmem:$0x1B2C0] =	vst v63  }
0x8d: {  	_ =	swait.ge [sflag:s24], $0x4C0  }
0x8e: {  	[sflag:s24] =	ssyncset.done $0x0  }
0x8f: {  	[sflag:s24] =	ssyncadd.s32 $0xFFFFFB40  }
0x90: {  	v4 =	vld.idx.msk [tilespmem:v2+s23+$0x0], $0xffff  }
0x91: {  	v5 =	vld.idx.msk [tilespmem:v2+s28+$0x0], $0xffff  }
0x92: {  	v6 =	vld.idx.msk [tilespmem:v2+s29+$0x0], $0xffff;
	_ =	sdelay $0x4  }
0x93: {  	s15 =	simm.s32 $0x10;
	v4 =	vmul.f32 v6, v4;
	v5 =	vmul.f32 v6, v5  }
0x94: {  	v3 =	vor.u32 s15, v0;
	s6 =	simm.s32 $0x20  }
.LBB2_10:
0x95: {  	p1 =	sne.s32 s6, $0x4B0;
	v4 =	vpack.i.f32.bf16 v5, v4  }
0x96: {  	[tilespmem:v2+s30+$0x0] =	vst.idx.msk $0xffff, v4;
	v2 =	vmov v3  }
0x97: {  	v4 =	vld.idx.msk [tilespmem:v3+s23+$0x0], $0xffff  }
0x98: {  	v5 =	vld.idx.msk [tilespmem:v3+s28+$0x0], $0xffff  }
0x99: {  	v6 =	vld.idx.msk [tilespmem:v3+s29+$0x0], $0xffff;
	_ =	sdelay $0x2  }
.Ltmp3:
0x9a: {  	(pc) =	sbr.rel @p1 .LBB2_10-.Ltmp3, $4  }
0x9b: {  	_ = 	snop  }
0x9c: {  	v3 =	vor.u32 s6, v0  }
0x9d: {  	v4 =	vmul.f32 v6, v4;
	v5 =	vmul.f32 v6, v5  }
0x9e: {  	s6 =	sadd.s32 $0x10, s6  }
0x9f: {  	_ =	sdelay $0x2  }
0xa0: {  	v4 =	vpack.i.f32.bf16 v5, v4  }
0xa1: {  	[tilespmem:v2+s30+$0x0] =	vst.idx.msk $0xffff, v4  }
0xa2: {  	v2 =	vld.idx.msk [tilespmem:v3+s23+$0x0], $0xffff  }
0xa3: {  	v4 =	vld.idx.msk [tilespmem:v3+s28+$0x0], $0xffff  }
0xa4: {  	v63 =	vld.idx.msk [tilespmem:v3+s29+$0x0], $0xffff;
	_ =	sdelay $0x4  }
0xa5: {  	v2 =	vmul.f32 v63, v2;
	v4 =	vmul.f32 v63, v4  }
0xa6: {  	s6 =	sld [smem:$0x7FB]  }
0xa7: {  	v2 =	vpack.i.f32.bf16 v4, v2  }
.Ltmp4:
0xa8: {  	[tilespmem:v3+s30+$0x0] =	vst.idx.msk $0xffff, v2;
	(pc) =	sbr.rel .LBB2_12-.Ltmp4, $4  }
0xa9: {  	[spmem:s6] =	stream.linear.scatter [tilespmem:s30], [sflag:$0x4], $0x4C0, $0x38;
	[tilespmem:$0x1B2C0] =	vst v63  }
0xaa: {  	_ =	swait.ge [sflag:s24], $0x4C0  }
0xab: {  	[sflag:s24] =	ssyncset.done $0x0  }
0xac: {  	[sflag:s24] =	ssyncadd.s32 $0xFFFFFB40  }
.LBB2_6:
0xad: {  	s7 =	rddreg [dreg:$0xe]  }
0xae: {  	[tilespmem:s23], [sflag:$0x4] =	stream.linear.gather [hbm4b:s7+s6], $0x620, $0x38;
	[tilespmem:$0x1B2C0] =	vst v63  }
0xaf: {  	_ =	swait.ge [sflag:s24], $0x620  }
0xb0: {  	[sflag:s24] =	ssyncset.done $0x0  }
0xb1: {  	s12 =	rddreg [dreg:$0xf];
	[sflag:s24] =	ssyncadd.s32 $0xFFFFF9E0  }
0xb2: {  	[tilespmem:s28], [sflag:$0x4] =	stream.linear.gather [hbm4b:s12+s6], $0x620, $0x38;
	[tilespmem:$0x1B2C0] =	vst v63  }
0xb3: {  	_ =	swait.ge [sflag:s24], $0x620  }
0xb4: {  	[sflag:s24] =	ssyncset.done $0x0  }
0xb5: {  	v2 =	vor.u32 s6, v0;
	s14 =	rddreg [dreg:$0x10];
	[sflag:s24] =	ssyncadd.s32 $0xFFFFF9E0  }
0xb6: {  	[tilespmem:s29], [sflag:$0x4] =	stream.linear.gather [hbm4b:s14+s6], $0x620, $0x38;
	[tilespmem:$0x1B2C0] =	vst v63  }
0xb7: {  	_ =	swait.ge [sflag:s24], $0x620  }
0xb8: {  	[sflag:s24] =	ssyncset.done $0x0  }
0xb9: {  	[sflag:s24] =	ssyncadd.s32 $0xFFFFF9E0  }
0xba: {  	v4 =	vld.idx.msk [tilespmem:v2+s23+$0x0], $0xffff  }
0xbb: {  	v5 =	vld.idx.msk [tilespmem:v2+s28+$0x0], $0xffff  }
0xbc: {  	v6 =	vld.idx.msk [tilespmem:v2+s29+$0x0], $0xffff;
	_ =	sdelay $0x4  }
0xbd: {  	s15 =	simm.s32 $0x10;
	v4 =	vmul.f32 v6, v4;
	v5 =	vmul.f32 v6, v5  }
0xbe: {  	v3 =	vor.u32 s15, v0;
	s6 =	simm.s32 $0x20  }
.LBB2_7:
0xbf: {  	p1 =	sne.s32 s6, $0x610;
	v4 =	vpack.i.f32.bf16 v5, v4  }
0xc0: {  	[tilespmem:v2+s30+$0x0] =	vst.idx.msk $0xffff, v4;
	v2 =	vmov v3  }
0xc1: {  	v4 =	vld.idx.msk [tilespmem:v3+s23+$0x0], $0xffff  }
0xc2: {  	v5 =	vld.idx.msk [tilespmem:v3+s28+$0x0], $0xffff  }
0xc3: {  	v6 =	vld.idx.msk [tilespmem:v3+s29+$0x0], $0xffff;
	_ =	sdelay $0x2  }
.Ltmp5:
0xc4: {  	(pc) =	sbr.rel @p1 .LBB2_7-.Ltmp5, $4  }
0xc5: {  	_ = 	snop  }
0xc6: {  	v3 =	vor.u32 s6, v0  }
0xc7: {  	v4 =	vmul.f32 v6, v4;
	v5 =	vmul.f32 v6, v5  }
0xc8: {  	s6 =	sadd.s32 $0x10, s6  }
0xc9: {  	_ =	sdelay $0x2  }
0xca: {  	v4 =	vpack.i.f32.bf16 v5, v4  }
0xcb: {  	[tilespmem:v2+s30+$0x0] =	vst.idx.msk $0xffff, v4  }
0xcc: {  	v2 =	vld.idx.msk [tilespmem:v3+s23+$0x0], $0xffff  }
0xcd: {  	v4 =	vld.idx.msk [tilespmem:v3+s28+$0x0], $0xffff  }
0xce: {  	v63 =	vld.idx.msk [tilespmem:v3+s29+$0x0], $0xffff;
	_ =	sdelay $0x4  }
0xcf: {  	v2 =	vmul.f32 v63, v2;
	v4 =	vmul.f32 v63, v4;
	_ =	sdelay $0x1  }
0xd0: {  	v2 =	vpack.i.f32.bf16 v4, v2  }
0xd1: {  	s6 =	rddreg [dreg:$0x11];
	[tilespmem:v3+s30+$0x0] =	vst.idx.msk $0xffff, v2  }
0xd2: {  	[spmem:s6] =	stream.linear.scatter [tilespmem:s30], [sflag:$0x4], $0x620, $0x38;
	[tilespmem:$0x1B2C0] =	vst v63  }
0xd3: {  	_ =	swait.ge [sflag:s24], $0x620  }
0xd4: {  	[sflag:s24] =	ssyncset.done $0x0  }
0xd5: {  	[sflag:s24] =	ssyncadd.s32 $0xFFFFF9E0  }
.LBB2_12:
0xd6: {  	[bflag:$0x0] =	sbarrier.arrive $0xFFFF  }
0xd7: {  	s7 =	simm.s32 $0x0;
	s6 =	rddreg [dreg:$0x13]  }
0xd8: {  	[tilespmem:s7], [sflag:$0x1] =	stream.linear.gather [hbm4b:s6+s7], $0xFA0, $0x38;
	[tilespmem:$0x1B2C0] =	vst v63  }
0xd9: {  	s12 =	rddreg [dreg:$0x14]  }
0xda: {  	[tilespmem:s31], [sflag:$0x1] =	stream.linear.gather [hbm4b:s12+s7], $0xFA0, $0x38;
	[tilespmem:$0x1B2C0] =	vst v63  }
0xdb: {  	s14 =	rddreg [dreg:$0x15]  }
0xdc: {  	[tilespmem:s0], [sflag:$0x1] =	stream.linear.gather [hbm4b:s14+s7], $0xFA0, $0x38;
	[tilespmem:$0x1B2C0] =	vst v63  }
0xdd: {  	s15 =	rddreg [dreg:$0x16];
	s14 =	simm.s32 $0x0  }
0xde: {  	[tilespmem:s16], [sflag:$0x1] =	stream.linear.gather [hbm4b:s15+s7], $0xFA0, $0x38;
	[tilespmem:$0x1B2C0] =	vst v63  }
.LBB2_13:
0xdf: {  	s15 =	smul.u32 $0x1F40, s14  }
0xe0: {  	s6 =	rddreg [dreg:$0x17]  }
0xe1: {  	s6 =	sadd.s32 s15, s6  }
0xe2: {  	s7 =	rddreg [dreg:$0xa];
	s6 =	sshrl.u32 s6, $0x3  }
0xe3: {  	s12 =	simm.s32 $0x0;
	s7 =	sadd.s32 s7, s6  }
0xe4: {  	[tilespmem:s17], [sflag:$0x1] =	stream.linear.gather [hbm4b:s7+s12], $0xFA0, $0x38;
	[tilespmem:$0x1B2C0] =	vst v63  }
0xe5: {  	s7 =	rddreg [dreg:$0xc]  }
0xe6: {  	s7 =	sadd.s32 s7, s6  }
0xe7: {  	[tilespmem:s18], [sflag:$0x1] =	stream.linear.gather [hbm4b:s7+s12], $0xFA0, $0x38;
	[tilespmem:$0x1B2C0] =	vst v63  }
0xe8: {  	s7 =	rddreg [dreg:$0xd]  }
0xe9: {  	s7 =	sadd.s32 s7, s6  }
0xea: {  	[tilespmem:s19], [sflag:$0x1] =	stream.linear.gather [hbm4b:s7+s12], $0xFA0, $0x38;
	[tilespmem:$0x1B2C0] =	vst v63  }
0xeb: {  	s7 =	rddreg [dreg:$0x0]  }
0xec: {  	s6 =	sadd.s32 s7, s6  }
0xed: {  	[tilespmem:s8], [sflag:$0x1] =	stream.linear.gather [hbm4b:s6+s12], $0xFA0, $0x38;
	[tilespmem:$0x1B2C0] =	vst v63  }
0xee: {  	_ =	swait.ge [sflag:s21], $0xFA0  }
0xef: {  	[sflag:s21] =	ssyncset.done $0x0  }
0xf0: {  	[sflag:s21] =	ssyncadd.s32 $0xFFFFF060  }
0xf1: {  	_ =	swait.ge [sflag:s21], $0xFA0  }
0xf2: {  	[sflag:s21] =	ssyncset.done $0x0  }
0xf3: {  	[sflag:s21] =	ssyncadd.s32 $0xFFFFF060  }
0xf4: {  	_ =	swait.ge [sflag:s21], $0xFA0  }
0xf5: {  	[sflag:s21] =	ssyncset.done $0x0  }
0xf6: {  	[sflag:s21] =	ssyncadd.s32 $0xFFFFF060  }
0xf7: {  	_ =	swait.ge [sflag:s21], $0xFA0  }
0xf8: {  	[sflag:s21] =	ssyncset.done $0x0  }
0xf9: {  	[sflag:s21] =	ssyncadd.s32 $0xFFFFF060  }
0xfa: {  	p1 =	seq.s32 s14, $0x0;
	s7 =	rddreg [dreg:$0x5]  }
0xfb: {  	[tilespmem:s22], [sflag:$0x2] =	stream.indirect.gather [spmem:s7], $0x1, s12, s17, $0xb8;
	[tilespmem:$0x1B2C0] =	vst v63  }
0xfc: {  	s6 =	simm.s32 @!p1 $0x3  }
0xfd: {  	[tilespmem:s20], [sflag:$0x2] =	stream.indirect.gather [spmem:s7], $0x1, s31, s17, $0xb8;
	[tilespmem:$0x1B2C0] =	vst v63  }
0xfe: {  	_ =	swait.ge @!p1 [sflag:s6], $0xFA0  }
0xff: {  	[sflag:s6] =	ssyncset.done @!p1 $0x0  }
0x100: {  	[sflag:s6] =	ssyncadd.s32 @!p1 $0xFFFFF060  }
0x101: {  	_ =	swait.ge @!p1 [sflag:s6], $0xFA0  }
0x102: {  	[sflag:s6] =	ssyncset.done @!p1 $0x0  }
0x103: {  	[sflag:s6] =	ssyncadd.s32 @!p1 $0xFFFFF060  }
0x104: {  	_ =	swait.ge @!p1 [sflag:s6], $0xFA0  }
0x105: {  	[sflag:s6] =	ssyncset.done @!p1 $0x0  }
0x106: {  	[sflag:s6] =	ssyncadd.s32 @!p1 $0xFFFFF060  }
0x107: {  	s7 =	simm.s32 $0x0;
	_ =	swait.ge [sflag:s2], $0xFA0  }
0x108: {  	v2 =	vor.u32 s7, v0;
	[sflag:s2] =	ssyncset.done $0x0  }
0x109: {  	[sflag:s2] =	ssyncadd.s32 $0xFFFFF060  }
0x10a: {  	_ =	swait.ge [sflag:s2], $0xFA0  }
0x10b: {  	[sflag:s2] =	ssyncset.done $0x0  }
0x10c: {  	[sflag:s2] =	ssyncadd.s32 $0xFFFFF060  }
0x10d: {  	v3 =	vld.idx.msk [tilespmem:v2+s0+$0x0], $0xffff  }
0x10e: {  	v4 =	vld.idx.msk [tilespmem:v2+s16+$0x0], $0xffff;
	_ =	sdelay $0x3  }
0x10f: {  	vm0 =	vlt.f32 v3, $0.0e+00;
	vm1 =	vgt.f32 v3, $0.0e+00  }
0x110: {  	vm15 =	vlt.f32 v4, $0.0e+00;
	vm2 =	vgt.f32 v4, $0.0e+00;
	vm0 =	vmor vm1, vm0  }
0x111: {  	vm1 =	vmor vm2, vm15;
	v3 =	vnsel vm0, $0x3F800000, v3  }
0x112: {  	v4 =	vnsel vm1, $0x3F800000, v4;
	(erf) = vrcp.f32 v3  }
0x113: {  	(erf) = vrcp.f32 v4;
	v4 =	vld.idx.msk [tilespmem:v2+s22+$0x0], $0xffff  }
0x114: {  	v3 =	vld.idx.msk [tilespmem:v2+s20+$0x0], $0xffff;
	_ =	sdelay $0x3  }
0x115: {  	v5 =	vunpack.i.l.bf16.f32 v4;
	v4 =	vunpack.i.u.bf16.f32 v4  }
0x116: {  	v6 =	vunpack.i.l.bf16.f32 v3  }
0x117: {  	v3 =	vunpack.i.u.bf16.f32 v3;
	v5 =	vsub.f32 v6, v5  }
0x118: {  	v3 =	vsub.f32 v3, v4;
	v4 =	vpop (erf)  }
0x119: {  	v5 =	vmul.f32 v5, v4;
	v4 =	vpop (erf)  }
0x11a: {  	v3 =	vmul.f32 v3, v4;
	v4 =	vld.idx.msk [tilespmem:v2+s31+$0x0], $0xffff  }
0x11b: {  	v7 =	vsel vm0, $0x3F800000, v1;
	v6 =	vsel vm1, $0x45800000, v1;
	v5 =	vnsel vm0, $0x0, v5  }
0x11c: {  	v6 =	vadd.f32 v6, v7;
	v3 =	vnsel vm1, $0x0, v3;
	[tilespmem:v2+s3+$0x0] =	vst.idx.msk $0xffff, v5  }
0x11d: {  	s12 =	simm.s32 $0x10;
	[tilespmem:v2+s4+$0x0] =	vst.idx.msk $0xffff, v3  }
0x11e: {  	s6 =	simm.s32 $0x20;
	v3 =	vor.u32 s12, v0;
	[tilespmem:v2+s1+$0x0] =	vst.idx.msk $0xffff, v6  }
.LBB2_14:
0x11f: {  	p1 =	sne.s32 s6, $0xF90;
	[tilespmem:v2+s5+$0x0] =	vst.idx.msk $0xffff, v4;
	v2 =	vmov v3;
	s7 =	smov.u32 s6;
	s6 =	sadd.s32 $0x10, s6  }
0x120: {  	v4 =	vld.idx.msk [tilespmem:v3+s0+$0x0], $0xffff  }
0x121: {  	v3 =	vld.idx.msk [tilespmem:v3+s16+$0x0], $0xffff;
	_ =	sdelay $0x4  }
0x122: {  	vm0 =	vlt.f32 v4, $0.0e+00;
	vm1 =	vgt.f32 v4, $0.0e+00  }
0x123: {  	vm0 =	vmor vm1, vm0;
	vm1 =	vlt.f32 v3, $0.0e+00;
	vm2 =	vgt.f32 v3, $0.0e+00  }
0x124: {  	vm1 =	vmor vm2, vm1;
	v4 =	vnsel vm0, $0x3F800000, v4  }
0x125: {  	v3 =	vnsel vm1, $0x3F800000, v3;
	v6 =	vsel vm1, $0x45800000, v1;
	v5 =	vld.idx.msk [tilespmem:v2+s20+$0x0], $0xffff;
	(erf) = vrcp.f32 v4  }
0x126: {  	v4 =	vld.idx.msk [tilespmem:v2+s22+$0x0], $0xffff;
	(erf) = vrcp.f32 v3;
	_ =	sdelay $0x5  }
0x127: {  	v7 =	vunpack.i.l.bf16.f32 v5;
	v3 =	vunpack.i.u.bf16.f32 v4;
	v4 =	vunpack.i.l.bf16.f32 v4  }
0x128: {  	v8 =	vunpack.i.u.bf16.f32 v5;
	v9 =	vsub.f32 v7, v4  }
0x129: {  	v3 =	vsub.f32 v8, v3;
	v5 =	vpop (erf)  }
0x12a: {  	v4 =	vld.idx.msk [tilespmem:v2+s31+$0x0], $0xffff;
	v5 =	vmul.f32 v9, v5;
	v7 =	vpop (erf)  }
.Ltmp6:
0x12b: {  	v7 =	vmul.f32 v3, v7;
	(pc) =	sbr.rel @p1 .LBB2_14-.Ltmp6, $4  }
0x12c: {  	v8 =	vsel vm0, $0x3F800000, v1;
	v3 =	vor.u32 s7, v0;
	v5 =	vnsel vm0, $0x0, v5  }
0x12d: {  	v6 =	vadd.f32 v6, v8;
	v7 =	vnsel vm1, $0x0, v7;
	[tilespmem:v2+s3+$0x0] =	vst.idx.msk $0xffff, v5  }
0x12e: {  	[tilespmem:v2+s4+$0x0] =	vst.idx.msk $0xffff, v7  }
0x12f: {  	[tilespmem:v2+s1+$0x0] =	vst.idx.msk $0xffff, v6  }
0x130: {  	_ =	sdelay $0x3  }
0x131: {  	[tilespmem:v2+s5+$0x0] =	vst.idx.msk $0xffff, v4  }
0x132: {  	v2 =	vld.idx.msk [tilespmem:v3+s0+$0x0], $0xffff  }
0x133: {  	v4 =	vld.idx.msk [tilespmem:v3+s16+$0x0], $0xffff;
	_ =	sdelay $0x3  }
0x134: {  	vm0 =	vlt.f32 v2, $0.0e+00;
	vm1 =	vgt.f32 v2, $0.0e+00  }
0x135: {  	vm11 =	vlt.f32 v4, $0.0e+00;
	vm2 =	vgt.f32 v4, $0.0e+00;
	vm0 =	vmor vm1, vm0  }
0x136: {  	vm1 =	vmor vm2, vm11;
	v2 =	vnsel vm0, $0x3F800000, v2  }
0x137: {  	v4 =	vnsel vm1, $0x3F800000, v4;
	(erf) = vrcp.f32 v2;
	v2 =	vld.idx.msk [tilespmem:v3+s20+$0x0], $0xffff  }
0x138: {  	(erf) = vrcp.f32 v4;
	v4 =	vld.idx.msk [tilespmem:v3+s22+$0x0], $0xffff;
	_ =	sdelay $0x4  }
0x139: {  	v6 =	vunpack.i.l.bf16.f32 v2;
	v5 =	vunpack.i.l.bf16.f32 v4  }
0x13a: {  	v4 =	vunpack.i.u.bf16.f32 v4;
	v5 =	vsub.f32 v6, v5;
	_ =	sdelay $0x1  }
0x13b: {  	v2 =	vunpack.i.u.bf16.f32 v2  }
0x13c: {  	v2 =	vsub.f32 v2, v4;
	v4 =	vpop (erf)  }
0x13d: {  	v4 =	vmul.f32 v5, v4;
	v5 =	vpop (erf)  }
0x13e: {  	v6 =	vld.idx.msk [tilespmem:v3+s31+$0x0], $0xffff;
	v2 =	vmul.f32 v2, v5  }
0x13f: {  	v7 =	vsel vm0, $0x3F800000, v1;
	v5 =	vsel vm1, $0x45800000, v1;
	v4 =	vnsel vm0, $0x0, v4  }
0x140: {  	v5 =	vadd.f32 v5, v7;
	[tilespmem:v3+s3+$0x0] =	vst.idx.msk $0xffff, v4;
	v2 =	vnsel vm1, $0x0, v2  }
0x141: {  	[tilespmem:v3+s4+$0x0] =	vst.idx.msk $0xffff, v2  }
0x142: {  	[tilespmem:v3+s1+$0x0] =	vst.idx.msk $0xffff, v5  }
0x143: {  	s6 =	rddreg [dreg:$0x2];
	[tilespmem:v3+s5+$0x0] =	vst.idx.msk $0xffff, v6  }
0x144: {  	[spmem:s6] =	stream.indirect.scatter.add.f32 [tilespmem:s3], [sflag:$0x3], $0x1, s5, s17, $0xb8;
	[tilespmem:$0x1B2C0] =	vst v63  }
0x145: {  	s7 =	rddreg [dreg:$0x3]  }
0x146: {  	[spmem:s7] =	stream.indirect.scatter.add.f32 [tilespmem:s4], [sflag:$0x3], $0x1, s5, s17, $0xb8;
	[tilespmem:$0x1B2C0] =	vst v63  }
0x147: {  	s12 =	rddreg [dreg:$0x4]  }
0x148: {  	[spmem:s12] =	stream.indirect.scatter.add.f32 [tilespmem:s1], [sflag:$0x3], $0x1, s5, s17, $0xb8;
	[tilespmem:$0x1B2C0] =	vst v63  }
0x149: {  	_ =	swait.ge [sflag:s21], $0xFA0  }
0x14a: {  	[sflag:s21] =	ssyncset.done $0x0  }
0x14b: {  	[sflag:s21] =	ssyncadd.s32 $0xFFFFF060  }
0x14c: {  	_ =	swait.ge [sflag:s21], $0xFA0  }
0x14d: {  	[sflag:s21] =	ssyncset.done $0x0  }
0x14e: {  	[sflag:s21] =	ssyncadd.s32 $0xFFFFF060  }
0x14f: {  	_ =	swait.ge [sflag:s21], $0xFA0  }
0x150: {  	[sflag:s21] =	ssyncset.done $0x0  }
0x151: {  	[sflag:s21] =	ssyncadd.s32 $0xFFFFF060  }
0x152: {  	_ =	swait.ge [sflag:s21], $0xFA0  }
0x153: {  	[sflag:s21] =	ssyncset.done $0x0  }
0x154: {  	s6 =	rddreg [dreg:$0x18];
	[sflag:s21] =	ssyncadd.s32 $0xFFFFF060  }
0x155: {  	p1 =	seq.s32 s14, $0x18;
	s7 =	rddreg [dreg:$0x5]  }
0x156: {  	[tilespmem:s9], [sflag:$0x2] =	stream.indirect.gather [spmem:s7], $0x1, s17, s17, $0xb8;
	[tilespmem:$0x1B2C0] =	vst v63  }
0x157: {  	s6 =	sadd.s32 @!p1 s15, s6  }
0x158: {  	[tilespmem:s10], [sflag:$0x2] =	stream.indirect.gather [spmem:s7], $0x1, s18, s17, $0xb8;
	[tilespmem:$0x1B2C0] =	vst v63  }
0x159: {  	s6 =	sshrl.u32 @!p1 s6, $0x3;
	s7 =	rddreg [dreg:$0xa]  }
0x15a: {  	s12 =	simm.s32 @!p1 $0x0;
	s7 =	sadd.s32 @!p1 s7, s6  }
0x15b: {  	[tilespmem:s12], [sflag:$0x1] =	stream.linear.gather @!p1 [hbm4b:s7+s12], $0xFA0, $0x38;
	[tilespmem:$0x1B2C0] =	vst v63  }
0x15c: {  	s7 =	rddreg [dreg:$0xc]  }
0x15d: {  	s15 =	simm.s32 @!p1 $0x1F40;
	s7 =	sadd.s32 @!p1 s7, s6  }
0x15e: {  	[tilespmem:s15], [sflag:$0x1] =	stream.linear.gather @!p1 [hbm4b:s7+s12], $0xFA0, $0x38;
	[tilespmem:$0x1B2C0] =	vst v63  }
0x15f: {  	s7 =	rddreg [dreg:$0xd]  }
0x160: {  	s15 =	simm.s32 @!p1 $0x5DC0;
	s7 =	sadd.s32 @!p1 s7, s6  }
0x161: {  	[tilespmem:s15], [sflag:$0x1] =	stream.linear.gather @!p1 [hbm4b:s7+s12], $0xFA0, $0x38;
	[tilespmem:$0x1B2C0] =	vst v63  }
0x162: {  	s7 =	rddreg [dreg:$0x0]  }
0x163: {  	p2 =	seq.s32 @!p1 s14, $0x0;
	s6 =	sadd.s32 @!p1 s7, s6;
	s7 =	simm.s32 @!p1 $0x7D00  }
0x164: {  	[tilespmem:s7], [sflag:$0x1] =	stream.linear.gather @!p1 [hbm4b:s6+s12], $0xFA0, $0x38;
	[tilespmem:$0x1B2C0] =	vst v63  }
0x165: {  	p1 =	por p1, !p2  }
0x166: {  	s6 =	simm.s32 @p1 $0x3  }
0x167: {  	_ =	swait.ge @p1 [sflag:s6], $0xFA0  }
0x168: {  	[sflag:s6] =	ssyncset.done @p1 $0x0  }
0x169: {  	[sflag:s6] =	ssyncadd.s32 @p1 $0xFFFFF060  }
0x16a: {  	_ =	swait.ge @p1 [sflag:s6], $0xFA0  }
0x16b: {  	[sflag:s6] =	ssyncset.done @p1 $0x0  }
0x16c: {  	[sflag:s6] =	ssyncadd.s32 @p1 $0xFFFFF060  }
0x16d: {  	_ =	swait.ge @p1 [sflag:s6], $0xFA0  }
0x16e: {  	[sflag:s6] =	ssyncset.done @p1 $0x0  }
0x16f: {  	[sflag:s6] =	ssyncadd.s32 @p1 $0xFFFFF060  }
0x170: {  	s12 =	simm.s32 $0x0;
	_ =	swait.ge [sflag:s2], $0xFA0  }
0x171: {  	v2 =	vor.u32 s12, v0;
	[sflag:s2] =	ssyncset.done $0x0  }
0x172: {  	[sflag:s2] =	ssyncadd.s32 $0xFFFFF060  }
0x173: {  	_ =	swait.ge [sflag:s2], $0xFA0  }
0x174: {  	[sflag:s2] =	ssyncset.done $0x0  }
0x175: {  	[sflag:s2] =	ssyncadd.s32 $0xFFFFF060  }
0x176: {  	v3 =	vld.idx.msk [tilespmem:v2+s19+$0x0], $0xffff  }
0x177: {  	v4 =	vld.idx.msk [tilespmem:v2+s8+$0x0], $0xffff;
	_ =	sdelay $0x3  }
0x178: {  	vm12 =	vlt.f32 v3, $0.0e+00;
	vm13 =	vgt.f32 v3, $0.0e+00  }
0x179: {  	vm14 =	vlt.f32 v4, $0.0e+00;
	vm15 =	vgt.f32 v4, $0.0e+00;
	vm0 =	vmor vm13, vm12  }
0x17a: {  	vm1 =	vmor vm15, vm14;
	v3 =	vnsel vm0, $0x3F800000, v3  }
0x17b: {  	v4 =	vnsel vm1, $0x3F800000, v4;
	(erf) = vrcp.f32 v3  }
0x17c: {  	(erf) = vrcp.f32 v4;
	v4 =	vld.idx.msk [tilespmem:v2+s9+$0x0], $0xffff  }
0x17d: {  	v3 =	vld.idx.msk [tilespmem:v2+s10+$0x0], $0xffff;
	_ =	sdelay $0x3  }
0x17e: {  	v5 =	vunpack.i.l.bf16.f32 v4;
	v4 =	vunpack.i.u.bf16.f32 v4  }
0x17f: {  	v6 =	vunpack.i.l.bf16.f32 v3  }
0x180: {  	v3 =	vunpack.i.u.bf16.f32 v3;
	v5 =	vsub.f32 v6, v5  }
0x181: {  	v3 =	vsub.f32 v3, v4;
	v4 =	vpop (erf)  }
0x182: {  	v5 =	vmul.f32 v5, v4;
	v4 =	vpop (erf)  }
0x183: {  	v3 =	vmul.f32 v3, v4;
	v4 =	vld.idx.msk [tilespmem:v2+s18+$0x0], $0xffff  }
0x184: {  	v7 =	vsel vm0, $0x3F800000, v1;
	v6 =	vsel vm1, $0x45800000, v1;
	v5 =	vnsel vm0, $0x0, v5  }
0x185: {  	v6 =	vadd.f32 v6, v7;
	v3 =	vnsel vm1, $0x0, v3;
	[tilespmem:v2+s11+$0x0] =	vst.idx.msk $0xffff, v5  }
0x186: {  	s15 =	simm.s32 $0x10;
	[tilespmem:v2+s13+$0x0] =	vst.idx.msk $0xffff, v3  }
0x187: {  	s6 =	simm.s32 $0x20;
	v3 =	vor.u32 s15, v0;
	[tilespmem:v2+s25+$0x0] =	vst.idx.msk $0xffff, v6  }
.LBB2_16:
0x188: {  	p1 =	sne.s32 s6, $0xF90;
	[tilespmem:v2+s26+$0x0] =	vst.idx.msk $0xffff, v4;
	v2 =	vmov v3;
	s7 =	smov.u32 s6;
	s6 =	sadd.s32 $0x10, s6  }
0x189: {  	v4 =	vld.idx.msk [tilespmem:v3+s19+$0x0], $0xffff  }
0x18a: {  	v3 =	vld.idx.msk [tilespmem:v3+s8+$0x0], $0xffff;
	_ =	sdelay $0x4  }
0x18b: {  	vm0 =	vlt.f32 v4, $0.0e+00;
	vm1 =	vgt.f32 v4, $0.0e+00  }
0x18c: {  	vm0 =	vmor vm1, vm0;
	vm1 =	vlt.f32 v3, $0.0e+00;
	vm2 =	vgt.f32 v3, $0.0e+00  }
0x18d: {  	vm1 =	vmor vm2, vm1;
	v4 =	vnsel vm0, $0x3F800000, v4  }
0x18e: {  	v3 =	vnsel vm1, $0x3F800000, v3;
	v6 =	vsel vm1, $0x45800000, v1;
	v5 =	vld.idx.msk [tilespmem:v2+s10+$0x0], $0xffff;
	(erf) = vrcp.f32 v4  }
0x18f: {  	v4 =	vld.idx.msk [tilespmem:v2+s9+$0x0], $0xffff;
	(erf) = vrcp.f32 v3;
	_ =	sdelay $0x5  }
0x190: {  	v7 =	vunpack.i.l.bf16.f32 v5;
	v3 =	vunpack.i.u.bf16.f32 v4;
	v4 =	vunpack.i.l.bf16.f32 v4  }
0x191: {  	v8 =	vunpack.i.u.bf16.f32 v5;
	v9 =	vsub.f32 v7, v4  }
0x192: {  	v3 =	vsub.f32 v8, v3;
	v5 =	vpop (erf)  }
0x193: {  	v4 =	vld.idx.msk [tilespmem:v2+s18+$0x0], $0xffff;
	v5 =	vmul.f32 v9, v5;
	v7 =	vpop (erf)  }
.Ltmp7:
0x194: {  	v7 =	vmul.f32 v3, v7;
	(pc) =	sbr.rel @p1 .LBB2_16-.Ltmp7, $4  }
0x195: {  	v8 =	vsel vm0, $0x3F800000, v1;
	v3 =	vor.u32 s7, v0;
	v5 =	vnsel vm0, $0x0, v5  }
0x196: {  	v6 =	vadd.f32 v6, v8;
	v7 =	vnsel vm1, $0x0, v7;
	[tilespmem:v2+s11+$0x0] =	vst.idx.msk $0xffff, v5  }
0x197: {  	[tilespmem:v2+s13+$0x0] =	vst.idx.msk $0xffff, v7  }
0x198: {  	[tilespmem:v2+s25+$0x0] =	vst.idx.msk $0xffff, v6  }
0x199: {  	_ =	sdelay $0x3  }
0x19a: {  	[tilespmem:v2+s26+$0x0] =	vst.idx.msk $0xffff, v4  }
0x19b: {  	v2 =	vld.idx.msk [tilespmem:v3+s19+$0x0], $0xffff  }
0x19c: {  	v4 =	vld.idx.msk [tilespmem:v3+s8+$0x0], $0xffff;
	_ =	sdelay $0x3  }
0x19d: {  	vm0 =	vlt.f32 v2, $0.0e+00;
	vm1 =	vgt.f32 v2, $0.0e+00  }
0x19e: {  	vm15 =	vlt.f32 v4, $0.0e+00;
	vm2 =	vgt.f32 v4, $0.0e+00;
	vm0 =	vmor vm1, vm0  }
0x19f: {  	vm1 =	vmor vm2, vm15;
	v2 =	vnsel vm0, $0x3F800000, v2  }
0x1a0: {  	v4 =	vnsel vm1, $0x3F800000, v4;
	(erf) = vrcp.f32 v2  }
0x1a1: {  	v59 =	vld.idx.msk [tilespmem:v3+s9+$0x0], $0xffff;
	(erf) = vrcp.f32 v4  }
0x1a2: {  	v2 =	vld.idx.msk [tilespmem:v3+s10+$0x0], $0xffff;
	_ =	sdelay $0x4  }
0x1a3: {  	v5 =	vunpack.i.l.bf16.f32 v59;
	v6 =	vunpack.i.l.bf16.f32 v2  }
0x1a4: {  	v4 =	vunpack.i.u.bf16.f32 v59;
	v2 =	vunpack.i.u.bf16.f32 v2;
	v5 =	vsub.f32 v6, v5  }
0x1a5: {  	v2 =	vsub.f32 v2, v4;
	v60 =	vpop (erf)  }
0x1a6: {  	v4 =	vmul.f32 v5, v60;
	v61 =	vpop (erf)  }
0x1a7: {  	v62 =	vld.idx.msk [tilespmem:v3+s18+$0x0], $0xffff;
	v2 =	vmul.f32 v2, v61  }
0x1a8: {  	v63 =	vsel vm1, $0x45800000, v1;
	v7 =	vsel vm0, $0x3F800000, v1;
	v4 =	vnsel vm0, $0x0, v4  }
0x1a9: {  	v5 =	vadd.f32 v63, v7;
	v2 =	vnsel vm1, $0x0, v2;
	[tilespmem:v3+s11+$0x0] =	vst.idx.msk $0xffff, v4  }
0x1aa: {  	[tilespmem:v3+s13+$0x0] =	vst.idx.msk $0xffff, v2  }
0x1ab: {  	s14 =	sadd.s32 $0x1, s14;
	[tilespmem:v3+s25+$0x0] =	vst.idx.msk $0xffff, v5  }
0x1ac: {  	s6 =	rddreg [dreg:$0x2];
	p1 =	sne.s32 s14, $0x19;
	[tilespmem:v3+s26+$0x0] =	vst.idx.msk $0xffff, v62  }
0x1ad: {  	[spmem:s6] =	stream.indirect.scatter.add.f32 [tilespmem:s11], [sflag:$0x3], $0x1, s26, s17, $0xb8;
	[tilespmem:$0x1B2C0] =	vst v63  }
.Ltmp8:
0x1ae: {  	_ = 	snop;
	(pc) =	sbr.rel @p1 .LBB2_13-.Ltmp8, $4  }
0x1af: {  	s12 =	rddreg [dreg:$0x3]  }
0x1b0: {  	[spmem:s12] =	stream.indirect.scatter.add.f32 [tilespmem:s13], [sflag:$0x3], $0x1, s26, s17, $0xb8;
	[tilespmem:$0x1B2C0] =	vst v63  }
0x1b1: {  	s15 =	rddreg [dreg:$0x4]  }
0x1b2: {  	[spmem:s15] =	stream.indirect.scatter.add.f32 [tilespmem:s25], [sflag:$0x3], $0x1, s26, s17, $0xb8;
	[tilespmem:$0x1B2C0] =	vst v63  }
0x1b3: {  	s6 =	simm.s32 $0x3  }
0x1b4: {  	_ =	swait.ge [sflag:s6], $0xFA0  }
0x1b5: {  	[sflag:s6] =	ssyncset.done $0x0  }
0x1b6: {  	[sflag:s6] =	ssyncadd.s32 $0xFFFFF060  }
0x1b7: {  	_ =	swait.ge [sflag:s6], $0xFA0  }
0x1b8: {  	[sflag:s6] =	ssyncset.done $0x0  }
0x1b9: {  	[sflag:s6] =	ssyncadd.s32 $0xFFFFF060  }
0x1ba: {  	_ =	swait.ge [sflag:s6], $0xFA0  }
0x1bb: {  	[sflag:s6] =	ssyncset.done $0x0  }
0x1bc: {  	[sflag:s6] =	ssyncadd.s32 $0xFFFFF060  }
0x1bd: {  	_ =	swait.ge [sflag:s6], $0xFA0  }
0x1be: {  	[sflag:s6] =	ssyncset.done $0x0  }
0x1bf: {  	[sflag:s6] =	ssyncadd.s32 $0xFFFFF060  }
0x1c0: {  	_ =	swait.ge [sflag:s6], $0xFA0  }
0x1c1: {  	[sflag:s6] =	ssyncset.done $0x0  }
0x1c2: {  	[sflag:s6] =	ssyncadd.s32 $0xFFFFF060  }
0x1c3: {  	_ =	swait.ge [sflag:s6], $0xFA0  }
0x1c4: {  	[sflag:s6] =	ssyncset.done $0x0  }
0x1c5: {  	[sflag:s6] =	ssyncadd.s32 $0xFFFFF060  }
0x1c6: {  	[bflag:$0x0] =	sbarrier.arrive $0xFFFF  }
0x1c7: {  	s12 =	sld [smem:$0x7EE];
	_ =	sdelay $0x1  }
0x1c8: {  	s6 =	simm.s32 @p0 $0x1FC4;
	s7 =	rddreg [dreg:$0x19]  }
0x1c9: {  	[hbm:s7], [sflag:s6] =	dma.local @p0 [spmem:s12], $0x2E4  }
0x1ca: {  	s7 =	simm.s32 @p0 $0x4  }
0x1cb: {  	_ =	swait.ge @p0 [sflag:s7], $0x2E4  }
0x1cc: {  	s14 =	sld [smem:$0x7EF]  }
0x1cd: {  	[sflag:s7] =	ssyncset.done @p0 $0x0  }
0x1ce: {  	s12 =	rddreg [dreg:$0x1a];
	[sflag:s7] =	ssyncadd.s32 @p0 $0xFFFFFD1C  }
0x1cf: {  	[hbm:s12], [sflag:s6] =	dma.local @p0 [spmem:s14], $0x2E4  }
0x1d0: {  	_ =	swait.ge @p0 [sflag:s7], $0x2E4  }
0x1d1: {  	s14 =	sld [smem:$0x7F0]  }
0x1d2: {  	[sflag:s7] =	ssyncset.done @p0 $0x0  }
0x1d3: {  	s12 =	rddreg [dreg:$0x1b];
	[sflag:s7] =	ssyncadd.s32 @p0 $0xFFFFFD1C  }
0x1d4: {  	[hbm:s12], [sflag:s6] =	dma.local @p0 [spmem:s14], $0x2E4  }
0x1d5: {  	_ =	swait.ge @p0 [sflag:s7], $0x2E4  }
0x1d6: {  	[sflag:s7] =	ssyncset.done @p0 $0x0;
	s12 =	sld [smem:$0x7F3]  }
0x1d7: {  	[sflag:s7] =	ssyncadd.s32 @p0 $0xFFFFFD1C;
	s7 =	sld [smem:$0x7F1];
	_ =	sdelay $0x1  }
0x1d8: {  	s6 =	rddreg [dreg:$0x12]  }
0x1d9: {  	[hbm:s6], [sflag:s12] =	dma.local @!p0 [spmem:s7], $0x310  }
0x1da: {  	s6 =	simm.s32 @!p0 $0x4  }
0x1db: {  	_ =	swait.ge @!p0 [sflag:s6], $0x310  }
0x1dc: {  	s7 =	sld [smem:$0x7FC]  }
0x1dd: {  	s14 =	sld [smem:$0x7F2]  }
0x1de: {  	[sflag:s6] =	ssyncset.done @!p0 $0x0  }
0x1df: {  	[sflag:s6] =	ssyncadd.s32 @!p0 $0xFFFFFCF0  }
0x1e0: {  	[hbm:s7], [sflag:s12] =	dma.local @!p0 [spmem:s14], $0x310  }
0x1e1: {  	_ =	swait.ge @!p0 [sflag:s6], $0x310  }
0x1e2: {  	s7 =	sld [smem:$0x7FD]  }
0x1e3: {  	s14 =	sld [smem:$0x7F4]  }
0x1e4: {  	[sflag:s6] =	ssyncset.done @!p0 $0x0  }
0x1e5: {  	[sflag:s6] =	ssyncadd.s32 @!p0 $0xFFFFFCF0  }
0x1e6: {  	[hbm:s7], [sflag:s12] =	dma.local @!p0 [spmem:s14], $0x310  }
0x1e7: {  	_ =	swait.ge @!p0 [sflag:s6], $0x310  }
0x1e8: {  	s14 =	sld [smem:$0x7ED];
	_ =	sdelay $0x2  }
0x1e9: {  	s15 =	rddreg [dreg:$0x1c];
	s12 =	sadd.s32 $0x1, s14  }
0x1ea: {  	p1 =	sne.s32 s12, s15  }
.Ltmp9:
0x1eb: {  	_ = 	snop;
	(pc) =	sbr.rel @p1 .LBB2_1-.Ltmp9, $3  }
0x1ec: {  	_ =	sdelay $0x1  }
0x1ed: {  	[sflag:s6] =	ssyncset.done @!p0 $0x0  }
0x1ee: {  	[sflag:s6] =	ssyncadd.s32 @!p0 $0xFFFFFCF0  }
0x1ef: {  	_ =	sfence.sel $0x180000  }
0x1f0: {  	[bflag:$0x0] =	sbarrier.arrive $0xFFFF  }
0x1f1: {  	_ =	strace $0x90000047  }
0x1f2: {  	s0 =	stileid.u32;
	[bflag:$0x2] =	sbarrier.arrive $0xFFFF  }
0x1f3: {  	p0 =	sne.s32 s0, $0x0;
	s0 =	rddreg [dreg:$0x6]  }
0x1f4: {  	s0 =	sadd.s32 @!p0 $0x100000, s0  }
0x1f5: {  	[sflag:s0] =	ssyncadd.tile.s32 @!p0 $0x1;
	_ =	shalt  }
.Lfunc_end2:
_tile_overlayer_lowered:
.L_overlay_start_2:
0x1f6: {  	(tag) =	ssettag $0x2  }
0x1f7: {  	s0 =	rddreg [dreg:$0x0];
	s2 =	stileid.u32  }
0x1f8: {  	s1 =	rddreg [dreg:$0x1];
	p0 =	sne.s32 s2, $0x0  }
0x1f9: {  	s3 =	rddreg [dreg:$0x2];
	[bflag:$0x3] =	sbarrier.arrive $0xFFFF;
	s2 =	simm.s32 @!p0 $0x1C04  }
0x1fa: {  	[timem:s3], [sflag:s2] =	dma.local @!p0 [hbm:s0], s1  }
0x1fb: {  	s0 =	simm.s32 @!p0 $0x4  }
0x1fc: {  	_ =	swait.ge @!p0 [sflag:s0], s1  }
0x1fd: {  	s1 =	ssub.s32 @!p0 $0x0, s1;
	[sflag:s0] =	ssyncset.done @!p0 $0x0  }
0x1fe: {  	[sflag:s0] =	ssyncadd.s32 @!p0 s1  }
0x1ff: {  	[bflag:$0x3] =	sbarrier.arrive $0xFFFF  }
0x200: {  	_ =	shalt  }

// kernel: kernel.7.cloned.1.call-start
scs
__scs_entry_jumppad:
0x0: {  	(pc) =	sbr.rel $0x88, $3  }
0x1: {  	(tag) =	ssettag $0x0;
	lr =	simm.s32 $0x1  }
0x2: {  	[smem:$0x3F9B] =	sst lr;
	_ =	strace $0xD0000000  }
0x3: {  	_ = 	snop  }
0x4: {  	_ = 	snop  }
0x5: {  	_ = 	snop  }
0x6: {  	_ = 	snop  }
0x7: {  	_ = 	snop  }
__scs_overlays_trampoline_lowered:
0x8: {  	[smem:$0x3FAA] =	sst s0  }
0x9: {  	[smem:$0x3FAB] =	sst s1  }
0xa: {  	[smem:$0x3FAC] =	sst s2  }
0xb: {  	[smem:$0x3FAD] =	sst s3  }
0xc: {  	[smem:$0x3FAE] =	sst s4  }
0xd: {  	[smem:$0x3FAF] =	sst s5  }
0xe: {  	[smem:$0x3FB0] =	sst s6  }
0xf: {  	[smem:$0x3FB1] =	sst s7  }
0x10: {  	[smem:$0x3FB2] =	sst s8  }
0x11: {  	[smem:$0x3FB3] =	sst s9;
	s0 =	simm.s32 @!p0 $0x0  }
0x12: {  	s1 =	sld [smem:$0x3F99];
	s0 =	simm.s32 @p0 $0x1  }
0x13: {  	[smem:$0x3FB4] =	sst s0;
	s0 =	simm.s32 @!p1 $0x0  }
0x14: {  	s2 =	sld [smem:$0x3F98];
	s0 =	simm.s32 @p1 $0x1  }
0x15: {  	[smem:$0x3FB5] =	sst s0;
	s0 =	simm.s32 @!p2 $0x0  }
0x16: {  	s3 =	sld [smem:$0x3FDB];
	s0 =	simm.s32 @p2 $0x1  }
0x17: {  	s4 =	simm.s32 $0x1BF5;
	[smem:$0x3FB7] =	sst s0  }
0x18: {  	s0 =	sld [smem:$0x3F9A];
	_ =	swait.ge [sflag:s4], $0x0  }
0x19: {  	s7 =	sld [smem:$0x3F9B]  }
0x1a: {  	s8 =	sadd.s32 $0xFFFFE003, lr  }
0x1b: {  	s9 =	sadd.s32 $0xFFFFFEF7, lr;
	s5 =	simm.s32 $0xFFFFFFFF;
	p2 =	slt.u32 s8, $0xFFFFF086  }
0x1c: {  	p1 =	slt.u32 s9, $0xF7A;
	s5 =	simm.s32 @!p2 $0x0  }
0x1d: {  	s5 =	simm.s32 @p1 $0x1;
	p0 =	seq.s32 s7, s2  }
0x1e: {  	s7 =	smul.u32 @!p0 $0xF7A, s2;
	p2 =	seq.s32 @!p0 s5, $0x0  }
0x1f: {  	s9 =	smul.u32 $0xF7A, s1;
	s8 =	simm.s32 @!p0 $0x1BF5;
	p2 =	por !p2, p0  }
0x20: {  	[sflag:s8] =	ssyncset.s32 @!p0 $0xFFFFF086;
	s6 =	sadd.s32 @!p0 s3, s7;
	s7 =	simm.s32 @!p0 $0x108  }
0x21: {  	s3 =	sadd.s32 s3, s9;
	s6 =	sadd.s32 @!p0 $0x88, s6;
	s7 =	simm.s32 @p2 $0x1082  }
0x22: {  	[simem:s7], [sflag:s8] =	dma.local @!p0 [hbm:s6], $0xF7A  }
0x23: {  	s9 =	sor.u32 $0xD0000000, s2;
	s6 =	simm.s32 $0x108;
	_ =	swait.ge @!p0 [sflag:s8], $0x0  }
0x24: {  	s3 =	sadd.s32 $0x88, s3;
	s6 =	simm.s32 @!p1 $0x1082;
	[sflag:s4] =	ssyncset.s32 $0xFFFFF086  }
0x25: {  	[simem:s6], [sflag:s4] =	dma.local [hbm:s3], $0xF7A  }
0x26: {  	[smem:$0x3F9B] =	sst s1;
	(tag) =	ssettag s2;
	_ =	strace s9  }
0x27: {  	s1 =	sld [smem:$0x3FAB]  }
0x28: {  	s2 =	sld [smem:$0x3FAC]  }
0x29: {  	s4 =	sld [smem:$0x3FAE]  }
0x2a: {  	p0 =	seq.s32 s5, $0x0;
	s5 =	sld [smem:$0x3FAF]  }
0x2b: {  	s6 =	sld [smem:$0x3FB0]  }
0x2c: {  	s7 =	sld [smem:$0x3FB1]  }
0x2d: {  	s3 =	simm.s32 $0x108;
	s8 =	sld [smem:$0x3FB2]  }
0x2e: {  	s3 =	simm.s32 @!p0 $0x1082;
	s9 =	sld [smem:$0x3FB3]  }
0x2f: {  	lr =	sadd.s32 s0, s3;
	s0 =	sld [smem:$0x3FAA]  }
0x30: {  	s3 =	sld [smem:$0x3FAD]  }
0x31: {  	[smem:$0x3FB6] =	sst s10  }
0x32: {  	s10 =	sld [smem:$0x3FB4];
	_ =	sdelay $0x3  }
0x33: {  	p0 =	seq.s32 s10, $0x1;
	s10 =	sld [smem:$0x3FB6];
	_ =	sdelay $0x3  }
0x34: {  	[smem:$0x3FB6] =	sst s10  }
0x35: {  	s10 =	sld [smem:$0x3FB5];
	_ =	sdelay $0x3  }
0x36: {  	p1 =	seq.s32 s10, $0x1;
	s10 =	sld [smem:$0x3FB6];
	_ =	sdelay $0x3  }
0x37: {  	[smem:$0x3FB6] =	sst s10  }
0x38: {  	s10 =	sld [smem:$0x3FB7]  }
0x39: {  	_ = 	snop;
	(pc) =	sbr.ind lr, $3  }
0x3a: {  	_ = 	snop  }
0x3b: {  	_ = 	snop  }
0x3c: {  	p2 =	seq.s32 s10, $0x1;
	s10 =	sld [smem:$0x3FB6]  }
0x3d: {  	_ =	shalt  }
0x3e: {  	_ =	shalt  }
0x3f: {  	_ =	shalt  }
0x40: {  	_ =	shalt  }
0x41: {  	_ =	shalt  }
0x42: {  	_ =	shalt  }
0x43: {  	_ =	shalt  }
0x44: {  	_ =	shalt  }
0x45: {  	_ =	shalt  }
0x46: {  	_ =	shalt  }
0x47: {  	_ =	shalt  }
0x48: {  	_ =	shalt  }
0x49: {  	_ =	shalt  }
0x4a: {  	_ =	shalt  }
0x4b: {  	_ =	shalt  }
0x4c: {  	_ =	shalt  }
0x4d: {  	_ =	shalt  }
0x4e: {  	_ =	shalt  }
0x4f: {  	_ =	shalt  }
0x50: {  	_ =	shalt  }
0x51: {  	_ =	shalt  }
0x52: {  	_ =	shalt  }
0x53: {  	_ =	shalt  }
0x54: {  	_ =	shalt  }
0x55: {  	_ =	shalt  }
0x56: {  	_ =	shalt  }
0x57: {  	_ =	shalt  }
0x58: {  	_ =	shalt  }
0x59: {  	_ =	shalt  }
0x5a: {  	_ =	shalt  }
0x5b: {  	_ =	shalt  }
0x5c: {  	_ =	shalt  }
0x5d: {  	_ =	shalt  }
0x5e: {  	_ =	shalt  }
0x5f: {  	_ =	shalt  }
0x60: {  	_ =	shalt  }
0x61: {  	_ =	shalt  }
0x62: {  	_ =	shalt  }
0x63: {  	_ =	shalt  }
0x64: {  	_ =	shalt  }
0x65: {  	_ =	shalt  }
0x66: {  	_ =	shalt  }
0x67: {  	_ =	shalt  }
0x68: {  	_ =	shalt  }
0x69: {  	_ =	shalt  }
0x6a: {  	_ =	shalt  }
0x6b: {  	_ =	shalt  }
0x6c: {  	_ =	shalt  }
0x6d: {  	_ =	shalt  }
0x6e: {  	_ =	shalt  }
0x6f: {  	_ =	shalt  }
0x70: {  	_ =	shalt  }
0x71: {  	_ =	shalt  }
0x72: {  	_ =	shalt  }
0x73: {  	_ =	shalt  }
0x74: {  	_ =	shalt  }
0x75: {  	_ =	shalt  }
0x76: {  	_ =	shalt  }
0x77: {  	_ =	shalt  }
0x78: {  	_ =	shalt  }
0x79: {  	_ =	shalt  }
0x7a: {  	_ =	shalt  }
0x7b: {  	_ =	shalt  }
0x7c: {  	_ =	shalt  }
0x7d: {  	_ =	shalt  }
0x7e: {  	_ =	shalt  }
0x7f: {  	_ =	shalt  }
0x80: {  	_ =	shalt  }
0x81: {  	_ =	shalt  }
0x82: {  	_ =	shalt  }
0x83: {  	_ =	shalt  }
0x84: {  	_ =	shalt  }
0x85: {  	_ =	shalt  }
0x86: {  	_ =	shalt  }
0x87: {  	_ =	shalt  }
.Lfunc_end0:
.L_simem_size_0:
called_computation.1_lowered:
.L_overlay_start_0:
0x88: {  	s2 =	sld [smem:$0x3FD9]  }
0x89: {  	s3 =	sld [smem:$0x3FFE];
	_ =	sdelay $0x1  }
0x8a: {  	s1 =	srdreg.scid  }
0x8b: {  	s0 =	sand.u32 $0x1, s1  }
0x8c: {  	s17 =	sshll.u32 s0, $0xA;
	s2 =	sadd.s32 s3, s2  }
0x8d: {  	s2 =	sadd.s32 s2, s17  }
0x8e: {  	[smem:$0x3FC2] =	sst s2  }
0x8f: {  	_ = 	snop  }
0x90: {  	s2 =	sld [smem:$0x3FD0];
	(tm) =	ssettm $0x1  }
0x91: {  	s18 =	sld [smem:$0x3FFB];
	_ =	sdelay $0x3  }
0x92: {  	_ =	strace s18  }
0x93: {  	s3 =	sld [smem:$0x3FFC];
	_ =	sdelay $0x3  }
0x94: {  	_ =	strace s3  }
0x95: {  	s3 =	sld [smem:$0x3FFD];
	_ =	sdelay $0x3  }
0x96: {  	_ =	strace s3  }
0x97: {  	_ =	strace $0x8FFFFFFF  }
0x98: {  	s19 =	sld [smem:$0x3FDB];
	_ =	sdelay $0x1  }
0x99: {  	s4 =	simm.s32 $_scs_section_size  }
0x9a: {  	s5 =	simm.s32 $_size__tile_overlayer_lowered;
	s6 =	simm.s32 $_tile_overlayer_lowered  }
0x9b: {  	s22 =	simm.s32 $0x1BFF;
	s21 =	sshll.u32 s6, $0x1;
	s3 =	sadd.s32 s4, s19  }
0x9c: {  	s7 =	simm.s32 $0x0;
	s20 =	sshll.u32 s5, $0x1;
	s5 =	sadd.s32 s21, s3  }
0x9d: {  	[timem:s7], [sflag:s22] =	dma.local [hbm:s5], s20  }
0x9e: {  	_ =	swait.ge [sflag:s22], s20  }
0x9f: {  	s4 =	ssub.s32 $0x0, s20;
	[sflag:s22] =	ssyncset.done $0x0  }
0xa0: {  	[sflag:s22] =	ssyncadd.s32 s4;
	_ =	sdelay $0x1  }
0xa1: {  	s23 =	simm.s32 $0x1B8B  }
0xa2: {  	_ =	swait.ge [sflag:s23], $0x1  }
0xa3: {  	[sflag:s23] =	ssyncset.done $0x0  }
0xa4: {  	s25 =	simm.s32 $0x1B8E;
	s24 =	sld [smem:$0x3FFE];
	[sflag:s23] =	ssyncadd.s32 $0xFFFFFFFF  }
0xa5: {  	s26 =	simm.s32 $execute0_lowered;
	[smem:$0x3FD2] =	sst s25  }
0xa6: {  	s5 =	sshll.u32 s26, $0x1;
	_ =	strace $0x80000049;
	[dreg:$0x1] =	wrdreg $0xFFFFFFFF  }
0xa7: {  	s28 =	simm.s32 $_size_execute0_lowered;
	s3 =	sadd.s32 s3, s5;
	[dreg:$0x0] =	wrdreg $0x0  }
0xa8: {  	s5 =	sshll.u32 s28, $0x1;
	[dreg:$0x2] =	wrdreg s3  }
0xa9: {  	[dreg:$0x3] =	wrdreg s5  }
0xaa: {  	[dreg:$0x4] =	wrdreg $0xC0  }
0xab: {  	_ =	task [dreg:s7], $0x5FFFF  }
0xac: {  	[dreg:$0x1] =	wrdreg $0xFFFFFFFF  }
0xad: {  	[dreg:$0x0] =	wrdreg $0x60  }
0xae: {  	[dreg:$0x2] =	wrdreg s24  }
0xaf: {  	[dreg:$0x3] =	wrdreg s2  }
0xb0: {  	[dreg:$0x4] =	wrdreg $0x9  }
0xb1: {  	_ =	task.clear_ibuf [dreg:s7], $0x5FFFF;
	_ =	strace $0x90000049  }
0xb2: {  	s29 =	simm.s32 $0x9;
	_ =	strace $0x8000004B  }
0xb3: {  	_ =	swait.ge [sflag:s29], $0x1  }
0xb4: {  	[sflag:s29] =	ssyncadd.s32 $0xFFFFFFFF  }
0xb5: {  	_ =	strace $0x9000004B  }
0xb6: {  	_ =	sfence  }
0xb7: {  	s30 =	sld [smem:$0x0];
	_ =	sdelay $0x2  }
0xb8: {  	s31 =	sshll.u32 s1, $0xD;
	s1 =	sshrl.u32 s1, $0x2  }
0xb9: {  	s3 =	sand.u32 $0x4000, s31;
	s1 =	sadd.s32 s1, s30  }
0xba: {  	s0 =	sor.u32 s3, s0;
	s1 =	sshll.u32 s1, $0x11  }
0xbb: {  	s0 =	sor.u32 s1, s0  }
0xbc: {  	s0 =	sadd.s32 $0x8F2B, s0  }
0xbd: {  	[sflag:s0] =	ssyncadd.remote.s32 $0x1  }
0xbe: {  	_ =	sfence.sel $0xFFFF  }
0xbf: {  	[dreg:$0x0] =	wrdreg $0xFFFFFFFF;
	(pc) =	sbr.abs _section_cstart, $3  }
0xc0: {  	[dreg:$0x1] =	wrdreg $0xFFFFFFFF  }
0xc1: {  	_ =	task.clear_ibuf [dreg:s7], $0x2FFFF;
	_ =	strace $0x9FFFFFFF  }
0xc2: {  	(tm) =	ssettm $0x7FFFFFFF  }
0xc3: {  	_ =	shalt  }
tec
execute0_lowered:
.L_overlay_start_1:
0x0: {  	(tag) =	ssettag $0x1  }
0x1: {  	s0 =	srdreg.scid;
	s24 =	rddreg [dreg:$0x0]  }
0x2: {  	s3 =	simm.s32 $0x0;
	s28 =	simm.s32 $0x24C0;
	s29 =	simm.s32 $0x3100  }
0x3: {  	s30 =	simm.s32 $0x3D40;
	s31 =	simm.s32 $0x4980;
	[smem:$0x7FF] =	sst s3  }
0x4: {  	s2 =	stileid.u32;
	s13 =	sadd.s32 $0x319D78, s24;
	s14 =	sadd.s32 $0x322FF4, s24  }
0x5: {  	s0 =	sand.u32 $0x1, s0;
	s15 =	sadd.s32 $0x31CE4C, s24;
	s16 =	sadd.s32 $0x3260C8, s24  }
0x6: {  	s17 =	sadd.s32 $0x31FF20, s24;
	s19 =	sadd.s32 $0x316B78, s24;
	s1 =	sshll.u32 s0, $0x4  }
0x7: {  	s20 =	sadd.s32 $0x32C378, s24;
	s0 =	ssub.s32 $0x2, s0;
	s1 =	sor.u32 s2, s1  }
0x8: {  	s21 =	sadd.s32 $0x2F78, s24;
	s18 =	sshrl.u32 s0, $0x1;
	s4 =	smul.u32 $0xC40, s1  }
0x9: {  	_ =	strace $0x8000004A;
	s0 =	ssub.s32 s0, s18;
	s18 =	sadd.s32 $0x32919C, s24  }
0xa: {  	p0 =	seq.s32 s1, $0x1F;
	s1 =	simm.s32 $0x55C0;
	s4 =	sshrl.u32 s4, $0x3  }
0xb: {  	s22 =	smax.u32 s0, $0x1;
	s0 =	simm.s32 $0x6200;
	s4 =	sadd.s32 s24, s4  }
0xc: {  	s2 =	simm.s32 $0x0;
	s5 =	sadd.s32 $0x316E00, s4;
	s25 =	sadd.s32 $0x32007C, s4  }
0xd: {  	s24 =	simm.s32 $0x1;
	s26 =	sadd.s32 $0x319ED4, s4;
	s8 =	sadd.s32 $0x323150, s4  }
0xe: {  	s9 =	sadd.s32 $0x31CFA8, s4;
	s10 =	sadd.s32 $0x326224, s4;
	[dreg:$0x3] =	wrdreg s5  }
0xf: {  	s11 =	sadd.s32 $0x313C00, s4;
	s12 =	sadd.s32 $0x329400, s4;
	[dreg:$0x4] =	wrdreg s25  }
0x10: {  	v0 =	vlaneseq.u32;
	[dreg:$0x5] =	wrdreg s26;
	s25 =	simm.s32 $0xC40;
	s26 =	simm.s32 $0x1880  }
.LBB2_1:
0x11: {  	s5 =	rddreg [dreg:$0x1];
	s6 =	simm.s32 $0x6E40  }
0x12: {  	[tilespmem:s6], [sflag:$0x1] =	stream.linear.gather [hbm4b:s5+s3], $0x10, $0x38;
	[tilespmem:$0x6E50] =	vst v63  }
0x13: {  	_ =	swait.ge [sflag:s24], $0x10  }
0x14: {  	[sflag:s24] =	ssyncset.done $0x0  }
0x15: {  	s23 =	simm.s32 @p0 $0x0;
	s5 =	simm.s32 @p0 $0x1;
	[sflag:s24] =	ssyncadd.s32 $0xFFFFFFF0  }
0x16: {  	[tilespmem:s23], [sflag:$0x1] =	stream.linear.gather @p0 [hbm4b:s13+s23], $0xAE0, $0x38;
	[tilespmem:$0x6E50] =	vst v63  }
0x17: {  	_ =	swait.ge @p0 [sflag:s5], $0xAE0  }
0x18: {  	[sflag:s5] =	ssyncset.done @p0 $0x0  }
0x19: {  	s6 =	simm.s32 @p0 $0xC40;
	[sflag:s5] =	ssyncadd.s32 @p0 $0xFFFFF520  }
0x1a: {  	[tilespmem:s6], [sflag:$0x1] =	stream.linear.gather @p0 [hbm4b:s14+s23], $0xAE0, $0x38;
	[tilespmem:$0x6E50] =	vst v63  }
0x1b: {  	_ =	swait.ge @p0 [sflag:s5], $0xAE0  }
0x1c: {  	[sflag:s5] =	ssyncset.done @p0 $0x0  }
0x1d: {  	s6 =	simm.s32 @p0 $0x1880;
	[sflag:s5] =	ssyncadd.s32 @p0 $0xFFFFF520  }
0x1e: {  	[tilespmem:s6], [sflag:$0x1] =	stream.linear.gather @p0 [hbm4b:s15+s23], $0xAE0, $0x38;
	[tilespmem:$0x6E50] =	vst v63  }
0x1f: {  	_ =	swait.ge @p0 [sflag:s5], $0xAE0  }
0x20: {  	[sflag:s5] =	ssyncset.done @p0 $0x0  }
0x21: {  	s6 =	simm.s32 @p0 $0x24C0;
	[sflag:s5] =	ssyncadd.s32 @p0 $0xFFFFF520  }
0x22: {  	[tilespmem:s6], [sflag:$0x1] =	stream.linear.gather @p0 [hbm4b:s16+s23], $0xAE0, $0x38;
	[tilespmem:$0x6E50] =	vst v63  }
0x23: {  	_ =	swait.ge @p0 [sflag:s5], $0xAE0  }
0x24: {  	[sflag:s5] =	ssyncset.done @p0 $0x0  }
0x25: {  	s6 =	simm.s32 @p0 $0x3100;
	[sflag:s5] =	ssyncadd.s32 @p0 $0xFFFFF520  }
0x26: {  	[tilespmem:s6], [sflag:$0x1] =	stream.linear.gather @p0 [hbm4b:s17+s23], $0xAE0, $0x38;
	[tilespmem:$0x6E50] =	vst v63  }
0x27: {  	_ =	swait.ge @p0 [sflag:s5], $0xAE0  }
0x28: {  	[sflag:s5] =	ssyncset.done @p0 $0x0  }
0x29: {  	s6 =	simm.s32 @p0 $0x3D40;
	[sflag:s5] =	ssyncadd.s32 @p0 $0xFFFFF520  }
0x2a: {  	[tilespmem:s6], [sflag:$0x1] =	stream.linear.gather @p0 [hbm4b:s18+s23], $0xAE0, $0x38;
	[tilespmem:$0x6E50] =	vst v63  }
0x2b: {  	_ =	swait.ge @p0 [sflag:s5], $0xAE0  }
0x2c: {  	[sflag:s5] =	ssyncset.done @p0 $0x0  }
0x2d: {  	s6 =	simm.s32 @p0 $0x4980;
	[sflag:s5] =	ssyncadd.s32 @p0 $0xFFFFF520  }
0x2e: {  	[tilespmem:s6], [sflag:$0x1] =	stream.linear.gather @p0 [hbm4b:s19+s23], $0xAE0, $0x38;
	[tilespmem:$0x6E50] =	vst v63  }
0x2f: {  	_ =	swait.ge @p0 [sflag:s5], $0xAE0  }
0x30: {  	[sflag:s5] =	ssyncset.done @p0 $0x0  }
0x31: {  	s6 =	simm.s32 @p0 $0x55C0;
	[sflag:s5] =	ssyncadd.s32 @p0 $0xFFFFF520  }
0x32: {  	[tilespmem:s6], [sflag:$0x1] =	stream.linear.gather @p0 [hbm4b:s20+s23], $0xAE0, $0x38;
	[tilespmem:$0x6E50] =	vst v63  }
0x33: {  	_ =	swait.ge @p0 [sflag:s5], $0xAE0  }
0x34: {  	[sflag:s5] =	ssyncset.done @p0 $0x0  }
0x35: {  	s6 =	rddreg [dreg:$0x3];
	[sflag:s5] =	ssyncadd.s32 @p0 $0xFFFFF520;
	s5 =	simm.s32 @!p0 $0x0  }
0x36: {  	[tilespmem:s5], [sflag:$0x1] =	stream.linear.gather @!p0 [hbm4b:s6+s5], $0xC40, $0x38;
	[tilespmem:$0x6E50] =	vst v63  }
0x37: {  	s6 =	simm.s32 @!p0 $0x1  }
0x38: {  	_ =	swait.ge @!p0 [sflag:s6], $0xC40  }
0x39: {  	[sflag:s6] =	ssyncset.done @!p0 $0x0  }
0x3a: {  	s23 =	simm.s32 @!p0 $0xC40;
	s7 =	rddreg [dreg:$0x4];
	[sflag:s6] =	ssyncadd.s32 @!p0 $0xFFFFF3C0  }
0x3b: {  	[tilespmem:s23], [sflag:$0x1] =	stream.linear.gather @!p0 [hbm4b:s7+s5], $0xC40, $0x38;
	[tilespmem:$0x6E50] =	vst v63  }
0x3c: {  	_ =	swait.ge @!p0 [sflag:s6], $0xC40  }
0x3d: {  	[sflag:s6] =	ssyncset.done @!p0 $0x0  }
0x3e: {  	s23 =	simm.s32 @!p0 $0x1880;
	s7 =	rddreg [dreg:$0x5];
	[sflag:s6] =	ssyncadd.s32 @!p0 $0xFFFFF3C0  }
0x3f: {  	[tilespmem:s23], [sflag:$0x1] =	stream.linear.gather @!p0 [hbm4b:s7+s5], $0xC40, $0x38;
	[tilespmem:$0x6E50] =	vst v63  }
0x40: {  	_ =	swait.ge @!p0 [sflag:s6], $0xC40  }
0x41: {  	[sflag:s6] =	ssyncset.done @!p0 $0x0  }
0x42: {  	s23 =	simm.s32 @!p0 $0x24C0;
	[sflag:s6] =	ssyncadd.s32 @!p0 $0xFFFFF3C0  }
0x43: {  	[tilespmem:s23], [sflag:$0x1] =	stream.linear.gather @!p0 [hbm4b:s8+s5], $0xC40, $0x38;
	[tilespmem:$0x6E50] =	vst v63  }
0x44: {  	_ =	swait.ge @!p0 [sflag:s6], $0xC40  }
0x45: {  	[sflag:s6] =	ssyncset.done @!p0 $0x0  }
0x46: {  	s23 =	simm.s32 @!p0 $0x3100;
	[sflag:s6] =	ssyncadd.s32 @!p0 $0xFFFFF3C0  }
0x47: {  	[tilespmem:s23], [sflag:$0x1] =	stream.linear.gather @!p0 [hbm4b:s9+s5], $0xC40, $0x38;
	[tilespmem:$0x6E50] =	vst v63  }
0x48: {  	_ =	swait.ge @!p0 [sflag:s6], $0xC40  }
0x49: {  	[sflag:s6] =	ssyncset.done @!p0 $0x0  }
0x4a: {  	s23 =	simm.s32 @!p0 $0x3D40;
	[sflag:s6] =	ssyncadd.s32 @!p0 $0xFFFFF3C0  }
0x4b: {  	[tilespmem:s23], [sflag:$0x1] =	stream.linear.gather @!p0 [hbm4b:s10+s5], $0xC40, $0x38;
	[tilespmem:$0x6E50] =	vst v63  }
0x4c: {  	_ =	swait.ge @!p0 [sflag:s6], $0xC40  }
0x4d: {  	[sflag:s6] =	ssyncset.done @!p0 $0x0  }
0x4e: {  	s23 =	simm.s32 @!p0 $0x4980;
	[sflag:s6] =	ssyncadd.s32 @!p0 $0xFFFFF3C0  }
0x4f: {  	[tilespmem:s23], [sflag:$0x1] =	stream.linear.gather @!p0 [hbm4b:s11+s5], $0xC40, $0x38;
	[tilespmem:$0x6E50] =	vst v63  }
0x50: {  	_ =	swait.ge @!p0 [sflag:s6], $0xC40  }
0x51: {  	[sflag:s6] =	ssyncset.done @!p0 $0x0  }
0x52: {  	v2 =	vor.u32 s3, v0;
	s23 =	simm.s32 @!p0 $0x55C0;
	[sflag:s6] =	ssyncadd.s32 @!p0 $0xFFFFF3C0  }
0x53: {  	[tilespmem:s23], [sflag:$0x1] =	stream.linear.gather @!p0 [hbm4b:s12+s5], $0xC40, $0x38;
	[tilespmem:$0x6E50] =	vst v63  }
0x54: {  	_ =	swait.ge @!p0 [sflag:s6], $0xC40  }
0x55: {  	[sflag:s6] =	ssyncset.done @!p0 $0x0  }
0x56: {  	[sflag:s6] =	ssyncadd.s32 @!p0 $0xFFFFF3C0  }
0x57: {  	v1 =	vld.idx.msk [tilespmem:v2+s30+$0x0], $0xffff  }
0x58: {  	v3 =	vld.idx.msk [tilespmem:v2+s29+$0x0], $0xffff;
	_ =	sdelay $0x4  }
0x59: {  	v1 =	vadd.f32 v1, v3;
	_ =	sdelay $0x1  }
0x5a: {  	v3 =	vmul.f32 $2.441406250e-04, v1;
	_ =	sdelay $0x1  }
0x5b: {  	v3 =	vtrunc.f32 v3  }
0x5c: {  	v3 =	vcvt.f32.s32 v3;
	_ =	sdelay $0x1  }
0x5d: {  	v4 =	vld [tilespmem:$0x6E40];
	v3 =	vcvt.s32.f32 v3;
	_ =	sdelay $0x1  }
0x5e: {  	v5 =	vmul.f32 $-4.096000000e+03, v3;
	_ =	sdelay $0x1  }
0x5f: {  	v1 =	vadd.f32 v5, v1  }
0x60: {  	(erf) = vrcp.f32 v4;
	v3 =	vmax.f32 v3, $1.000000000e+00  }
0x61: {  	(erf) = vrcp.f32 v3;
	v1 =	vmax.f32 v1, $1.000000000e+00  }
0x62: {  	v6 =	vld.idx.msk [tilespmem:v2+s28+$0x0], $0xffff;
	(erf) = vrcp.f32 v1  }
0x63: {  	v4 =	vld.idx.msk [tilespmem:v2+s3+$0x0], $0xffff  }
0x64: {  	v3 =	vld.idx.msk [tilespmem:v2+s25+$0x0], $0xffff  }
0x65: {  	v5 =	vld.idx.msk [tilespmem:v2+s26+$0x0], $0xffff  }
0x66: {  	v7 =	vld.idx.msk [tilespmem:v2+s31+$0x0], $0xffff  }
0x67: {  	v8 =	vld.idx.msk [tilespmem:v2+s1+$0x0], $0xffff;
	_ =	sdelay $0x1  }
0x68: {  	v1 =	vpop (erf)  }
0x69: {  	v3 =	vadd.f32 v3, v4;
	v4 =	vadd.f32 v6, v5;
	v5 =	vpop (erf)  }
0x6a: {  	v6 =	vpop (erf)  }
0x6b: {  	v4 =	vmul.f32 v5, v4;
	v5 =	vsub.f32 v7, v8;
	v6 =	vmul.f32 v6, v3;
	_ =	sdelay $0x1  }
0x6c: {  	s23 =	simm.s32 $0x10;
	v5 =	vmul.f32 v5, v1;
	v4 =	vadd.f32 v6, v4  }
0x6d: {  	v3 =	vor.u32 s23, v0;
	s23 =	simm.s32 $0x20  }
.LBB2_2:
0x6e: {  	p1 =	sne.s32 s23, $0xC30;
	v4 =	vadd.f32 v4, v5;
	_ =	sdelay $0x1  }
0x6f: {  	[tilespmem:v2+s0+$0x0] =	vst.idx.msk $0xffff, v4;
	v2 =	vmov v3  }
0x70: {  	v4 =	vld.idx.msk [tilespmem:v3+s30+$0x0], $0xffff  }
0x71: {  	v3 =	vld.idx.msk [tilespmem:v3+s29+$0x0], $0xffff;
	_ =	sdelay $0x5  }
0x72: {  	v3 =	vadd.f32 v4, v3;
	_ =	sdelay $0x1  }
0x73: {  	v4 =	vmul.f32 $2.441406250e-04, v3;
	_ =	sdelay $0x1  }
0x74: {  	v4 =	vtrunc.f32 v4  }
0x75: {  	v4 =	vcvt.f32.s32 v4;
	_ =	sdelay $0x1  }
0x76: {  	v4 =	vcvt.s32.f32 v4;
	_ =	sdelay $0x1  }
0x77: {  	v5 =	vmul.f32 $-4.096000000e+03, v4;
	_ =	sdelay $0x1  }
0x78: {  	v3 =	vadd.f32 v5, v3  }
0x79: {  	v4 =	vmax.f32 v4, $1.000000000e+00  }
0x7a: {  	v3 =	vmax.f32 v3, $1.000000000e+00;
	v5 =	vld.idx.msk [tilespmem:v2+s25+$0x0], $0xffff;
	(erf) = vrcp.f32 v4  }
0x7b: {  	v4 =	vld.idx.msk [tilespmem:v2+s3+$0x0], $0xffff;
	(erf) = vrcp.f32 v3  }
0x7c: {  	v3 =	vld.idx.msk [tilespmem:v2+s26+$0x0], $0xffff  }
0x7d: {  	v6 =	vld.idx.msk [tilespmem:v2+s28+$0x0], $0xffff  }
0x7e: {  	v7 =	vld.idx.msk [tilespmem:v2+s31+$0x0], $0xffff  }
0x7f: {  	v8 =	vld.idx.msk [tilespmem:v2+s1+$0x0], $0xffff;
	_ =	sdelay $0x3  }
0x80: {  	v4 =	vadd.f32 v5, v4;
	v3 =	vadd.f32 v6, v3;
	v5 =	vpop (erf)  }
.Ltmp0:
0x81: {  	v6 =	vpop (erf);
	(pc) =	sbr.rel @p1 .LBB2_2-.Ltmp0, $3  }
0x82: {  	v5 =	vmul.f32 v5, v3;
	v4 =	vmul.f32 v6, v4;
	v6 =	vsub.f32 v7, v8;
	_ =	sdelay $0x1  }
0x83: {  	v3 =	vor.u32 s23, v0;
	v4 =	vadd.f32 v4, v5;
	v5 =	vmul.f32 v6, v1  }
0x84: {  	s23 =	sadd.s32 $0x10, s23  }
0x85: {  	_ =	sdelay $0x1  }
0x86: {  	v4 =	vadd.f32 v4, v5;
	_ =	sdelay $0x1  }
0x87: {  	[tilespmem:v2+s0+$0x0] =	vst.idx.msk $0xffff, v4  }
0x88: {  	v2 =	vld.idx.msk [tilespmem:v3+s30+$0x0], $0xffff  }
0x89: {  	v4 =	vld.idx.msk [tilespmem:v3+s29+$0x0], $0xffff;
	_ =	sdelay $0x4  }
0x8a: {  	v2 =	vadd.f32 v2, v4;
	_ =	sdelay $0x1  }
0x8b: {  	v4 =	vmul.f32 $2.441406250e-04, v2;
	_ =	sdelay $0x1  }
0x8c: {  	v4 =	vtrunc.f32 v4  }
0x8d: {  	v4 =	vcvt.f32.s32 v4;
	_ =	sdelay $0x1  }
0x8e: {  	v4 =	vcvt.s32.f32 v4;
	_ =	sdelay $0x1  }
0x8f: {  	v57 =	vmul.f32 $-4.096000000e+03, v4;
	_ =	sdelay $0x1  }
0x90: {  	v2 =	vadd.f32 v57, v2  }
0x91: {  	v4 =	vmax.f32 v4, $1.000000000e+00  }
0x92: {  	(erf) = vrcp.f32 v4;
	v2 =	vmax.f32 v2, $1.000000000e+00  }
0x93: {  	v58 =	vld.idx.msk [tilespmem:v3+s25+$0x0], $0xffff;
	(erf) = vrcp.f32 v2  }
0x94: {  	v59 =	vld.idx.msk [tilespmem:v3+s26+$0x0], $0xffff  }
0x95: {  	v6 =	vld.idx.msk [tilespmem:v3+s28+$0x0], $0xffff  }
0x96: {  	v2 =	vld.idx.msk [tilespmem:v3+s3+$0x0], $0xffff  }
0x97: {  	v7 =	vld.idx.msk [tilespmem:v3+s31+$0x0], $0xffff  }
0x98: {  	v8 =	vld.idx.msk [tilespmem:v3+s1+$0x0], $0xffff;
	_ =	sdelay $0x2  }
0x99: {  	v60 =	vadd.f32 v6, v59;
	v2 =	vadd.f32 v58, v2;
	v61 =	vpop (erf)  }
0x9a: {  	v62 =	vpop (erf)  }
0x9b: {  	v63 =	vsub.f32 v7, v8;
	v4 =	vmul.f32 v61, v60;
	v2 =	vmul.f32 v62, v2;
	_ =	sdelay $0x1  }
0x9c: {  	v1 =	vmul.f32 v63, v1;
	v2 =	vadd.f32 v2, v4;
	_ =	sdelay $0x1  }
0x9d: {  	v1 =	vadd.f32 v2, v1;
	_ =	sdelay $0x1  }
0x9e: {  	s5 =	simm.s32 @p0 $0x0;
	s6 =	simm.s32 @p0 $0x6200;
	[tilespmem:v3+s0+$0x0] =	vst.idx.msk $0xffff, v1  }
0x9f: {  	[hbm4b:s21+s5] =	stream.linear.scatter @p0 [tilespmem:s6], [sflag:$0x1], $0xAE0, $0x38;
	[tilespmem:$0x6E50] =	vst v63  }
0xa0: {  	s5 =	simm.s32 @p0 $0x1  }
0xa1: {  	s2 =	sadd.s32 $0x1, s2;
	_ =	swait.ge @p0 [sflag:s5], $0xAE0  }
0xa2: {  	p1 =	sne.s32 s2, s22;
	[sflag:s5] =	ssyncset.done @p0 $0x0  }
0xa3: {  	s6 =	simm.s32 @!p0 $0x6200;
	[sflag:s5] =	ssyncadd.s32 @p0 $0xFFFFF520;
	s5 =	simm.s32 @!p0 $0x0  }
0xa4: {  	[hbm4b:s4+s5] =	stream.linear.scatter @!p0 [tilespmem:s6], [sflag:$0x1], $0xC40, $0x38;
	[tilespmem:$0x6E50] =	vst v63  }
.Ltmp1:
0xa5: {  	_ = 	snop;
	(pc) =	sbr.rel @p1 .LBB2_1-.Ltmp1, $4  }
0xa6: {  	s5 =	simm.s32 @!p0 $0x1  }
0xa7: {  	_ =	swait.ge @!p0 [sflag:s5], $0xC40  }
0xa8: {  	[sflag:s5] =	ssyncset.done @!p0 $0x0  }
0xa9: {  	[sflag:s5] =	ssyncadd.s32 @!p0 $0xFFFFF3C0  }
0xaa: {  	_ =	sfence.sel $0x180000  }
0xab: {  	[bflag:$0x0] =	sbarrier.arrive $0xFFFF  }
0xac: {  	_ =	strace $0x9000004A  }
0xad: {  	s0 =	stileid.u32;
	[bflag:$0x2] =	sbarrier.arrive $0xFFFF  }
0xae: {  	p0 =	sne.s32 s0, $0x0;
	s0 =	rddreg [dreg:$0x2]  }
0xaf: {  	s0 =	sadd.s32 @!p0 $0x100000, s0  }
0xb0: {  	[sflag:s0] =	ssyncadd.tile.s32 @!p0 $0x1;
	_ =	shalt  }
.Lfunc_end2:
_tile_overlayer_lowered:
.L_overlay_start_2:
0xb1: {  	(tag) =	ssettag $0x2  }
0xb2: {  	s0 =	rddreg [dreg:$0x0];
	s2 =	stileid.u32  }
0xb3: {  	s1 =	rddreg [dreg:$0x1];
	p0 =	sne.s32 s2, $0x0  }
0xb4: {  	s3 =	rddreg [dreg:$0x2];
	[bflag:$0x3] =	sbarrier.arrive $0xFFFF;
	s2 =	simm.s32 @!p0 $0x1C01  }
0xb5: {  	[timem:s3], [sflag:s2] =	dma.local @!p0 [hbm:s0], s1  }
0xb6: {  	s0 =	simm.s32 @!p0 $0x1  }
0xb7: {  	_ =	swait.ge @!p0 [sflag:s0], s1  }
0xb8: {  	s1 =	ssub.s32 @!p0 $0x0, s1;
	[sflag:s0] =	ssyncset.done @!p0 $0x0  }
0xb9: {  	[sflag:s0] =	ssyncadd.s32 @!p0 s1  }
0xba: {  	[bflag:$0x3] =	sbarrier.arrive $0xFFFF  }
0xbb: {  	_ =	shalt  }

</sc_bundles>
